<compile_context>
chip_gen: v7x
topology: tpu7x:2x2x1
jax: 0.10.2.dev20260603
libtpu: 0.0.44.dev20260713+nightly
codegen_flags: <defaults>
</compile_context>

<pallas_src>
import jax
import jax.numpy as jnp
from jax import lax
from jax.experimental import pallas as pl
from jax.experimental.pallas import tpu as pltpu
from jax.experimental.pallas import tpu_sc as plsc

T = 8
COMPANIES = 100000
POSITIONS = 100000
D = 64
B = 16384

NC = 2
NS = 16
NW = NC * NS
NJ = 782
JPW = 25
CAP = 2048
HROWS = 256
RING = 64
INFLIGHT = 24


def _splat(s):
    return lax.broadcast_in_dim(jnp.int32(s) if isinstance(s, int) else s,
                                (16,), ())


def _iota():
    return lax.iota(jnp.int32, 16)


def _sc_body(c_hbm, p_hbm, te_hbm, com_hbm, pos_hbm,
             out_com_hbm, out_pos_hbm,
             c_v, p_v, te_v, tjc_v, blc_v, tjp_v, blp_v,
             slab0_v, slab1_v, stage_c_v, stage_p_v,
             sem_in, sem_s0, sem_s1, sem_oc, sem_op):
    wid = lax.axis_index("s") * NC + lax.axis_index("c")
    wid_s = _splat(wid)

    pltpu.make_async_copy(
        com_hbm.at[pl.ds(0, HROWS), pl.ds(wid * 128, 128)],
        slab0_v, sem_s0).start()
    pltpu.make_async_copy(
        com_hbm.at[pl.ds(HROWS, HROWS), pl.ds(wid * 128, 128)],
        slab1_v, sem_s1).start()

    cp_c = pltpu.make_async_copy(c_hbm, c_v, sem_in)
    cp_p = pltpu.make_async_copy(p_hbm, p_v, sem_in)
    cp_t = pltpu.make_async_copy(te_hbm, te_v, sem_in)
    cp_c.start(); cp_p.start(); cp_t.start()
    cp_c.wait(); cp_p.wait(); cp_t.wait()

    def pbody(i, carry):
        cc_v, cp_v2 = carry
        sl = pl.ds(i * 16, 16)
        cv = c_v[sl]
        pv = p_v[sl]
        tev = te_v[sl]
        bv = _splat(i * 16) + _iota()

        jc = lax.shift_right_logical(cv, 7)
        mc = (jc & 31) == wid_s
        rank = plsc.cumsum(mc.astype(jnp.int32)) - 1
        dst = cc_v + rank
        plsc.store_scatter(tjc_v, [dst], jc * 8 + tev, mask=mc)
        plsc.store_scatter(blc_v, [dst], bv * 128 + (cv & 127), mask=mc)
        cc_v = cc_v + plsc.all_reduce_population_count(mc)

        jp = lax.shift_right_logical(pv, 7)
        mp = (jp & 31) == wid_s
        rankp = plsc.cumsum(mp.astype(jnp.int32)) - 1
        dstp = cp_v2 + rankp
        plsc.store_scatter(tjp_v, [dstp], jp * 8 + tev, mask=mp)
        plsc.store_scatter(blp_v, [dstp], bv * 128 + (pv & 127), mask=mp)
        cp_v2 = cp_v2 + plsc.all_reduce_population_count(mp)
        return (cc_v, cp_v2)

    zeros = _splat(0)
    cc_v, cp_v2 = lax.fori_loop(0, B // 16, pbody, (zeros, zeros))
    cnt_c = jnp.max(cc_v)
    cnt_p = jnp.max(cp_v2)

    def slab_wait(sem, slot_ref):
        pltpu.make_async_copy(
            com_hbm.at[pl.ds(0, HROWS), pl.ds(0, 128)], slot_ref, sem).wait()

    def slab_fetch(tbl_hbm, h, j, slot_ref, sem):
        pltpu.make_async_copy(
            tbl_hbm.at[pl.ds(h * HROWS, HROWS), pl.ds(j * 128, 128)],
            slot_ref, sem).start()

    def scan(slot_ref, tj_list, bl_list, cnt, j2h, out_ref, sem_out, oc,
             stage_v):
        cnt_s = _splat(cnt)
        j2h_s = _splat(j2h)
        nk = lax.shift_right_logical(cnt + 15, 4)

        def kbody(k, oc_):
            sl = pl.ds(k * 16, 16)
            tjv = tj_list[sl]
            blv = bl_list[sl]
            lane_ok = (_splat(k * 16) + _iota()) < cnt_s
            m = (lax.shift_right_logical(tjv, 2) == j2h_s) & lane_ok

            def wcond(carry):
                m_, _ = carry
                return jnp.max(m_.astype(jnp.int32)) > 0

            def wbody(carry):
                m_, o_ = carry
                ffs = plsc.all_reduce_ffs(m_)
                sel = _iota() == ffs
                bl_s = jnp.max(jnp.where(sel, blv, 0))
                tj_s = jnp.max(jnp.where(sel, tjv, 0))
                b = lax.shift_right_logical(bl_s, 7)
                l = bl_s & 127
                te_loc = tj_s & 3
                slot = o_ & (RING - 1)
                for kk in range(4):
                    rvec = _splat(te_loc * 64 + kk * 16) + _iota()
                    vals = plsc.load_gather(slot_ref, [rvec, _splat(l)])
                    stage_v[pl.ds(slot * 64 + kk * 16, 16)] = vals

                @pl.when((o_ >= 32) & ((o_ & 31) == 0))
                def _():
                    def dx(i, _x):
                        pltpu.make_async_copy(
                            stage_v.at[pl.ds(0, 64)],
                            out_ref.at[pl.ds(0, 64)], sem_out).wait()
                        return 0
                    lax.fori_loop(0, 32, dx, 0)

                pltpu.make_async_copy(
                    stage_v.at[pl.ds(slot * 64, 64)],
                    out_ref.at[pl.ds(b * 64, 64)], sem_out).start()
                return (m_ & (~sel), o_ + 1)

            _, oc_ = lax.while_loop(wcond, wbody, (m, oc_))
            return oc_

        return lax.fori_loop(0, nk, kbody, oc)

    def jbody(jj, carry):
        oc_c, oc_p = carry
        j = wid + jj * 32
        jn = j + 32
        valid = j < NJ
        validn = jn < NJ

        @pl.when(valid)
        def _():
            slab_wait(sem_s0, slab0_v)
        oc_c = scan(slab0_v, tjc_v, blc_v, cnt_c, j * 2 + 0,
                    out_com_hbm, sem_oc, oc_c, stage_c_v)
        @pl.when(valid)
        def _():
            slab_fetch(pos_hbm, 0, j, slab0_v, sem_s0)

        @pl.when(valid)
        def _():
            slab_wait(sem_s1, slab1_v)
        oc_c = scan(slab1_v, tjc_v, blc_v, cnt_c, j * 2 + 1,
                    out_com_hbm, sem_oc, oc_c, stage_c_v)
        @pl.when(valid)
        def _():
            slab_fetch(pos_hbm, 1, j, slab1_v, sem_s1)

        @pl.when(valid)
        def _():
            slab_wait(sem_s0, slab0_v)
        oc_p = scan(slab0_v, tjp_v, blp_v, cnt_p, j * 2 + 0,
                    out_pos_hbm, sem_op, oc_p, stage_p_v)
        @pl.when(validn)
        def _():
            slab_fetch(com_hbm, 0, jn, slab0_v, sem_s0)

        @pl.when(valid)
        def _():
            slab_wait(sem_s1, slab1_v)
        oc_p = scan(slab1_v, tjp_v, blp_v, cnt_p, j * 2 + 1,
                    out_pos_hbm, sem_op, oc_p, stage_p_v)
        @pl.when(validn)
        def _():
            slab_fetch(com_hbm, 1, jn, slab1_v, sem_s1)

        return (oc_c, oc_p)

    oc_c, oc_p = lax.fori_loop(0, JPW, jbody,
                               (jnp.int32(0), jnp.int32(0)))

    def drain(n, out_ref, sem, stage_v):
        def db(i, _):
            pltpu.make_async_copy(
                stage_v.at[pl.ds(0, 64)],
                out_ref.at[pl.ds(0, 64)], sem).wait()
            return 0
        lax.fori_loop(0, n, db, 0)

    nf_c = oc_c - 32 * lax.shift_right_logical(jnp.maximum(oc_c, 1) - 1, 5)
    nf_p = oc_p - 32 * lax.shift_right_logical(jnp.maximum(oc_p, 1) - 1, 5)
    drain(nf_c, out_com_hbm, sem_oc, stage_c_v)
    drain(nf_p, out_pos_hbm, sem_op, stage_p_v)


@jax.jit
def _sc_gather(c, p, t_e, com2d, pos2d):
    mesh = plsc.VectorSubcoreMesh(core_axis_name="c", subcore_axis_name="s",
                                  num_cores=NC, num_subcores=NS)
    return pl.kernel(
        _sc_body,
        out_type=(jax.ShapeDtypeStruct((B * D,), jnp.float32),
                  jax.ShapeDtypeStruct((B * D,), jnp.float32)),
        mesh=mesh,
        compiler_params=pltpu.CompilerParams(use_tc_tiling_on_sc=True,
                                             disable_bounds_checks=True,
                                             needs_layout_passes=False),
        scratch_types=[
            pltpu.VMEM((B,), jnp.int32),
            pltpu.VMEM((B,), jnp.int32),
            pltpu.VMEM((B,), jnp.int32),
            pltpu.VMEM((CAP,), jnp.int32),
            pltpu.VMEM((CAP,), jnp.int32),
            pltpu.VMEM((CAP,), jnp.int32),
            pltpu.VMEM((CAP,), jnp.int32),
            pltpu.VMEM((HROWS, 128), jnp.float32),
            pltpu.VMEM((HROWS, 128), jnp.float32),
            pltpu.VMEM((RING * D,), jnp.float32),
            pltpu.VMEM((RING * D,), jnp.float32),
            pltpu.SemaphoreType.DMA,
            pltpu.SemaphoreType.DMA,
            pltpu.SemaphoreType.DMA,
            pltpu.SemaphoreType.DMA,
            pltpu.SemaphoreType.DMA,
        ],
    )(c, p, t_e, com2d, pos2d)


def kernel(c, p, t_s, t_e, com_embs, pos_embs):
    del t_s
    com2d = com_embs.transpose(0, 2, 1).reshape(T * D, COMPANIES)
    pos2d = pos_embs.transpose(0, 2, 1).reshape(T * D, POSITIONS)
    out_com, out_pos = _sc_gather(c, p, t_e, com2d, pos2d)
    return (out_com.reshape(B, D), out_pos.reshape(B, D))

# --- scband reference (transcript-rebuilt; emitter-appended) ---
"""Pipeline reference for scband-dy-com-pos-hgnn-73976516706652 (READ-ONLY COPY).

The authoritative reference and input builder live on the scoring server;
editing this copy changes nothing except your own understanding.
"""

import jax, jax.numpy as jnp
import numpy as np

T = 8
COMPANIES = 100000
POSITIONS = 100000
D = 64
B = 16384


def setup_inputs(seed: int = 0) -> dict:
    key = jax.random.key(seed)
    k1, k2, k3, k4, k5, k6 = jax.random.split(key, 6)
    # Learned state: the stacked per-timestep embedding tables that DyComPosHGNN
    # precomputes in __init__ (self.com_embs / self.pos_embs, shape [T, N, D]).
    com_embs = jax.random.normal(k1, (T, COMPANIES, D), dtype=jnp.float32) * 0.02
    pos_embs = jax.random.normal(k2, (T, POSITIONS, D), dtype=jnp.float32) * 0.02
    c = jax.random.randint(k3, (B,), 0, COMPANIES, dtype=jnp.int32)
    p = jax.random.randint(k4, (B,), 0, POSITIONS, dtype=jnp.int32)
    t_s = jax.random.randint(k5, (B,), 0, T, dtype=jnp.int32)
    t_e = jax.random.randint(k6, (B,), 0, T, dtype=jnp.int32)
    return {"c": c, "p": p, "t_s": t_s, "t_e": t_e, "com_embs": com_embs, "pos_embs": pos_embs}


def reference(c, p, t_s, t_e, com_embs, pos_embs):
    # Original loop: for ci, pi, ts, te in zip(c, p, t_s, t_e):
    #   com_embs_out.append(self.com_embs[te][ci]); pos_embs_out.append(self.pos_embs[te][pi])
    # Vectorized as a fused double-gather (time index, then row index).
    out_com = com_embs[t_e, c]  # [B, D]
    out_pos = pos_embs[t_e, p]  # [B, D]
    return (out_com, out_pos)

if __name__ == "__main__":
    import jax
    _d = setup_inputs()
    print(jax.jit(kernel)(*tuple(_d.values())))

</pallas_src>

<mosaic_0001>
#map = affine_map<(d0, d1) -> (0)>
#map1 = affine_map<(d0, d1) -> (0, 0)>
module attributes {stable_mosaic.version = 14 : i64} {
  func.func @_sc_body(%arg0: i32, %arg1: i32, %arg2: memref<16384xi32, #tpu.memory_space<hbm>>, %arg3: memref<16384xi32, #tpu.memory_space<hbm>>, %arg4: memref<16384xi32, #tpu.memory_space<hbm>>, %arg5: memref<512x100000xf32, #tpu.memory_space<hbm>>, %arg6: memref<512x100000xf32, #tpu.memory_space<hbm>>, %arg7: memref<1048576xf32, #tpu.memory_space<hbm>>, %arg8: memref<1048576xf32, #tpu.memory_space<hbm>>, %arg9: memref<16384xi32, #tpu.memory_space<vmem>>, %arg10: memref<16384xi32, #tpu.memory_space<vmem>>, %arg11: memref<16384xi32, #tpu.memory_space<vmem>>, %arg12: memref<2048xi32, #tpu.memory_space<vmem>>, %arg13: memref<2048xi32, #tpu.memory_space<vmem>>, %arg14: memref<2048xi32, #tpu.memory_space<vmem>>, %arg15: memref<2048xi32, #tpu.memory_space<vmem>>, %arg16: memref<256x128xf32, #tpu.memory_space<vmem>>, %arg17: memref<256x128xf32, #tpu.memory_space<vmem>>, %arg18: memref<4096xf32, #tpu.memory_space<vmem>>, %arg19: memref<4096xf32, #tpu.memory_space<vmem>>, %arg20: memref<!tpu.dma_semaphore, #tpu.memory_space<semaphore_mem>>, %arg21: memref<!tpu.dma_semaphore, #tpu.memory_space<semaphore_mem>>, %arg22: memref<!tpu.dma_semaphore, #tpu.memory_space<semaphore_mem>>, %arg23: memref<!tpu.dma_semaphore, #tpu.memory_space<semaphore_mem>>, %arg24: memref<!tpu.dma_semaphore, #tpu.memory_space<semaphore_mem>>) attributes {dimension_semantics = [#tpu.dimension_semantics<core_parallel>, #tpu.dimension_semantics<subcore_parallel>], iteration_bounds = array<i64: 2, 16>, scalar_prefetch = 0 : i64, scratch_operands = 16 : i64, tpu.core_type = #tpu.core_type<sc_vector_subcore>, window_params = [{transform_indices = #map}, {transform_indices = #map}, {transform_indices = #map}, {transform_indices = #map1}, {transform_indices = #map1}, {transform_indices = #map}, {transform_indices = #map}]} {
    %mul3A = arith.constant 2 : i32
    %mul3A_0 = arith.muli %arg1, %mul3A : i32
    %add3A = arith.addi %mul3A_0, %arg0 : i32
    %broadcast_in_dim3A = vector.broadcast %add3A : i32 to vector<16xi32>
    %mul3A_1 = arith.constant 128 : i32
    %mul3A_2 = arith.muli %add3A, %mul3A_1 : i32
    %dma_start3A = arith.constant 0 : i32
    %dma_start3A_3 = tpu.memref_slice %arg5[%dma_start3A, %mul3A_2] : memref<512x100000xf32, #tpu.memory_space<hbm>> -> memref<256x128xf32, #tpu.memory_space<hbm>>
    %dma_start3A_4 = arith.constant 0 : i32
    %dma_start3A_5 = tpu.memref_slice %arg5[%dma_start3A_4, %mul3A_2] : memref<512x100000xf32, #tpu.memory_space<hbm>> -> memref<256x128xf32, #tpu.memory_space<hbm>>
    tpu.enqueue_dma source(%dma_start3A_5 : memref<256x128xf32, #tpu.memory_space<hbm>>) target(%arg16 : memref<256x128xf32, #tpu.memory_space<vmem>>) target_semaphore(%arg21 : memref<!tpu.dma_semaphore, #tpu.memory_space<semaphore_mem>>)
    %mul3A_6 = arith.constant 128 : i32
    %mul3A_7 = arith.muli %add3A, %mul3A_6 : i32
    %dma_start3A_8 = arith.constant 256 : i32
    %dma_start3A_9 = tpu.memref_slice %arg5[%dma_start3A_8, %mul3A_7] : memref<512x100000xf32, #tpu.memory_space<hbm>> -> memref<256x128xf32, #tpu.memory_space<hbm>>
    %dma_start3A_10 = arith.constant 256 : i32
    %dma_start3A_11 = tpu.memref_slice %arg5[%dma_start3A_10, %mul3A_7] : memref<512x100000xf32, #tpu.memory_space<hbm>> -> memref<256x128xf32, #tpu.memory_space<hbm>>
    tpu.enqueue_dma source(%dma_start3A_11 : memref<256x128xf32, #tpu.memory_space<hbm>>) target(%arg17 : memref<256x128xf32, #tpu.memory_space<vmem>>) target_semaphore(%arg22 : memref<!tpu.dma_semaphore, #tpu.memory_space<semaphore_mem>>)
    tpu.enqueue_dma source(%arg2 : memref<16384xi32, #tpu.memory_space<hbm>>) target(%arg9 : memref<16384xi32, #tpu.memory_space<vmem>>) target_semaphore(%arg20 : memref<!tpu.dma_semaphore, #tpu.memory_space<semaphore_mem>>)
    tpu.enqueue_dma source(%arg3 : memref<16384xi32, #tpu.memory_space<hbm>>) target(%arg10 : memref<16384xi32, #tpu.memory_space<vmem>>) target_semaphore(%arg20 : memref<!tpu.dma_semaphore, #tpu.memory_space<semaphore_mem>>)
    tpu.enqueue_dma source(%arg4 : memref<16384xi32, #tpu.memory_space<hbm>>) target(%arg11 : memref<16384xi32, #tpu.memory_space<vmem>>) target_semaphore(%arg20 : memref<!tpu.dma_semaphore, #tpu.memory_space<semaphore_mem>>)
    tpu.wait_dma2 semaphore(%arg20 : memref<!tpu.dma_semaphore, #tpu.memory_space<semaphore_mem>>) src(%arg2 : memref<16384xi32, #tpu.memory_space<hbm>>) dst(%arg9 : memref<16384xi32, #tpu.memory_space<vmem>>)
    tpu.wait_dma2 semaphore(%arg20 : memref<!tpu.dma_semaphore, #tpu.memory_space<semaphore_mem>>) src(%arg3 : memref<16384xi32, #tpu.memory_space<hbm>>) dst(%arg10 : memref<16384xi32, #tpu.memory_space<vmem>>)
    tpu.wait_dma2 semaphore(%arg20 : memref<!tpu.dma_semaphore, #tpu.memory_space<semaphore_mem>>) src(%arg4 : memref<16384xi32, #tpu.memory_space<hbm>>) dst(%arg11 : memref<16384xi32, #tpu.memory_space<vmem>>)
    %broadcast_in_dim3A_12 = arith.constant 0 : i32
    %broadcast_in_dim3A_13 = vector.broadcast %broadcast_in_dim3A_12 : i32 to vector<16xi32>
    %scan3A = arith.constant 0 : i32
    %scan3A_14 = arith.constant 1024 : i32
    %scan3A_15 = arith.addi %scan3A, %scan3A_14 : i32
    %scan3A_16 = arith.constant 1 : i32
    %scan3A_17:2 = scf.for %scan3A_80 = %scan3A to %scan3A_15 step %scan3A_16 iter_args(%scan3A_81 = %broadcast_in_dim3A_13, %scan3A_82 = %broadcast_in_dim3A_13) -> (vector<16xi32>, vector<16xi32>)  : i32 {
      %mul3A_83 = arith.constant 16 : i32
      %mul3A_84 = arith.muli %scan3A_80, %mul3A_83 : i32
      %get3A = arith.index_cast %mul3A_84 : i32 to index
      %get3A_85 = tpu.vector_load %arg9[%get3A] {strides = array<i32>} : memref<16384xi32, #tpu.memory_space<vmem>>, vector<16xi32>,
      %get3A_86 = arith.index_cast %mul3A_84 : i32 to index
      %get3A_87 = tpu.vector_load %arg10[%get3A_86] {strides = array<i32>} : memref<16384xi32, #tpu.memory_space<vmem>>, vector<16xi32>,
      %get3A_88 = arith.index_cast %mul3A_84 : i32 to index
      %get3A_89 = tpu.vector_load %arg11[%get3A_88] {strides = array<i32>} : memref<16384xi32, #tpu.memory_space<vmem>>, vector<16xi32>,
      %mul3A_90 = arith.constant 16 : i32
      %mul3A_91 = arith.muli %scan3A_80, %mul3A_90 : i32
      %broadcast_in_dim3A_92 = vector.broadcast %mul3A_91 : i32 to vector<16xi32>
      %iota3A = tpu.iota {dimensions = array<i32: 0>} : vector<16xi32>
      %add3A_93 = arith.addi %broadcast_in_dim3A_92, %iota3A : vector<16xi32>
      %shift_right_logical3A_94 = arith.constant 7 : i32
      %shift_right_logical3A_95 = vector.broadcast %shift_right_logical3A_94 : i32 to vector<16xi32>
      %shift_right_logical3A_96 = arith.shrui %get3A_85, %shift_right_logical3A_95 : vector<16xi32>
      %and3A = arith.constant 31 : i32
      %and3A_97 = vector.broadcast %and3A : i32 to vector<16xi32>
      %and3A_98 = arith.andi %shift_right_logical3A_96, %and3A_97 : vector<16xi32>
      %eq3A = arith.cmpi eq, %and3A_98, %broadcast_in_dim3A : vector<16xi32>
      %convert_element_type3A = arith.extui %eq3A : vector<16xi1> to vector<16xi32>
      %broadcast_in_dim3A_99 = arith.constant true
      %broadcast_in_dim3A_100 = vector.broadcast %broadcast_in_dim3A_99 : i1 to vector<16xi1>
      %masked_cumsum3A = tpu.scan <sum>, %convert_element_type3A masked %broadcast_in_dim3A_100 : vector<16xi32>, vector<16xi1> -> vector<16xi32>
      %sub3A_101 = arith.constant 1 : i32
      %sub3A_102 = vector.broadcast %sub3A_101 : i32 to vector<16xi32>
      %sub3A_103 = arith.subi %masked_cumsum3A, %sub3A_102 : vector<16xi32>
      %add3A_104 = arith.addi %scan3A_81, %sub3A_103 : vector<16xi32>
      %mul3A_105 = arith.constant 8 : i32
      %mul3A_106 = vector.broadcast %mul3A_105 : i32 to vector<16xi32>
      %mul3A_107 = arith.muli %shift_right_logical3A_96, %mul3A_106 : vector<16xi32>
      %add3A_108 = arith.addi %mul3A_107, %get3A_89 : vector<16xi32>
      tpu.vector_store_idx %arg12[%add3A_104], %add3A_108 masked %eq3A : memref<2048xi32, #tpu.memory_space<vmem>>[vector<16xi32>], vector<16xi32>, vector<16xi1>
      %mul3A_109 = arith.constant 128 : i32
      %mul3A_110 = vector.broadcast %mul3A_109 : i32 to vector<16xi32>
      %mul3A_111 = arith.muli %add3A_93, %mul3A_110 : vector<16xi32>
      %and3A_112 = arith.constant 127 : i32
      %and3A_113 = vector.broadcast %and3A_112 : i32 to vector<16xi32>
      %and3A_114 = arith.andi %get3A_85, %and3A_113 : vector<16xi32>
      %add3A_115 = arith.addi %mul3A_111, %and3A_114 : vector<16xi32>
      tpu.vector_store_idx %arg13[%add3A_104], %add3A_115 masked %eq3A : memref<2048xi32, #tpu.memory_space<vmem>>[vector<16xi32>], vector<16xi32>, vector<16xi1>
      %all_reduce_population_count3A = tpu.all_reduce %eq3A {dim = 0 : i64, kind = #tpu.reduction_kind<sum>} : vector<16xi1> -> vector<16xi32>
      %add3A_116 = arith.addi %scan3A_81, %all_reduce_population_count3A : vector<16xi32>
      %shift_right_logical3A_117 = arith.constant 7 : i32
      %shift_right_logical3A_118 = vector.broadcast %shift_right_logical3A_117 : i32 to vector<16xi32>
      %shift_right_logical3A_119 = arith.shrui %get3A_87, %shift_right_logical3A_118 : vector<16xi32>
      %and3A_120 = arith.constant 31 : i32
      %and3A_121 = vector.broadcast %and3A_120 : i32 to vector<16xi32>
      %and3A_122 = arith.andi %shift_right_logical3A_119, %and3A_121 : vector<16xi32>
      %eq3A_123 = arith.cmpi eq, %and3A_122, %broadcast_in_dim3A : vector<16xi32>
      %convert_element_type3A_124 = arith.extui %eq3A_123 : vector<16xi1> to vector<16xi32>
      %broadcast_in_dim3A_125 = arith.constant true
      %broadcast_in_dim3A_126 = vector.broadcast %broadcast_in_dim3A_125 : i1 to vector<16xi1>
      %masked_cumsum3A_127 = tpu.scan <sum>, %convert_element_type3A_124 masked %broadcast_in_dim3A_126 : vector<16xi32>, vector<16xi1> -> vector<16xi32>
      %sub3A_128 = arith.constant 1 : i32
      %sub3A_129 = vector.broadcast %sub3A_128 : i32 to vector<16xi32>
      %sub3A_130 = arith.subi %masked_cumsum3A_127, %sub3A_129 : vector<16xi32>
      %add3A_131 = arith.addi %scan3A_82, %sub3A_130 : vector<16xi32>
      %mul3A_132 = arith.constant 8 : i32
      %mul3A_133 = vector.broadcast %mul3A_132 : i32 to vector<16xi32>
      %mul3A_134 = arith.muli %shift_right_logical3A_119, %mul3A_133 : vector<16xi32>
      %add3A_135 = arith.addi %mul3A_134, %get3A_89 : vector<16xi32>
      tpu.vector_store_idx %arg14[%add3A_131], %add3A_135 masked %eq3A_123 : memref<2048xi32, #tpu.memory_space<vmem>>[vector<16xi32>], vector<16xi32>, vector<16xi1>
      %mul3A_136 = arith.constant 128 : i32
      %mul3A_137 = vector.broadcast %mul3A_136 : i32 to vector<16xi32>
      %mul3A_138 = arith.muli %add3A_93, %mul3A_137 : vector<16xi32>
      %and3A_139 = arith.constant 127 : i32
      %and3A_140 = vector.broadcast %and3A_139 : i32 to vector<16xi32>
      %and3A_141 = arith.andi %get3A_87, %and3A_140 : vector<16xi32>
      %add3A_142 = arith.addi %mul3A_138, %and3A_141 : vector<16xi32>
      tpu.vector_store_idx %arg15[%add3A_131], %add3A_142 masked %eq3A_123 : memref<2048xi32, #tpu.memory_space<vmem>>[vector<16xi32>], vector<16xi32>, vector<16xi1>
      %all_reduce_population_count3A_143 = tpu.all_reduce %eq3A_123 {dim = 0 : i64, kind = #tpu.reduction_kind<sum>} : vector<16xi1> -> vector<16xi32>
      %add3A_144 = arith.addi %scan3A_82, %all_reduce_population_count3A_143 : vector<16xi32>
      scf.yield %add3A_116, %add3A_144 : vector<16xi32>, vector<16xi32>
    }
    %scan3A_18 = arith.constant 1024 : i32
    %reduce_max3A = arith.constant true
    %reduce_max3A_19 = vector.broadcast %reduce_max3A : i1 to vector<16xi1>
    %reduce_max3A_20 = arith.constant -2147483648 : i32
    %reduce_max3A_21 = vector.broadcast %reduce_max3A_20 : i32 to vector<16xi32>
    %reduce_max3A_22 = arith.xori %scan3A_17#0, %reduce_max3A_21 : vector<16xi32>
    %reduce_max3A_23 = tpu.scan <max>, %reduce_max3A_22 masked %reduce_max3A_19 : vector<16xi32>, vector<16xi1> -> vector<16xi32>
    %reduce_max3A_24 = arith.xori %reduce_max3A_23, %reduce_max3A_21 : vector<16xi32>
    %reduce_max3A_25 = vector.extract %reduce_max3A_24[15] : i32 from vector<16xi32>
    %reduce_max3A_26 = arith.constant true
    %reduce_max3A_27 = vector.broadcast %reduce_max3A_26 : i1 to vector<16xi1>
    %reduce_max3A_28 = arith.constant -2147483648 : i32
    %reduce_max3A_29 = vector.broadcast %reduce_max3A_28 : i32 to vector<16xi32>
    %reduce_max3A_30 = arith.xori %scan3A_17#1, %reduce_max3A_29 : vector<16xi32>
    %reduce_max3A_31 = tpu.scan <max>, %reduce_max3A_30 masked %reduce_max3A_27 : vector<16xi32>, vector<16xi1> -> vector<16xi32>
    %reduce_max3A_32 = arith.xori %reduce_max3A_31, %reduce_max3A_29 : vector<16xi32>
    %reduce_max3A_33 = vector.extract %reduce_max3A_32[15] : i32 from vector<16xi32>
    %scan3A_34 = arith.constant 0 : i32
    %scan3A_35 = arith.constant 0 : i32
    %scan3A_36 = arith.constant 0 : i32
    %scan3A_37 = arith.constant 25 : i32
    %scan3A_38 = arith.addi %scan3A_36, %scan3A_37 : i32
    %scan3A_39 = arith.constant 1 : i32
    %scan3A_40:2 = scf.for %scan3A_80 = %scan3A_36 to %scan3A_38 step %scan3A_39 iter_args(%scan3A_81 = %scan3A_34, %scan3A_82 = %scan3A_35) -> (i32, i32)  : i32 {
      %mul3A_83 = arith.constant 32 : i32
      %mul3A_84 = arith.muli %scan3A_80, %mul3A_83 : i32
      %add3A_85 = arith.addi %add3A, %mul3A_84 : i32
      %add3A_86 = arith.constant 32 : i32
      %add3A_87 = arith.addi %add3A_85, %add3A_86 : i32
      %lt3A = arith.constant 782 : i32
      %lt3A_88 = arith.cmpi slt, %add3A_85, %lt3A : i32
      %lt3A_89 = arith.constant 782 : i32
      %lt3A_90 = arith.cmpi slt, %add3A_87, %lt3A_89 : i32
      %convert_element_type3A = arith.extui %lt3A_88 : i1 to i32
      %cond3A = arith.constant 0 : i32
      %cond3A_91 = arith.cmpi ne, %convert_element_type3A, %cond3A : i32
      scf.if %cond3A_91 {
        %dma_wait3A = arith.constant 0 : i32
        %dma_wait3A_197 = arith.constant 0 : i32
        %dma_wait3A_198 = tpu.memref_slice %arg5[%dma_wait3A, %dma_wait3A_197] : memref<512x100000xf32, #tpu.memory_space<hbm>> -> memref<256x128xf32, #tpu.memory_space<hbm>>
        %dma_wait3A_199 = arith.constant 0 : i32
        %dma_wait3A_200 = arith.constant 0 : i32
        %dma_wait3A_201 = tpu.memref_slice %arg5[%dma_wait3A_199, %dma_wait3A_200] : memref<512x100000xf32, #tpu.memory_space<hbm>> -> memref<256x128xf32, #tpu.memory_space<hbm>>
        tpu.wait_dma2 semaphore(%arg21 : memref<!tpu.dma_semaphore, #tpu.memory_space<semaphore_mem>>) src(%dma_wait3A_201 : memref<256x128xf32, #tpu.memory_space<hbm>>) dst(%arg16 : memref<256x128xf32, #tpu.memory_space<vmem>>)
      } else {
      }
      %mul3A_92 = arith.constant 2 : i32
      %mul3A_93 = arith.muli %add3A_85, %mul3A_92 : i32
      %add3A_94 = arith.constant 0 : i32
      %add3A_95 = arith.addi %mul3A_93, %add3A_94 : i32
      %broadcast_in_dim3A_96 = vector.broadcast %reduce_max3A_25 : i32 to vector<16xi32>
      %broadcast_in_dim3A_97 = vector.broadcast %add3A_95 : i32 to vector<16xi32>
      %add3A_98 = arith.constant 15 : i32
      %add3A_99 = arith.addi %reduce_max3A_25, %add3A_98 : i32
      %shift_right_logical3A_100 = arith.constant 4 : i32
      %shift_right_logical3A_101 = arith.shrui %add3A_99, %shift_right_logical3A_100 : i32
      %while3A_102 = arith.constant 0 : i32
      %while3A_103 = arith.subi %shift_right_logical3A_101, %while3A_102 : i32
      %while3A_104 = arith.addi %while3A_102, %while3A_103 : i32
      %while3A_105 = arith.constant 1 : i32
      %while3A_106 = arith.divsi %while3A_103, %while3A_105 : i32
      %while3A_107 = arith.muli %while3A_106, %while3A_105 : i32
      %while3A_108 = arith.addi %while3A_102, %while3A_107 : i32
      %while3A_109 = arith.constant 1 : i32
      %while3A_110 = scf.for %while3A_197 = %while3A_102 to %while3A_108 step %while3A_109 iter_args(%while3A_198 = %scan3A_81) -> (i32)  : i32 {
        %mul3A_199 = arith.constant 16 : i32
        %mul3A_200 = arith.muli %while3A_197, %mul3A_199 : i32
        %get3A = arith.index_cast %mul3A_200 : i32 to index
        %get3A_201 = tpu.vector_load %arg12[%get3A] {strides = array<i32>} : memref<2048xi32, #tpu.memory_space<vmem>>, vector<16xi32>,
        %get3A_202 = arith.index_cast %mul3A_200 : i32 to index
        %get3A_203 = tpu.vector_load %arg13[%get3A_202] {strides = array<i32>} : memref<2048xi32, #tpu.memory_space<vmem>>, vector<16xi32>,
        %mul3A_204 = arith.constant 16 : i32
        %mul3A_205 = arith.muli %while3A_197, %mul3A_204 : i32
        %broadcast_in_dim3A_206 = vector.broadcast %mul3A_205 : i32 to vector<16xi32>
        %iota3A = tpu.iota {dimensions = array<i32: 0>} : vector<16xi32>
        %add3A_207 = arith.addi %broadcast_in_dim3A_206, %iota3A : vector<16xi32>
        %lt3A_208 = arith.cmpi slt, %add3A_207, %broadcast_in_dim3A_96 : vector<16xi32>
        %shift_right_logical3A_209 = arith.constant 2 : i32
        %shift_right_logical3A_210 = vector.broadcast %shift_right_logical3A_209 : i32 to vector<16xi32>
        %shift_right_logical3A_211 = arith.shrui %get3A_201, %shift_right_logical3A_210 : vector<16xi32>
        %eq3A = arith.cmpi eq, %shift_right_logical3A_211, %broadcast_in_dim3A_97 : vector<16xi32>
        %and3A = arith.andi %eq3A, %lt3A_208 : vector<16xi1>
        %while3A_212:2 = scf.while (%while3A_213 = %and3A, %while3A_214 = %while3A_198) : (vector<16xi1>, i32) -> (vector<16xi1>, i32) {
          %convert_element_type3A_215 = arith.extui %while3A_213 : vector<16xi1> to vector<16xi32>
          %reduce_max3A_216 = arith.constant true
          %reduce_max3A_217 = vector.broadcast %reduce_max3A_216 : i1 to vector<16xi1>
          %reduce_max3A_218 = arith.constant -2147483648 : i32
          %reduce_max3A_219 = vector.broadcast %reduce_max3A_218 : i32 to vector<16xi32>
          %reduce_max3A_220 = arith.xori %convert_element_type3A_215, %reduce_max3A_219 : vector<16xi32>
          %reduce_max3A_221 = tpu.scan <max>, %reduce_max3A_220 masked %reduce_max3A_217 : vector<16xi32>, vector<16xi1> -> vector<16xi32>
          %reduce_max3A_222 = arith.xori %reduce_max3A_221, %reduce_max3A_219 : vector<16xi32>
          %reduce_max3A_223 = vector.extract %reduce_max3A_222[15] : i32 from vector<16xi32>
          %gt3A = arith.constant 0 : i32
          %gt3A_224 = arith.cmpi sgt, %reduce_max3A_223, %gt3A : i32
          scf.condition(%gt3A_224) %while3A_213, %while3A_214 : vector<16xi1>, i32
        } do {
        ^bb0(%while3A_213: vector<16xi1>, %while3A_214: i32):
          %all_reduce_ffs3A = tpu.all_reduce %while3A_213 {dim = 0 : i64, kind = #tpu.reduction_kind<find_first_set>} : vector<16xi1> -> vector<16xi32>
          %iota3A_215 = tpu.iota {dimensions = array<i32: 0>} : vector<16xi32>
          %eq3A_216 = arith.cmpi eq, %iota3A_215, %all_reduce_ffs3A : vector<16xi32>
          %jit3A = arith.constant 0 : i32
          %broadcast_in_dim3A_217 = vector.broadcast %jit3A : i32 to vector<16xi32>
          %select_n3A = arith.select %eq3A_216, %get3A_203, %broadcast_in_dim3A_217 : vector<16xi1>, vector<16xi32>
          %reduce_max3A_218 = arith.constant true
          %reduce_max3A_219 = vector.broadcast %reduce_max3A_218 : i1 to vector<16xi1>
          %reduce_max3A_220 = arith.constant -2147483648 : i32
          %reduce_max3A_221 = vector.broadcast %reduce_max3A_220 : i32 to vector<16xi32>
          %reduce_max3A_222 = arith.xori %select_n3A, %reduce_max3A_221 : vector<16xi32>
          %reduce_max3A_223 = tpu.scan <max>, %reduce_max3A_222 masked %reduce_max3A_219 : vector<16xi32>, vector<16xi1> -> vector<16xi32>
          %reduce_max3A_224 = arith.xori %reduce_max3A_223, %reduce_max3A_221 : vector<16xi32>
          %reduce_max3A_225 = vector.extract %reduce_max3A_224[15] : i32 from vector<16xi32>
          %jit3A_226 = arith.constant 0 : i32
          %broadcast_in_dim3A_227 = vector.broadcast %jit3A_226 : i32 to vector<16xi32>
          %select_n3A_228 = arith.select %eq3A_216, %get3A_201, %broadcast_in_dim3A_227 : vector<16xi1>, vector<16xi32>
          %reduce_max3A_229 = arith.constant true
          %reduce_max3A_230 = vector.broadcast %reduce_max3A_229 : i1 to vector<16xi1>
          %reduce_max3A_231 = arith.constant -2147483648 : i32
          %reduce_max3A_232 = vector.broadcast %reduce_max3A_231 : i32 to vector<16xi32>
          %reduce_max3A_233 = arith.xori %select_n3A_228, %reduce_max3A_232 : vector<16xi32>
          %reduce_max3A_234 = tpu.scan <max>, %reduce_max3A_233 masked %reduce_max3A_230 : vector<16xi32>, vector<16xi1> -> vector<16xi32>
          %reduce_max3A_235 = arith.xori %reduce_max3A_234, %reduce_max3A_232 : vector<16xi32>
          %reduce_max3A_236 = vector.extract %reduce_max3A_235[15] : i32 from vector<16xi32>
          %shift_right_logical3A_237 = arith.constant 7 : i32
          %shift_right_logical3A_238 = arith.shrui %reduce_max3A_225, %shift_right_logical3A_237 : i32
          %and3A_239 = arith.constant 127 : i32
          %and3A_240 = arith.andi %reduce_max3A_225, %and3A_239 : i32
          %and3A_241 = arith.constant 3 : i32
          %and3A_242 = arith.andi %reduce_max3A_236, %and3A_241 : i32
          %and3A_243 = arith.constant 63 : i32
          %and3A_244 = arith.andi %while3A_214, %and3A_243 : i32
          %mul3A_245 = arith.constant 64 : i32
          %mul3A_246 = arith.muli %and3A_242, %mul3A_245 : i32
          %add3A_247 = arith.constant 0 : i32
          %add3A_248 = arith.addi %mul3A_246, %add3A_247 : i32
          %broadcast_in_dim3A_249 = vector.broadcast %add3A_248 : i32 to vector<16xi32>
          %iota3A_250 = tpu.iota {dimensions = array<i32: 0>} : vector<16xi32>
          %add3A_251 = arith.addi %broadcast_in_dim3A_249, %iota3A_250 : vector<16xi32>
          %broadcast_in_dim3A_252 = vector.broadcast %and3A_240 : i32 to vector<16xi32>
          %gather3A = tpu.vector_load_idx %arg16[%add3A_251, %broadcast_in_dim3A_252] : memref<256x128xf32, #tpu.memory_space<vmem>>[vector<16xi32>, vector<16xi32>], vector<16xf32>,
          %mul3A_253 = arith.constant 64 : i32
          %mul3A_254 = arith.muli %and3A_244, %mul3A_253 : i32
          %add3A_255 = arith.constant 0 : i32
          %add3A_256 = arith.addi %mul3A_254, %add3A_255 : i32
          %swap3A = arith.index_cast %add3A_256 : i32 to index
          %swap3A_257 = tpu.vector_load %arg18[%swap3A] {strides = array<i32>} : memref<4096xf32, #tpu.memory_space<vmem>>, vector<16xf32>,
          tpu.vector_store %arg18[%swap3A], %gather3A {strides = array<i32>} : memref<4096xf32, #tpu.memory_space<vmem>>, vector<16xf32>,
          %mul3A_258 = arith.constant 64 : i32
          %mul3A_259 = arith.muli %and3A_242, %mul3A_258 : i32
          %add3A_260 = arith.constant 16 : i32
          %add3A_261 = arith.addi %mul3A_259, %add3A_260 : i32
          %broadcast_in_dim3A_262 = vector.broadcast %add3A_261 : i32 to vector<16xi32>
          %iota3A_263 = tpu.iota {dimensions = array<i32: 0>} : vector<16xi32>
          %add3A_264 = arith.addi %broadcast_in_dim3A_262, %iota3A_263 : vector<16xi32>
          %broadcast_in_dim3A_265 = vector.broadcast %and3A_240 : i32 to vector<16xi32>
          %gather3A_266 = tpu.vector_load_idx %arg16[%add3A_264, %broadcast_in_dim3A_265] : memref<256x128xf32, #tpu.memory_space<vmem>>[vector<16xi32>, vector<16xi32>], vector<16xf32>,
          %mul3A_267 = arith.constant 64 : i32
          %mul3A_268 = arith.muli %and3A_244, %mul3A_267 : i32
          %add3A_269 = arith.constant 16 : i32
          %add3A_270 = arith.addi %mul3A_268, %add3A_269 : i32
          %swap3A_271 = arith.index_cast %add3A_270 : i32 to index
          %swap3A_272 = tpu.vector_load %arg18[%swap3A_271] {strides = array<i32>} : memref<4096xf32, #tpu.memory_space<vmem>>, vector<16xf32>,
          tpu.vector_store %arg18[%swap3A_271], %gather3A_266 {strides = array<i32>} : memref<4096xf32, #tpu.memory_space<vmem>>, vector<16xf32>,
          %mul3A_273 = arith.constant 64 : i32
          %mul3A_274 = arith.muli %and3A_242, %mul3A_273 : i32
          %add3A_275 = arith.constant 32 : i32
          %add3A_276 = arith.addi %mul3A_274, %add3A_275 : i32
          %broadcast_in_dim3A_277 = vector.broadcast %add3A_276 : i32 to vector<16xi32>
          %iota3A_278 = tpu.iota {dimensions = array<i32: 0>} : vector<16xi32>
          %add3A_279 = arith.addi %broadcast_in_dim3A_277, %iota3A_278 : vector<16xi32>
          %broadcast_in_dim3A_280 = vector.broadcast %and3A_240 : i32 to vector<16xi32>
          %gather3A_281 = tpu.vector_load_idx %arg16[%add3A_279, %broadcast_in_dim3A_280] : memref<256x128xf32, #tpu.memory_space<vmem>>[vector<16xi32>, vector<16xi32>], vector<16xf32>,
          %mul3A_282 = arith.constant 64 : i32
          %mul3A_283 = arith.muli %and3A_244, %mul3A_282 : i32
          %add3A_284 = arith.constant 32 : i32
          %add3A_285 = arith.addi %mul3A_283, %add3A_284 : i32
          %swap3A_286 = arith.index_cast %add3A_285 : i32 to index
          %swap3A_287 = tpu.vector_load %arg18[%swap3A_286] {strides = array<i32>} : memref<4096xf32, #tpu.memory_space<vmem>>, vector<16xf32>,
          tpu.vector_store %arg18[%swap3A_286], %gather3A_281 {strides = array<i32>} : memref<4096xf32, #tpu.memory_space<vmem>>, vector<16xf32>,
          %mul3A_288 = arith.constant 64 : i32
          %mul3A_289 = arith.muli %and3A_242, %mul3A_288 : i32
          %add3A_290 = arith.constant 48 : i32
          %add3A_291 = arith.addi %mul3A_289, %add3A_290 : i32
          %broadcast_in_dim3A_292 = vector.broadcast %add3A_291 : i32 to vector<16xi32>
          %iota3A_293 = tpu.iota {dimensions = array<i32: 0>} : vector<16xi32>
          %add3A_294 = arith.addi %broadcast_in_dim3A_292, %iota3A_293 : vector<16xi32>
          %broadcast_in_dim3A_295 = vector.broadcast %and3A_240 : i32 to vector<16xi32>
          %gather3A_296 = tpu.vector_load_idx %arg16[%add3A_294, %broadcast_in_dim3A_295] : memref<256x128xf32, #tpu.memory_space<vmem>>[vector<16xi32>, vector<16xi32>], vector<16xf32>,
          %mul3A_297 = arith.constant 64 : i32
          %mul3A_298 = arith.muli %and3A_244, %mul3A_297 : i32
          %add3A_299 = arith.constant 48 : i32
          %add3A_300 = arith.addi %mul3A_298, %add3A_299 : i32
          %swap3A_301 = arith.index_cast %add3A_300 : i32 to index
          %swap3A_302 = tpu.vector_load %arg18[%swap3A_301] {strides = array<i32>} : memref<4096xf32, #tpu.memory_space<vmem>>, vector<16xf32>,
          tpu.vector_store %arg18[%swap3A_301], %gather3A_296 {strides = array<i32>} : memref<4096xf32, #tpu.memory_space<vmem>>, vector<16xf32>,
          %ge3A = arith.constant 32 : i32
          %ge3A_303 = arith.cmpi sge, %while3A_214, %ge3A : i32
          %and3A_304 = arith.constant 31 : i32
          %and3A_305 = arith.andi %while3A_214, %and3A_304 : i32
          %eq3A_306 = arith.constant 0 : i32
          %eq3A_307 = arith.cmpi eq, %and3A_305, %eq3A_306 : i32
          %and3A_308 = arith.andi %ge3A_303, %eq3A_307 : i1
          %convert_element_type3A_309 = arith.extui %and3A_308 : i1 to i32
          %cond3A_310 = arith.constant 0 : i32
          %cond3A_311 = arith.cmpi ne, %convert_element_type3A_309, %cond3A_310 : i32
          scf.if %cond3A_311 {
            %scan3A_324 = arith.constant 0 : i32
            %scan3A_325 = arith.constant 0 : i32
            %scan3A_326 = arith.constant 32 : i32
            %scan3A_327 = arith.addi %scan3A_325, %scan3A_326 : i32
            %scan3A_328 = arith.constant 1 : i32
            %scan3A_329 = scf.for %scan3A_331 = %scan3A_325 to %scan3A_327 step %scan3A_328 iter_args(%scan3A_332 = %scan3A_324) -> (i32)  : i32 {
              %dma_wait3A = arith.constant 0 : i32
              %dma_wait3A_333 = tpu.memref_slice %arg18[%dma_wait3A] : memref<4096xf32, #tpu.memory_space<vmem>> -> memref<64xf32, #tpu.memory_space<vmem>>
              %dma_wait3A_334 = arith.constant 0 : i32
              %dma_wait3A_335 = tpu.memref_slice %arg7[%dma_wait3A_334] : memref<1048576xf32, #tpu.memory_space<hbm>> -> memref<64xf32, #tpu.memory_space<hbm>>
              %dma_wait3A_336 = arith.constant 0 : i32
              %dma_wait3A_337 = tpu.memref_slice %arg7[%dma_wait3A_336] : memref<1048576xf32, #tpu.memory_space<hbm>> -> memref<64xf32, #tpu.memory_space<hbm>>
              %dma_wait3A_338 = arith.constant 0 : i32
              %dma_wait3A_339 = tpu.memref_slice %arg18[%dma_wait3A_338] : memref<4096xf32, #tpu.memory_space<vmem>> -> memref<64xf32, #tpu.memory_space<vmem>>
              tpu.wait_dma2 semaphore(%arg23 : memref<!tpu.dma_semaphore, #tpu.memory_space<semaphore_mem>>) src(%dma_wait3A_339 : memref<64xf32, #tpu.memory_space<vmem>>) dst(%dma_wait3A_337 : memref<64xf32, #tpu.memory_space<hbm>>)
              %scan3A_340 = arith.constant 0 : i32
              scf.yield %scan3A_340 : i32
            }
            %scan3A_330 = arith.constant 32 : i32
          } else {
          }
          %mul3A_312 = arith.constant 64 : i32
          %mul3A_313 = arith.muli %and3A_244, %mul3A_312 : i32
          %mul3A_314 = arith.constant 64 : i32
          %mul3A_315 = arith.muli %shift_right_logical3A_238, %mul3A_314 : i32
          %dma_start3A_316 = tpu.memref_slice %arg18[%mul3A_313] : memref<4096xf32, #tpu.memory_space<vmem>> -> memref<64xf32, #tpu.memory_space<vmem>>
          %dma_start3A_317 = tpu.memref_slice %arg7[%mul3A_315] : memref<1048576xf32, #tpu.memory_space<hbm>> -> memref<64xf32, #tpu.memory_space<hbm>>
          %dma_start3A_318 = tpu.memref_slice %arg7[%mul3A_315] : memref<1048576xf32, #tpu.memory_space<hbm>> -> memref<64xf32, #tpu.memory_space<hbm>>
          %dma_start3A_319 = tpu.memref_slice %arg18[%mul3A_313] : memref<4096xf32, #tpu.memory_space<vmem>> -> memref<64xf32, #tpu.memory_space<vmem>>
          tpu.enqueue_dma source(%dma_start3A_319 : memref<64xf32, #tpu.memory_space<vmem>>) target(%dma_start3A_318 : memref<64xf32, #tpu.memory_space<hbm>>) target_semaphore(%arg23 : memref<!tpu.dma_semaphore, #tpu.memory_space<semaphore_mem>>)
          %not3A = arith.constant dense<true> : vector<16xi1>
          %not3A_320 = arith.xori %eq3A_216, %not3A : vector<16xi1>
          %and3A_321 = arith.andi %while3A_213, %not3A_320 : vector<16xi1>
          %add3A_322 = arith.constant 1 : i32
          %add3A_323 = arith.addi %while3A_214, %add3A_322 : i32
          scf.yield %and3A_321, %add3A_323 : vector<16xi1>, i32
        }
        scf.yield %while3A_212#1 : i32
      }
      %while3A_111 = arith.constant 1 : i32
      %while3A_112 = scf.for %while3A_197 = %while3A_108 to %while3A_104 step %while3A_111 iter_args(%while3A_198 = %while3A_110) -> (i32)  : i32 {
        %mul3A_199 = arith.constant 16 : i32
        %mul3A_200 = arith.muli %while3A_197, %mul3A_199 : i32
        %get3A = arith.index_cast %mul3A_200 : i32 to index
        %get3A_201 = tpu.vector_load %arg12[%get3A] {strides = array<i32>} : memref<2048xi32, #tpu.memory_space<vmem>>, vector<16xi32>,
        %get3A_202 = arith.index_cast %mul3A_200 : i32 to index
        %get3A_203 = tpu.vector_load %arg13[%get3A_202] {strides = array<i32>} : memref<2048xi32, #tpu.memory_space<vmem>>, vector<16xi32>,
        %mul3A_204 = arith.constant 16 : i32
        %mul3A_205 = arith.muli %while3A_197, %mul3A_204 : i32
        %broadcast_in_dim3A_206 = vector.broadcast %mul3A_205 : i32 to vector<16xi32>
        %iota3A = tpu.iota {dimensions = array<i32: 0>} : vector<16xi32>
        %add3A_207 = arith.addi %broadcast_in_dim3A_206, %iota3A : vector<16xi32>
        %lt3A_208 = arith.cmpi slt, %add3A_207, %broadcast_in_dim3A_96 : vector<16xi32>
        %shift_right_logical3A_209 = arith.constant 2 : i32
        %shift_right_logical3A_210 = vector.broadcast %shift_right_logical3A_209 : i32 to vector<16xi32>
        %shift_right_logical3A_211 = arith.shrui %get3A_201, %shift_right_logical3A_210 : vector<16xi32>
        %eq3A = arith.cmpi eq, %shift_right_logical3A_211, %broadcast_in_dim3A_97 : vector<16xi32>
        %and3A = arith.andi %eq3A, %lt3A_208 : vector<16xi1>
        %while3A_212:2 = scf.while (%while3A_213 = %and3A, %while3A_214 = %while3A_198) : (vector<16xi1>, i32) -> (vector<16xi1>, i32) {
          %convert_element_type3A_215 = arith.extui %while3A_213 : vector<16xi1> to vector<16xi32>
          %reduce_max3A_216 = arith.constant true
          %reduce_max3A_217 = vector.broadcast %reduce_max3A_216 : i1 to vector<16xi1>
          %reduce_max3A_218 = arith.constant -2147483648 : i32
          %reduce_max3A_219 = vector.broadcast %reduce_max3A_218 : i32 to vector<16xi32>
          %reduce_max3A_220 = arith.xori %convert_element_type3A_215, %reduce_max3A_219 : vector<16xi32>
          %reduce_max3A_221 = tpu.scan <max>, %reduce_max3A_220 masked %reduce_max3A_217 : vector<16xi32>, vector<16xi1> -> vector<16xi32>
          %reduce_max3A_222 = arith.xori %reduce_max3A_221, %reduce_max3A_219 : vector<16xi32>
          %reduce_max3A_223 = vector.extract %reduce_max3A_222[15] : i32 from vector<16xi32>
          %gt3A = arith.constant 0 : i32
          %gt3A_224 = arith.cmpi sgt, %reduce_max3A_223, %gt3A : i32
          scf.condition(%gt3A_224) %while3A_213, %while3A_214 : vector<16xi1>, i32
        } do {
        ^bb0(%while3A_213: vector<16xi1>, %while3A_214: i32):
          %all_reduce_ffs3A = tpu.all_reduce %while3A_213 {dim = 0 : i64, kind = #tpu.reduction_kind<find_first_set>} : vector<16xi1> -> vector<16xi32>
          %iota3A_215 = tpu.iota {dimensions = array<i32: 0>} : vector<16xi32>
          %eq3A_216 = arith.cmpi eq, %iota3A_215, %all_reduce_ffs3A : vector<16xi32>
          %jit3A = arith.constant 0 : i32
          %broadcast_in_dim3A_217 = vector.broadcast %jit3A : i32 to vector<16xi32>
          %select_n3A = arith.select %eq3A_216, %get3A_203, %broadcast_in_dim3A_217 : vector<16xi1>, vector<16xi32>
          %reduce_max3A_218 = arith.constant true
          %reduce_max3A_219 = vector.broadcast %reduce_max3A_218 : i1 to vector<16xi1>
          %reduce_max3A_220 = arith.constant -2147483648 : i32
          %reduce_max3A_221 = vector.broadcast %reduce_max3A_220 : i32 to vector<16xi32>
          %reduce_max3A_222 = arith.xori %select_n3A, %reduce_max3A_221 : vector<16xi32>
          %reduce_max3A_223 = tpu.scan <max>, %reduce_max3A_222 masked %reduce_max3A_219 : vector<16xi32>, vector<16xi1> -> vector<16xi32>
          %reduce_max3A_224 = arith.xori %reduce_max3A_223, %reduce_max3A_221 : vector<16xi32>
          %reduce_max3A_225 = vector.extract %reduce_max3A_224[15] : i32 from vector<16xi32>
          %jit3A_226 = arith.constant 0 : i32
          %broadcast_in_dim3A_227 = vector.broadcast %jit3A_226 : i32 to vector<16xi32>
          %select_n3A_228 = arith.select %eq3A_216, %get3A_201, %broadcast_in_dim3A_227 : vector<16xi1>, vector<16xi32>
          %reduce_max3A_229 = arith.constant true
          %reduce_max3A_230 = vector.broadcast %reduce_max3A_229 : i1 to vector<16xi1>
          %reduce_max3A_231 = arith.constant -2147483648 : i32
          %reduce_max3A_232 = vector.broadcast %reduce_max3A_231 : i32 to vector<16xi32>
          %reduce_max3A_233 = arith.xori %select_n3A_228, %reduce_max3A_232 : vector<16xi32>
          %reduce_max3A_234 = tpu.scan <max>, %reduce_max3A_233 masked %reduce_max3A_230 : vector<16xi32>, vector<16xi1> -> vector<16xi32>
          %reduce_max3A_235 = arith.xori %reduce_max3A_234, %reduce_max3A_232 : vector<16xi32>
          %reduce_max3A_236 = vector.extract %reduce_max3A_235[15] : i32 from vector<16xi32>
          %shift_right_logical3A_237 = arith.constant 7 : i32
          %shift_right_logical3A_238 = arith.shrui %reduce_max3A_225, %shift_right_logical3A_237 : i32
          %and3A_239 = arith.constant 127 : i32
          %and3A_240 = arith.andi %reduce_max3A_225, %and3A_239 : i32
          %and3A_241 = arith.constant 3 : i32
          %and3A_242 = arith.andi %reduce_max3A_236, %and3A_241 : i32
          %and3A_243 = arith.constant 63 : i32
          %and3A_244 = arith.andi %while3A_214, %and3A_243 : i32
          %mul3A_245 = arith.constant 64 : i32
          %mul3A_246 = arith.muli %and3A_242, %mul3A_245 : i32
          %add3A_247 = arith.constant 0 : i32
          %add3A_248 = arith.addi %mul3A_246, %add3A_247 : i32
          %broadcast_in_dim3A_249 = vector.broadcast %add3A_248 : i32 to vector<16xi32>
          %iota3A_250 = tpu.iota {dimensions = array<i32: 0>} : vector<16xi32>
          %add3A_251 = arith.addi %broadcast_in_dim3A_249, %iota3A_250 : vector<16xi32>
          %broadcast_in_dim3A_252 = vector.broadcast %and3A_240 : i32 to vector<16xi32>
          %gather3A = tpu.vector_load_idx %arg16[%add3A_251, %broadcast_in_dim3A_252] : memref<256x128xf32, #tpu.memory_space<vmem>>[vector<16xi32>, vector<16xi32>], vector<16xf32>,
          %mul3A_253 = arith.constant 64 : i32
          %mul3A_254 = arith.muli %and3A_244, %mul3A_253 : i32
          %add3A_255 = arith.constant 0 : i32
          %add3A_256 = arith.addi %mul3A_254, %add3A_255 : i32
          %swap3A = arith.index_cast %add3A_256 : i32 to index
          %swap3A_257 = tpu.vector_load %arg18[%swap3A] {strides = array<i32>} : memref<4096xf32, #tpu.memory_space<vmem>>, vector<16xf32>,
          tpu.vector_store %arg18[%swap3A], %gather3A {strides = array<i32>} : memref<4096xf32, #tpu.memory_space<vmem>>, vector<16xf32>,
          %mul3A_258 = arith.constant 64 : i32
          %mul3A_259 = arith.muli %and3A_242, %mul3A_258 : i32
          %add3A_260 = arith.constant 16 : i32
          %add3A_261 = arith.addi %mul3A_259, %add3A_260 : i32
          %broadcast_in_dim3A_262 = vector.broadcast %add3A_261 : i32 to vector<16xi32>
          %iota3A_263 = tpu.iota {dimensions = array<i32: 0>} : vector<16xi32>
          %add3A_264 = arith.addi %broadcast_in_dim3A_262, %iota3A_263 : vector<16xi32>
          %broadcast_in_dim3A_265 = vector.broadcast %and3A_240 : i32 to vector<16xi32>
          %gather3A_266 = tpu.vector_load_idx %arg16[%add3A_264, %broadcast_in_dim3A_265] : memref<256x128xf32, #tpu.memory_space<vmem>>[vector<16xi32>, vector<16xi32>], vector<16xf32>,
          %mul3A_267 = arith.constant 64 : i32
          %mul3A_268 = arith.muli %and3A_244, %mul3A_267 : i32
          %add3A_269 = arith.constant 16 : i32
          %add3A_270 = arith.addi %mul3A_268, %add3A_269 : i32
          %swap3A_271 = arith.index_cast %add3A_270 : i32 to index
          %swap3A_272 = tpu.vector_load %arg18[%swap3A_271] {strides = array<i32>} : memref<4096xf32, #tpu.memory_space<vmem>>, vector<16xf32>,
          tpu.vector_store %arg18[%swap3A_271], %gather3A_266 {strides = array<i32>} : memref<4096xf32, #tpu.memory_space<vmem>>, vector<16xf32>,
          %mul3A_273 = arith.constant 64 : i32
          %mul3A_274 = arith.muli %and3A_242, %mul3A_273 : i32
          %add3A_275 = arith.constant 32 : i32
          %add3A_276 = arith.addi %mul3A_274, %add3A_275 : i32
          %broadcast_in_dim3A_277 = vector.broadcast %add3A_276 : i32 to vector<16xi32>
          %iota3A_278 = tpu.iota {dimensions = array<i32: 0>} : vector<16xi32>
          %add3A_279 = arith.addi %broadcast_in_dim3A_277, %iota3A_278 : vector<16xi32>
          %broadcast_in_dim3A_280 = vector.broadcast %and3A_240 : i32 to vector<16xi32>
          %gather3A_281 = tpu.vector_load_idx %arg16[%add3A_279, %broadcast_in_dim3A_280] : memref<256x128xf32, #tpu.memory_space<vmem>>[vector<16xi32>, vector<16xi32>], vector<16xf32>,
          %mul3A_282 = arith.constant 64 : i32
          %mul3A_283 = arith.muli %and3A_244, %mul3A_282 : i32
          %add3A_284 = arith.constant 32 : i32
          %add3A_285 = arith.addi %mul3A_283, %add3A_284 : i32
          %swap3A_286 = arith.index_cast %add3A_285 : i32 to index
          %swap3A_287 = tpu.vector_load %arg18[%swap3A_286] {strides = array<i32>} : memref<4096xf32, #tpu.memory_space<vmem>>, vector<16xf32>,
          tpu.vector_store %arg18[%swap3A_286], %gather3A_281 {strides = array<i32>} : memref<4096xf32, #tpu.memory_space<vmem>>, vector<16xf32>,
          %mul3A_288 = arith.constant 64 : i32
          %mul3A_289 = arith.muli %and3A_242, %mul3A_288 : i32
          %add3A_290 = arith.constant 48 : i32
          %add3A_291 = arith.addi %mul3A_289, %add3A_290 : i32
          %broadcast_in_dim3A_292 = vector.broadcast %add3A_291 : i32 to vector<16xi32>
          %iota3A_293 = tpu.iota {dimensions = array<i32: 0>} : vector<16xi32>
          %add3A_294 = arith.addi %broadcast_in_dim3A_292, %iota3A_293 : vector<16xi32>
          %broadcast_in_dim3A_295 = vector.broadcast %and3A_240 : i32 to vector<16xi32>
          %gather3A_296 = tpu.vector_load_idx %arg16[%add3A_294, %broadcast_in_dim3A_295] : memref<256x128xf32, #tpu.memory_space<vmem>>[vector<16xi32>, vector<16xi32>], vector<16xf32>,
          %mul3A_297 = arith.constant 64 : i32
          %mul3A_298 = arith.muli %and3A_244, %mul3A_297 : i32
          %add3A_299 = arith.constant 48 : i32
          %add3A_300 = arith.addi %mul3A_298, %add3A_299 : i32
          %swap3A_301 = arith.index_cast %add3A_300 : i32 to index
          %swap3A_302 = tpu.vector_load %arg18[%swap3A_301] {strides = array<i32>} : memref<4096xf32, #tpu.memory_space<vmem>>, vector<16xf32>,
          tpu.vector_store %arg18[%swap3A_301], %gather3A_296 {strides = array<i32>} : memref<4096xf32, #tpu.memory_space<vmem>>, vector<16xf32>,
          %ge3A = arith.constant 32 : i32
          %ge3A_303 = arith.cmpi sge, %while3A_214, %ge3A : i32
          %and3A_304 = arith.constant 31 : i32
          %and3A_305 = arith.andi %while3A_214, %and3A_304 : i32
          %eq3A_306 = arith.constant 0 : i32
          %eq3A_307 = arith.cmpi eq, %and3A_305, %eq3A_306 : i32
          %and3A_308 = arith.andi %ge3A_303, %eq3A_307 : i1
          %convert_element_type3A_309 = arith.extui %and3A_308 : i1 to i32
          %cond3A_310 = arith.constant 0 : i32
          %cond3A_311 = arith.cmpi ne, %convert_element_type3A_309, %cond3A_310 : i32
          scf.if %cond3A_311 {
            %scan3A_324 = arith.constant 0 : i32
            %scan3A_325 = arith.constant 0 : i32
            %scan3A_326 = arith.constant 32 : i32
            %scan3A_327 = arith.addi %scan3A_325, %scan3A_326 : i32
            %scan3A_328 = arith.constant 1 : i32
            %scan3A_329 = scf.for %scan3A_331 = %scan3A_325 to %scan3A_327 step %scan3A_328 iter_args(%scan3A_332 = %scan3A_324) -> (i32)  : i32 {
              %dma_wait3A = arith.constant 0 : i32
              %dma_wait3A_333 = tpu.memref_slice %arg18[%dma_wait3A] : memref<4096xf32, #tpu.memory_space<vmem>> -> memref<64xf32, #tpu.memory_space<vmem>>
              %dma_wait3A_334 = arith.constant 0 : i32
              %dma_wait3A_335 = tpu.memref_slice %arg7[%dma_wait3A_334] : memref<1048576xf32, #tpu.memory_space<hbm>> -> memref<64xf32, #tpu.memory_space<hbm>>
              %dma_wait3A_336 = arith.constant 0 : i32
              %dma_wait3A_337 = tpu.memref_slice %arg7[%dma_wait3A_336] : memref<1048576xf32, #tpu.memory_space<hbm>> -> memref<64xf32, #tpu.memory_space<hbm>>
              %dma_wait3A_338 = arith.constant 0 : i32
              %dma_wait3A_339 = tpu.memref_slice %arg18[%dma_wait3A_338] : memref<4096xf32, #tpu.memory_space<vmem>> -> memref<64xf32, #tpu.memory_space<vmem>>
              tpu.wait_dma2 semaphore(%arg23 : memref<!tpu.dma_semaphore, #tpu.memory_space<semaphore_mem>>) src(%dma_wait3A_339 : memref<64xf32, #tpu.memory_space<vmem>>) dst(%dma_wait3A_337 : memref<64xf32, #tpu.memory_space<hbm>>)
              %scan3A_340 = arith.constant 0 : i32
              scf.yield %scan3A_340 : i32
            }
            %scan3A_330 = arith.constant 32 : i32
          } else {
          }
          %mul3A_312 = arith.constant 64 : i32
          %mul3A_313 = arith.muli %and3A_244, %mul3A_312 : i32
          %mul3A_314 = arith.constant 64 : i32
          %mul3A_315 = arith.muli %shift_right_logical3A_238, %mul3A_314 : i32
          %dma_start3A_316 = tpu.memref_slice %arg18[%mul3A_313] : memref<4096xf32, #tpu.memory_space<vmem>> -> memref<64xf32, #tpu.memory_space<vmem>>
          %dma_start3A_317 = tpu.memref_slice %arg7[%mul3A_315] : memref<1048576xf32, #tpu.memory_space<hbm>> -> memref<64xf32, #tpu.memory_space<hbm>>
          %dma_start3A_318 = tpu.memref_slice %arg7[%mul3A_315] : memref<1048576xf32, #tpu.memory_space<hbm>> -> memref<64xf32, #tpu.memory_space<hbm>>
          %dma_start3A_319 = tpu.memref_slice %arg18[%mul3A_313] : memref<4096xf32, #tpu.memory_space<vmem>> -> memref<64xf32, #tpu.memory_space<vmem>>
          tpu.enqueue_dma source(%dma_start3A_319 : memref<64xf32, #tpu.memory_space<vmem>>) target(%dma_start3A_318 : memref<64xf32, #tpu.memory_space<hbm>>) target_semaphore(%arg23 : memref<!tpu.dma_semaphore, #tpu.memory_space<semaphore_mem>>)
          %not3A = arith.constant dense<true> : vector<16xi1>
          %not3A_320 = arith.xori %eq3A_216, %not3A : vector<16xi1>
          %and3A_321 = arith.andi %while3A_213, %not3A_320 : vector<16xi1>
          %add3A_322 = arith.constant 1 : i32
          %add3A_323 = arith.addi %while3A_214, %add3A_322 : i32
          scf.yield %and3A_321, %add3A_323 : vector<16xi1>, i32
        }
        scf.yield %while3A_212#1 : i32
      }
      %convert_element_type3A_113 = arith.extui %lt3A_88 : i1 to i32
      %cond3A_114 = arith.constant 0 : i32
      %cond3A_115 = arith.cmpi ne, %convert_element_type3A_113, %cond3A_114 : i32
      scf.if %cond3A_115 {
        %mul3A_197 = arith.constant 128 : i32
        %mul3A_198 = arith.muli %add3A_85, %mul3A_197 : i32
        %dma_start3A_199 = arith.constant 0 : i32
        %dma_start3A_200 = tpu.memref_slice %arg6[%dma_start3A_199, %mul3A_198] : memref<512x100000xf32, #tpu.memory_space<hbm>> -> memref<256x128xf32, #tpu.memory_space<hbm>>
        %dma_start3A_201 = arith.constant 0 : i32
        %dma_start3A_202 = tpu.memref_slice %arg6[%dma_start3A_201, %mul3A_198] : memref<512x100000xf32, #tpu.memory_space<hbm>> -> memref<256x128xf32, #tpu.memory_space<hbm>>
        tpu.enqueue_dma source(%dma_start3A_202 : memref<256x128xf32, #tpu.memory_space<hbm>>) target(%arg16 : memref<256x128xf32, #tpu.memory_space<vmem>>) target_semaphore(%arg21 : memref<!tpu.dma_semaphore, #tpu.memory_space<semaphore_mem>>)
      } else {
      }
      %convert_element_type3A_116 = arith.extui %lt3A_88 : i1 to i32
      %cond3A_117 = arith.constant 0 : i32
      %cond3A_118 = arith.cmpi ne, %convert_element_type3A_116, %cond3A_117 : i32
      scf.if %cond3A_118 {
        %dma_wait3A = arith.constant 0 : i32
        %dma_wait3A_197 = arith.constant 0 : i32
        %dma_wait3A_198 = tpu.memref_slice %arg5[%dma_wait3A, %dma_wait3A_197] : memref<512x100000xf32, #tpu.memory_space<hbm>> -> memref<256x128xf32, #tpu.memory_space<hbm>>
        %dma_wait3A_199 = arith.constant 0 : i32
        %dma_wait3A_200 = arith.constant 0 : i32
        %dma_wait3A_201 = tpu.memref_slice %arg5[%dma_wait3A_199, %dma_wait3A_200] : memref<512x100000xf32, #tpu.memory_space<hbm>> -> memref<256x128xf32, #tpu.memory_space<hbm>>
        tpu.wait_dma2 semaphore(%arg22 : memref<!tpu.dma_semaphore, #tpu.memory_space<semaphore_mem>>) src(%dma_wait3A_201 : memref<256x128xf32, #tpu.memory_space<hbm>>) dst(%arg17 : memref<256x128xf32, #tpu.memory_space<vmem>>)
      } else {
      }
      %mul3A_119 = arith.constant 2 : i32
      %mul3A_120 = arith.muli %add3A_85, %mul3A_119 : i32
      %add3A_121 = arith.constant 1 : i32
      %add3A_122 = arith.addi %mul3A_120, %add3A_121 : i32
      %broadcast_in_dim3A_123 = vector.broadcast %reduce_max3A_25 : i32 to vector<16xi32>
      %broadcast_in_dim3A_124 = vector.broadcast %add3A_122 : i32 to vector<16xi32>
      %add3A_125 = arith.constant 15 : i32
      %add3A_126 = arith.addi %reduce_max3A_25, %add3A_125 : i32
      %shift_right_logical3A_127 = arith.constant 4 : i32
      %shift_right_logical3A_128 = arith.shrui %add3A_126, %shift_right_logical3A_127 : i32
      %while3A_129 = arith.constant 0 : i32
      %while3A_130 = arith.subi %shift_right_logical3A_128, %while3A_129 : i32
      %while3A_131 = arith.addi %while3A_129, %while3A_130 : i32
      %while3A_132 = arith.constant 1 : i32
      %while3A_133 = arith.divsi %while3A_130, %while3A_132 : i32
      %while3A_134 = arith.muli %while3A_133, %while3A_132 : i32
      %while3A_135 = arith.addi %while3A_129, %while3A_134 : i32
      %while3A_136 = arith.constant 1 : i32
      %while3A_137 = scf.for %while3A_197 = %while3A_129 to %while3A_135 step %while3A_136 iter_args(%while3A_198 = %while3A_112) -> (i32)  : i32 {
        %mul3A_199 = arith.constant 16 : i32
        %mul3A_200 = arith.muli %while3A_197, %mul3A_199 : i32
        %get3A = arith.index_cast %mul3A_200 : i32 to index
        %get3A_201 = tpu.vector_load %arg12[%get3A] {strides = array<i32>} : memref<2048xi32, #tpu.memory_space<vmem>>, vector<16xi32>,
        %get3A_202 = arith.index_cast %mul3A_200 : i32 to index
        %get3A_203 = tpu.vector_load %arg13[%get3A_202] {strides = array<i32>} : memref<2048xi32, #tpu.memory_space<vmem>>, vector<16xi32>,
        %mul3A_204 = arith.constant 16 : i32
        %mul3A_205 = arith.muli %while3A_197, %mul3A_204 : i32
        %broadcast_in_dim3A_206 = vector.broadcast %mul3A_205 : i32 to vector<16xi32>
        %iota3A = tpu.iota {dimensions = array<i32: 0>} : vector<16xi32>
        %add3A_207 = arith.addi %broadcast_in_dim3A_206, %iota3A : vector<16xi32>
        %lt3A_208 = arith.cmpi slt, %add3A_207, %broadcast_in_dim3A_123 : vector<16xi32>
        %shift_right_logical3A_209 = arith.constant 2 : i32
        %shift_right_logical3A_210 = vector.broadcast %shift_right_logical3A_209 : i32 to vector<16xi32>
        %shift_right_logical3A_211 = arith.shrui %get3A_201, %shift_right_logical3A_210 : vector<16xi32>
        %eq3A = arith.cmpi eq, %shift_right_logical3A_211, %broadcast_in_dim3A_124 : vector<16xi32>
        %and3A = arith.andi %eq3A, %lt3A_208 : vector<16xi1>
        %while3A_212:2 = scf.while (%while3A_213 = %and3A, %while3A_214 = %while3A_198) : (vector<16xi1>, i32) -> (vector<16xi1>, i32) {
          %convert_element_type3A_215 = arith.extui %while3A_213 : vector<16xi1> to vector<16xi32>
          %reduce_max3A_216 = arith.constant true
          %reduce_max3A_217 = vector.broadcast %reduce_max3A_216 : i1 to vector<16xi1>
          %reduce_max3A_218 = arith.constant -2147483648 : i32
          %reduce_max3A_219 = vector.broadcast %reduce_max3A_218 : i32 to vector<16xi32>
          %reduce_max3A_220 = arith.xori %convert_element_type3A_215, %reduce_max3A_219 : vector<16xi32>
          %reduce_max3A_221 = tpu.scan <max>, %reduce_max3A_220 masked %reduce_max3A_217 : vector<16xi32>, vector<16xi1> -> vector<16xi32>
          %reduce_max3A_222 = arith.xori %reduce_max3A_221, %reduce_max3A_219 : vector<16xi32>
          %reduce_max3A_223 = vector.extract %reduce_max3A_222[15] : i32 from vector<16xi32>
          %gt3A = arith.constant 0 : i32
          %gt3A_224 = arith.cmpi sgt, %reduce_max3A_223, %gt3A : i32
          scf.condition(%gt3A_224) %while3A_213, %while3A_214 : vector<16xi1>, i32
        } do {
        ^bb0(%while3A_213: vector<16xi1>, %while3A_214: i32):
          %all_reduce_ffs3A = tpu.all_reduce %while3A_213 {dim = 0 : i64, kind = #tpu.reduction_kind<find_first_set>} : vector<16xi1> -> vector<16xi32>
          %iota3A_215 = tpu.iota {dimensions = array<i32: 0>} : vector<16xi32>
          %eq3A_216 = arith.cmpi eq, %iota3A_215, %all_reduce_ffs3A : vector<16xi32>
          %jit3A = arith.constant 0 : i32
          %broadcast_in_dim3A_217 = vector.broadcast %jit3A : i32 to vector<16xi32>
          %select_n3A = arith.select %eq3A_216, %get3A_203, %broadcast_in_dim3A_217 : vector<16xi1>, vector<16xi32>
          %reduce_max3A_218 = arith.constant true
          %reduce_max3A_219 = vector.broadcast %reduce_max3A_218 : i1 to vector<16xi1>
          %reduce_max3A_220 = arith.constant -2147483648 : i32
          %reduce_max3A_221 = vector.broadcast %reduce_max3A_220 : i32 to vector<16xi32>
          %reduce_max3A_222 = arith.xori %select_n3A, %reduce_max3A_221 : vector<16xi32>
          %reduce_max3A_223 = tpu.scan <max>, %reduce_max3A_222 masked %reduce_max3A_219 : vector<16xi32>, vector<16xi1> -> vector<16xi32>
          %reduce_max3A_224 = arith.xori %reduce_max3A_223, %reduce_max3A_221 : vector<16xi32>
          %reduce_max3A_225 = vector.extract %reduce_max3A_224[15] : i32 from vector<16xi32>
          %jit3A_226 = arith.constant 0 : i32
          %broadcast_in_dim3A_227 = vector.broadcast %jit3A_226 : i32 to vector<16xi32>
          %select_n3A_228 = arith.select %eq3A_216, %get3A_201, %broadcast_in_dim3A_227 : vector<16xi1>, vector<16xi32>
          %reduce_max3A_229 = arith.constant true
          %reduce_max3A_230 = vector.broadcast %reduce_max3A_229 : i1 to vector<16xi1>
          %reduce_max3A_231 = arith.constant -2147483648 : i32
          %reduce_max3A_232 = vector.broadcast %reduce_max3A_231 : i32 to vector<16xi32>
          %reduce_max3A_233 = arith.xori %select_n3A_228, %reduce_max3A_232 : vector<16xi32>
          %reduce_max3A_234 = tpu.scan <max>, %reduce_max3A_233 masked %reduce_max3A_230 : vector<16xi32>, vector<16xi1> -> vector<16xi32>
          %reduce_max3A_235 = arith.xori %reduce_max3A_234, %reduce_max3A_232 : vector<16xi32>
          %reduce_max3A_236 = vector.extract %reduce_max3A_235[15] : i32 from vector<16xi32>
          %shift_right_logical3A_237 = arith.constant 7 : i32
          %shift_right_logical3A_238 = arith.shrui %reduce_max3A_225, %shift_right_logical3A_237 : i32
          %and3A_239 = arith.constant 127 : i32
          %and3A_240 = arith.andi %reduce_max3A_225, %and3A_239 : i32
          %and3A_241 = arith.constant 3 : i32
          %and3A_242 = arith.andi %reduce_max3A_236, %and3A_241 : i32
          %and3A_243 = arith.constant 63 : i32
          %and3A_244 = arith.andi %while3A_214, %and3A_243 : i32
          %mul3A_245 = arith.constant 64 : i32
          %mul3A_246 = arith.muli %and3A_242, %mul3A_245 : i32
          %add3A_247 = arith.constant 0 : i32
          %add3A_248 = arith.addi %mul3A_246, %add3A_247 : i32
          %broadcast_in_dim3A_249 = vector.broadcast %add3A_248 : i32 to vector<16xi32>
          %iota3A_250 = tpu.iota {dimensions = array<i32: 0>} : vector<16xi32>
          %add3A_251 = arith.addi %broadcast_in_dim3A_249, %iota3A_250 : vector<16xi32>
          %broadcast_in_dim3A_252 = vector.broadcast %and3A_240 : i32 to vector<16xi32>
          %gather3A = tpu.vector_load_idx %arg17[%add3A_251, %broadcast_in_dim3A_252] : memref<256x128xf32, #tpu.memory_space<vmem>>[vector<16xi32>, vector<16xi32>], vector<16xf32>,
          %mul3A_253 = arith.constant 64 : i32
          %mul3A_254 = arith.muli %and3A_244, %mul3A_253 : i32
          %add3A_255 = arith.constant 0 : i32
          %add3A_256 = arith.addi %mul3A_254, %add3A_255 : i32
          %swap3A = arith.index_cast %add3A_256 : i32 to index
          %swap3A_257 = tpu.vector_load %arg18[%swap3A] {strides = array<i32>} : memref<4096xf32, #tpu.memory_space<vmem>>, vector<16xf32>,
          tpu.vector_store %arg18[%swap3A], %gather3A {strides = array<i32>} : memref<4096xf32, #tpu.memory_space<vmem>>, vector<16xf32>,
          %mul3A_258 = arith.constant 64 : i32
          %mul3A_259 = arith.muli %and3A_242, %mul3A_258 : i32
          %add3A_260 = arith.constant 16 : i32
          %add3A_261 = arith.addi %mul3A_259, %add3A_260 : i32
          %broadcast_in_dim3A_262 = vector.broadcast %add3A_261 : i32 to vector<16xi32>
          %iota3A_263 = tpu.iota {dimensions = array<i32: 0>} : vector<16xi32>
          %add3A_264 = arith.addi %broadcast_in_dim3A_262, %iota3A_263 : vector<16xi32>
          %broadcast_in_dim3A_265 = vector.broadcast %and3A_240 : i32 to vector<16xi32>
          %gather3A_266 = tpu.vector_load_idx %arg17[%add3A_264, %broadcast_in_dim3A_265] : memref<256x128xf32, #tpu.memory_space<vmem>>[vector<16xi32>, vector<16xi32>], vector<16xf32>,
          %mul3A_267 = arith.constant 64 : i32
          %mul3A_268 = arith.muli %and3A_244, %mul3A_267 : i32
          %add3A_269 = arith.constant 16 : i32
          %add3A_270 = arith.addi %mul3A_268, %add3A_269 : i32
          %swap3A_271 = arith.index_cast %add3A_270 : i32 to index
          %swap3A_272 = tpu.vector_load %arg18[%swap3A_271] {strides = array<i32>} : memref<4096xf32, #tpu.memory_space<vmem>>, vector<16xf32>,
          tpu.vector_store %arg18[%swap3A_271], %gather3A_266 {strides = array<i32>} : memref<4096xf32, #tpu.memory_space<vmem>>, vector<16xf32>,
          %mul3A_273 = arith.constant 64 : i32
          %mul3A_274 = arith.muli %and3A_242, %mul3A_273 : i32
          %add3A_275 = arith.constant 32 : i32
          %add3A_276 = arith.addi %mul3A_274, %add3A_275 : i32
          %broadcast_in_dim3A_277 = vector.broadcast %add3A_276 : i32 to vector<16xi32>
          %iota3A_278 = tpu.iota {dimensions = array<i32: 0>} : vector<16xi32>
          %add3A_279 = arith.addi %broadcast_in_dim3A_277, %iota3A_278 : vector<16xi32>
          %broadcast_in_dim3A_280 = vector.broadcast %and3A_240 : i32 to vector<16xi32>
          %gather3A_281 = tpu.vector_load_idx %arg17[%add3A_279, %broadcast_in_dim3A_280] : memref<256x128xf32, #tpu.memory_space<vmem>>[vector<16xi32>, vector<16xi32>], vector<16xf32>,
          %mul3A_282 = arith.constant 64 : i32
          %mul3A_283 = arith.muli %and3A_244, %mul3A_282 : i32
          %add3A_284 = arith.constant 32 : i32
          %add3A_285 = arith.addi %mul3A_283, %add3A_284 : i32
          %swap3A_286 = arith.index_cast %add3A_285 : i32 to index
          %swap3A_287 = tpu.vector_load %arg18[%swap3A_286] {strides = array<i32>} : memref<4096xf32, #tpu.memory_space<vmem>>, vector<16xf32>,
          tpu.vector_store %arg18[%swap3A_286], %gather3A_281 {strides = array<i32>} : memref<4096xf32, #tpu.memory_space<vmem>>, vector<16xf32>,
          %mul3A_288 = arith.constant 64 : i32
          %mul3A_289 = arith.muli %and3A_242, %mul3A_288 : i32
          %add3A_290 = arith.constant 48 : i32
          %add3A_291 = arith.addi %mul3A_289, %add3A_290 : i32
          %broadcast_in_dim3A_292 = vector.broadcast %add3A_291 : i32 to vector<16xi32>
          %iota3A_293 = tpu.iota {dimensions = array<i32: 0>} : vector<16xi32>
          %add3A_294 = arith.addi %broadcast_in_dim3A_292, %iota3A_293 : vector<16xi32>
          %broadcast_in_dim3A_295 = vector.broadcast %and3A_240 : i32 to vector<16xi32>
          %gather3A_296 = tpu.vector_load_idx %arg17[%add3A_294, %broadcast_in_dim3A_295] : memref<256x128xf32, #tpu.memory_space<vmem>>[vector<16xi32>, vector<16xi32>], vector<16xf32>,
          %mul3A_297 = arith.constant 64 : i32
          %mul3A_298 = arith.muli %and3A_244, %mul3A_297 : i32
          %add3A_299 = arith.constant 48 : i32
          %add3A_300 = arith.addi %mul3A_298, %add3A_299 : i32
          %swap3A_301 = arith.index_cast %add3A_300 : i32 to index
          %swap3A_302 = tpu.vector_load %arg18[%swap3A_301] {strides = array<i32>} : memref<4096xf32, #tpu.memory_space<vmem>>, vector<16xf32>,
          tpu.vector_store %arg18[%swap3A_301], %gather3A_296 {strides = array<i32>} : memref<4096xf32, #tpu.memory_space<vmem>>, vector<16xf32>,
          %ge3A = arith.constant 32 : i32
          %ge3A_303 = arith.cmpi sge, %while3A_214, %ge3A : i32
          %and3A_304 = arith.constant 31 : i32
          %and3A_305 = arith.andi %while3A_214, %and3A_304 : i32
          %eq3A_306 = arith.constant 0 : i32
          %eq3A_307 = arith.cmpi eq, %and3A_305, %eq3A_306 : i32
          %and3A_308 = arith.andi %ge3A_303, %eq3A_307 : i1
          %convert_element_type3A_309 = arith.extui %and3A_308 : i1 to i32
          %cond3A_310 = arith.constant 0 : i32
          %cond3A_311 = arith.cmpi ne, %convert_element_type3A_309, %cond3A_310 : i32
          scf.if %cond3A_311 {
            %scan3A_324 = arith.constant 0 : i32
            %scan3A_325 = arith.constant 0 : i32
            %scan3A_326 = arith.constant 32 : i32
            %scan3A_327 = arith.addi %scan3A_325, %scan3A_326 : i32
            %scan3A_328 = arith.constant 1 : i32
            %scan3A_329 = scf.for %scan3A_331 = %scan3A_325 to %scan3A_327 step %scan3A_328 iter_args(%scan3A_332 = %scan3A_324) -> (i32)  : i32 {
              %dma_wait3A = arith.constant 0 : i32
              %dma_wait3A_333 = tpu.memref_slice %arg18[%dma_wait3A] : memref<4096xf32, #tpu.memory_space<vmem>> -> memref<64xf32, #tpu.memory_space<vmem>>
              %dma_wait3A_334 = arith.constant 0 : i32
              %dma_wait3A_335 = tpu.memref_slice %arg7[%dma_wait3A_334] : memref<1048576xf32, #tpu.memory_space<hbm>> -> memref<64xf32, #tpu.memory_space<hbm>>
              %dma_wait3A_336 = arith.constant 0 : i32
              %dma_wait3A_337 = tpu.memref_slice %arg7[%dma_wait3A_336] : memref<1048576xf32, #tpu.memory_space<hbm>> -> memref<64xf32, #tpu.memory_space<hbm>>
              %dma_wait3A_338 = arith.constant 0 : i32
              %dma_wait3A_339 = tpu.memref_slice %arg18[%dma_wait3A_338] : memref<4096xf32, #tpu.memory_space<vmem>> -> memref<64xf32, #tpu.memory_space<vmem>>
              tpu.wait_dma2 semaphore(%arg23 : memref<!tpu.dma_semaphore, #tpu.memory_space<semaphore_mem>>) src(%dma_wait3A_339 : memref<64xf32, #tpu.memory_space<vmem>>) dst(%dma_wait3A_337 : memref<64xf32, #tpu.memory_space<hbm>>)
              %scan3A_340 = arith.constant 0 : i32
              scf.yield %scan3A_340 : i32
            }
            %scan3A_330 = arith.constant 32 : i32
          } else {
          }
          %mul3A_312 = arith.constant 64 : i32
          %mul3A_313 = arith.muli %and3A_244, %mul3A_312 : i32
          %mul3A_314 = arith.constant 64 : i32
          %mul3A_315 = arith.muli %shift_right_logical3A_238, %mul3A_314 : i32
          %dma_start3A_316 = tpu.memref_slice %arg18[%mul3A_313] : memref<4096xf32, #tpu.memory_space<vmem>> -> memref<64xf32, #tpu.memory_space<vmem>>
          %dma_start3A_317 = tpu.memref_slice %arg7[%mul3A_315] : memref<1048576xf32, #tpu.memory_space<hbm>> -> memref<64xf32, #tpu.memory_space<hbm>>
          %dma_start3A_318 = tpu.memref_slice %arg7[%mul3A_315] : memref<1048576xf32, #tpu.memory_space<hbm>> -> memref<64xf32, #tpu.memory_space<hbm>>
          %dma_start3A_319 = tpu.memref_slice %arg18[%mul3A_313] : memref<4096xf32, #tpu.memory_space<vmem>> -> memref<64xf32, #tpu.memory_space<vmem>>
          tpu.enqueue_dma source(%dma_start3A_319 : memref<64xf32, #tpu.memory_space<vmem>>) target(%dma_start3A_318 : memref<64xf32, #tpu.memory_space<hbm>>) target_semaphore(%arg23 : memref<!tpu.dma_semaphore, #tpu.memory_space<semaphore_mem>>)
          %not3A = arith.constant dense<true> : vector<16xi1>
          %not3A_320 = arith.xori %eq3A_216, %not3A : vector<16xi1>
          %and3A_321 = arith.andi %while3A_213, %not3A_320 : vector<16xi1>
          %add3A_322 = arith.constant 1 : i32
          %add3A_323 = arith.addi %while3A_214, %add3A_322 : i32
          scf.yield %and3A_321, %add3A_323 : vector<16xi1>, i32
        }
        scf.yield %while3A_212#1 : i32
      }
      %while3A_138 = arith.constant 1 : i32
      %while3A_139 = scf.for %while3A_197 = %while3A_135 to %while3A_131 step %while3A_138 iter_args(%while3A_198 = %while3A_137) -> (i32)  : i32 {
        %mul3A_199 = arith.constant 16 : i32
        %mul3A_200 = arith.muli %while3A_197, %mul3A_199 : i32
        %get3A = arith.index_cast %mul3A_200 : i32 to index
        %get3A_201 = tpu.vector_load %arg12[%get3A] {strides = array<i32>} : memref<2048xi32, #tpu.memory_space<vmem>>, vector<16xi32>,
        %get3A_202 = arith.index_cast %mul3A_200 : i32 to index
        %get3A_203 = tpu.vector_load %arg13[%get3A_202] {strides = array<i32>} : memref<2048xi32, #tpu.memory_space<vmem>>, vector<16xi32>,
        %mul3A_204 = arith.constant 16 : i32
        %mul3A_205 = arith.muli %while3A_197, %mul3A_204 : i32
        %broadcast_in_dim3A_206 = vector.broadcast %mul3A_205 : i32 to vector<16xi32>
        %iota3A = tpu.iota {dimensions = array<i32: 0>} : vector<16xi32>
        %add3A_207 = arith.addi %broadcast_in_dim3A_206, %iota3A : vector<16xi32>
        %lt3A_208 = arith.cmpi slt, %add3A_207, %broadcast_in_dim3A_123 : vector<16xi32>
        %shift_right_logical3A_209 = arith.constant 2 : i32
        %shift_right_logical3A_210 = vector.broadcast %shift_right_logical3A_209 : i32 to vector<16xi32>
        %shift_right_logical3A_211 = arith.shrui %get3A_201, %shift_right_logical3A_210 : vector<16xi32>
        %eq3A = arith.cmpi eq, %shift_right_logical3A_211, %broadcast_in_dim3A_124 : vector<16xi32>
        %and3A = arith.andi %eq3A, %lt3A_208 : vector<16xi1>
        %while3A_212:2 = scf.while (%while3A_213 = %and3A, %while3A_214 = %while3A_198) : (vector<16xi1>, i32) -> (vector<16xi1>, i32) {
          %convert_element_type3A_215 = arith.extui %while3A_213 : vector<16xi1> to vector<16xi32>
          %reduce_max3A_216 = arith.constant true
          %reduce_max3A_217 = vector.broadcast %reduce_max3A_216 : i1 to vector<16xi1>
          %reduce_max3A_218 = arith.constant -2147483648 : i32
          %reduce_max3A_219 = vector.broadcast %reduce_max3A_218 : i32 to vector<16xi32>
          %reduce_max3A_220 = arith.xori %convert_element_type3A_215, %reduce_max3A_219 : vector<16xi32>
          %reduce_max3A_221 = tpu.scan <max>, %reduce_max3A_220 masked %reduce_max3A_217 : vector<16xi32>, vector<16xi1> -> vector<16xi32>
          %reduce_max3A_222 = arith.xori %reduce_max3A_221, %reduce_max3A_219 : vector<16xi32>
          %reduce_max3A_223 = vector.extract %reduce_max3A_222[15] : i32 from vector<16xi32>
          %gt3A = arith.constant 0 : i32
          %gt3A_224 = arith.cmpi sgt, %reduce_max3A_223, %gt3A : i32
          scf.condition(%gt3A_224) %while3A_213, %while3A_214 : vector<16xi1>, i32
        } do {
        ^bb0(%while3A_213: vector<16xi1>, %while3A_214: i32):
          %all_reduce_ffs3A = tpu.all_reduce %while3A_213 {dim = 0 : i64, kind = #tpu.reduction_kind<find_first_set>} : vector<16xi1> -> vector<16xi32>
          %iota3A_215 = tpu.iota {dimensions = array<i32: 0>} : vector<16xi32>
          %eq3A_216 = arith.cmpi eq, %iota3A_215, %all_reduce_ffs3A : vector<16xi32>
          %jit3A = arith.constant 0 : i32
          %broadcast_in_dim3A_217 = vector.broadcast %jit3A : i32 to vector<16xi32>
          %select_n3A = arith.select %eq3A_216, %get3A_203, %broadcast_in_dim3A_217 : vector<16xi1>, vector<16xi32>
          %reduce_max3A_218 = arith.constant true
          %reduce_max3A_219 = vector.broadcast %reduce_max3A_218 : i1 to vector<16xi1>
          %reduce_max3A_220 = arith.constant -2147483648 : i32
          %reduce_max3A_221 = vector.broadcast %reduce_max3A_220 : i32 to vector<16xi32>
          %reduce_max3A_222 = arith.xori %select_n3A, %reduce_max3A_221 : vector<16xi32>
          %reduce_max3A_223 = tpu.scan <max>, %reduce_max3A_222 masked %reduce_max3A_219 : vector<16xi32>, vector<16xi1> -> vector<16xi32>
          %reduce_max3A_224 = arith.xori %reduce_max3A_223, %reduce_max3A_221 : vector<16xi32>
          %reduce_max3A_225 = vector.extract %reduce_max3A_224[15] : i32 from vector<16xi32>
          %jit3A_226 = arith.constant 0 : i32
          %broadcast_in_dim3A_227 = vector.broadcast %jit3A_226 : i32 to vector<16xi32>
          %select_n3A_228 = arith.select %eq3A_216, %get3A_201, %broadcast_in_dim3A_227 : vector<16xi1>, vector<16xi32>
          %reduce_max3A_229 = arith.constant true
          %reduce_max3A_230 = vector.broadcast %reduce_max3A_229 : i1 to vector<16xi1>
          %reduce_max3A_231 = arith.constant -2147483648 : i32
          %reduce_max3A_232 = vector.broadcast %reduce_max3A_231 : i32 to vector<16xi32>
          %reduce_max3A_233 = arith.xori %select_n3A_228, %reduce_max3A_232 : vector<16xi32>
          %reduce_max3A_234 = tpu.scan <max>, %reduce_max3A_233 masked %reduce_max3A_230 : vector<16xi32>, vector<16xi1> -> vector<16xi32>
          %reduce_max3A_235 = arith.xori %reduce_max3A_234, %reduce_max3A_232 : vector<16xi32>
          %reduce_max3A_236 = vector.extract %reduce_max3A_235[15] : i32 from vector<16xi32>
          %shift_right_logical3A_237 = arith.constant 7 : i32
          %shift_right_logical3A_238 = arith.shrui %reduce_max3A_225, %shift_right_logical3A_237 : i32
          %and3A_239 = arith.constant 127 : i32
          %and3A_240 = arith.andi %reduce_max3A_225, %and3A_239 : i32
          %and3A_241 = arith.constant 3 : i32
          %and3A_242 = arith.andi %reduce_max3A_236, %and3A_241 : i32
          %and3A_243 = arith.constant 63 : i32
          %and3A_244 = arith.andi %while3A_214, %and3A_243 : i32
          %mul3A_245 = arith.constant 64 : i32
          %mul3A_246 = arith.muli %and3A_242, %mul3A_245 : i32
          %add3A_247 = arith.constant 0 : i32
          %add3A_248 = arith.addi %mul3A_246, %add3A_247 : i32
          %broadcast_in_dim3A_249 = vector.broadcast %add3A_248 : i32 to vector<16xi32>
          %iota3A_250 = tpu.iota {dimensions = array<i32: 0>} : vector<16xi32>
          %add3A_251 = arith.addi %broadcast_in_dim3A_249, %iota3A_250 : vector<16xi32>
          %broadcast_in_dim3A_252 = vector.broadcast %and3A_240 : i32 to vector<16xi32>
          %gather3A = tpu.vector_load_idx %arg17[%add3A_251, %broadcast_in_dim3A_252] : memref<256x128xf32, #tpu.memory_space<vmem>>[vector<16xi32>, vector<16xi32>], vector<16xf32>,
          %mul3A_253 = arith.constant 64 : i32
          %mul3A_254 = arith.muli %and3A_244, %mul3A_253 : i32
          %add3A_255 = arith.constant 0 : i32
          %add3A_256 = arith.addi %mul3A_254, %add3A_255 : i32
          %swap3A = arith.index_cast %add3A_256 : i32 to index
          %swap3A_257 = tpu.vector_load %arg18[%swap3A] {strides = array<i32>} : memref<4096xf32, #tpu.memory_space<vmem>>, vector<16xf32>,
          tpu.vector_store %arg18[%swap3A], %gather3A {strides = array<i32>} : memref<4096xf32, #tpu.memory_space<vmem>>, vector<16xf32>,
          %mul3A_258 = arith.constant 64 : i32
          %mul3A_259 = arith.muli %and3A_242, %mul3A_258 : i32
          %add3A_260 = arith.constant 16 : i32
          %add3A_261 = arith.addi %mul3A_259, %add3A_260 : i32
          %broadcast_in_dim3A_262 = vector.broadcast %add3A_261 : i32 to vector<16xi32>
          %iota3A_263 = tpu.iota {dimensions = array<i32: 0>} : vector<16xi32>
          %add3A_264 = arith.addi %broadcast_in_dim3A_262, %iota3A_263 : vector<16xi32>
          %broadcast_in_dim3A_265 = vector.broadcast %and3A_240 : i32 to vector<16xi32>
          %gather3A_266 = tpu.vector_load_idx %arg17[%add3A_264, %broadcast_in_dim3A_265] : memref<256x128xf32, #tpu.memory_space<vmem>>[vector<16xi32>, vector<16xi32>], vector<16xf32>,
          %mul3A_267 = arith.constant 64 : i32
          %mul3A_268 = arith.muli %and3A_244, %mul3A_267 : i32
          %add3A_269 = arith.constant 16 : i32
          %add3A_270 = arith.addi %mul3A_268, %add3A_269 : i32
          %swap3A_271 = arith.index_cast %add3A_270 : i32 to index
          %swap3A_272 = tpu.vector_load %arg18[%swap3A_271] {strides = array<i32>} : memref<4096xf32, #tpu.memory_space<vmem>>, vector<16xf32>,
          tpu.vector_store %arg18[%swap3A_271], %gather3A_266 {strides = array<i32>} : memref<4096xf32, #tpu.memory_space<vmem>>, vector<16xf32>,
          %mul3A_273 = arith.constant 64 : i32
          %mul3A_274 = arith.muli %and3A_242, %mul3A_273 : i32
          %add3A_275 = arith.constant 32 : i32
          %add3A_276 = arith.addi %mul3A_274, %add3A_275 : i32
          %broadcast_in_dim3A_277 = vector.broadcast %add3A_276 : i32 to vector<16xi32>
          %iota3A_278 = tpu.iota {dimensions = array<i32: 0>} : vector<16xi32>
          %add3A_279 = arith.addi %broadcast_in_dim3A_277, %iota3A_278 : vector<16xi32>
          %broadcast_in_dim3A_280 = vector.broadcast %and3A_240 : i32 to vector<16xi32>
          %gather3A_281 = tpu.vector_load_idx %arg17[%add3A_279, %broadcast_in_dim3A_280] : memref<256x128xf32, #tpu.memory_space<vmem>>[vector<16xi32>, vector<16xi32>], vector<16xf32>,
          %mul3A_282 = arith.constant 64 : i32
          %mul3A_283 = arith.muli %and3A_244, %mul3A_282 : i32
          %add3A_284 = arith.constant 32 : i32
          %add3A_285 = arith.addi %mul3A_283, %add3A_284 : i32
          %swap3A_286 = arith.index_cast %add3A_285 : i32 to index
          %swap3A_287 = tpu.vector_load %arg18[%swap3A_286] {strides = array<i32>} : memref<4096xf32, #tpu.memory_space<vmem>>, vector<16xf32>,
          tpu.vector_store %arg18[%swap3A_286], %gather3A_281 {strides = array<i32>} : memref<4096xf32, #tpu.memory_space<vmem>>, vector<16xf32>,
          %mul3A_288 = arith.constant 64 : i32
          %mul3A_289 = arith.muli %and3A_242, %mul3A_288 : i32
          %add3A_290 = arith.constant 48 : i32
          %add3A_291 = arith.addi %mul3A_289, %add3A_290 : i32
          %broadcast_in_dim3A_292 = vector.broadcast %add3A_291 : i32 to vector<16xi32>
          %iota3A_293 = tpu.iota {dimensions = array<i32: 0>} : vector<16xi32>
          %add3A_294 = arith.addi %broadcast_in_dim3A_292, %iota3A_293 : vector<16xi32>
          %broadcast_in_dim3A_295 = vector.broadcast %and3A_240 : i32 to vector<16xi32>
          %gather3A_296 = tpu.vector_load_idx %arg17[%add3A_294, %broadcast_in_dim3A_295] : memref<256x128xf32, #tpu.memory_space<vmem>>[vector<16xi32>, vector<16xi32>], vector<16xf32>,
          %mul3A_297 = arith.constant 64 : i32
          %mul3A_298 = arith.muli %and3A_244, %mul3A_297 : i32
          %add3A_299 = arith.constant 48 : i32
          %add3A_300 = arith.addi %mul3A_298, %add3A_299 : i32
          %swap3A_301 = arith.index_cast %add3A_300 : i32 to index
          %swap3A_302 = tpu.vector_load %arg18[%swap3A_301] {strides = array<i32>} : memref<4096xf32, #tpu.memory_space<vmem>>, vector<16xf32>,
          tpu.vector_store %arg18[%swap3A_301], %gather3A_296 {strides = array<i32>} : memref<4096xf32, #tpu.memory_space<vmem>>, vector<16xf32>,
          %ge3A = arith.constant 32 : i32
          %ge3A_303 = arith.cmpi sge, %while3A_214, %ge3A : i32
          %and3A_304 = arith.constant 31 : i32
          %and3A_305 = arith.andi %while3A_214, %and3A_304 : i32
          %eq3A_306 = arith.constant 0 : i32
          %eq3A_307 = arith.cmpi eq, %and3A_305, %eq3A_306 : i32
          %and3A_308 = arith.andi %ge3A_303, %eq3A_307 : i1
          %convert_element_type3A_309 = arith.extui %and3A_308 : i1 to i32
          %cond3A_310 = arith.constant 0 : i32
          %cond3A_311 = arith.cmpi ne, %convert_element_type3A_309, %cond3A_310 : i32
          scf.if %cond3A_311 {
            %scan3A_324 = arith.constant 0 : i32
            %scan3A_325 = arith.constant 0 : i32
            %scan3A_326 = arith.constant 32 : i32
            %scan3A_327 = arith.addi %scan3A_325, %scan3A_326 : i32
            %scan3A_328 = arith.constant 1 : i32
            %scan3A_329 = scf.for %scan3A_331 = %scan3A_325 to %scan3A_327 step %scan3A_328 iter_args(%scan3A_332 = %scan3A_324) -> (i32)  : i32 {
              %dma_wait3A = arith.constant 0 : i32
              %dma_wait3A_333 = tpu.memref_slice %arg18[%dma_wait3A] : memref<4096xf32, #tpu.memory_space<vmem>> -> memref<64xf32, #tpu.memory_space<vmem>>
              %dma_wait3A_334 = arith.constant 0 : i32
              %dma_wait3A_335 = tpu.memref_slice %arg7[%dma_wait3A_334] : memref<1048576xf32, #tpu.memory_space<hbm>> -> memref<64xf32, #tpu.memory_space<hbm>>
              %dma_wait3A_336 = arith.constant 0 : i32
              %dma_wait3A_337 = tpu.memref_slice %arg7[%dma_wait3A_336] : memref<1048576xf32, #tpu.memory_space<hbm>> -> memref<64xf32, #tpu.memory_space<hbm>>
              %dma_wait3A_338 = arith.constant 0 : i32
              %dma_wait3A_339 = tpu.memref_slice %arg18[%dma_wait3A_338] : memref<4096xf32, #tpu.memory_space<vmem>> -> memref<64xf32, #tpu.memory_space<vmem>>
              tpu.wait_dma2 semaphore(%arg23 : memref<!tpu.dma_semaphore, #tpu.memory_space<semaphore_mem>>) src(%dma_wait3A_339 : memref<64xf32, #tpu.memory_space<vmem>>) dst(%dma_wait3A_337 : memref<64xf32, #tpu.memory_space<hbm>>)
              %scan3A_340 = arith.constant 0 : i32
              scf.yield %scan3A_340 : i32
            }
            %scan3A_330 = arith.constant 32 : i32
          } else {
          }
          %mul3A_312 = arith.constant 64 : i32
          %mul3A_313 = arith.muli %and3A_244, %mul3A_312 : i32
          %mul3A_314 = arith.constant 64 : i32
          %mul3A_315 = arith.muli %shift_right_logical3A_238, %mul3A_314 : i32
          %dma_start3A_316 = tpu.memref_slice %arg18[%mul3A_313] : memref<4096xf32, #tpu.memory_space<vmem>> -> memref<64xf32, #tpu.memory_space<vmem>>
          %dma_start3A_317 = tpu.memref_slice %arg7[%mul3A_315] : memref<1048576xf32, #tpu.memory_space<hbm>> -> memref<64xf32, #tpu.memory_space<hbm>>
          %dma_start3A_318 = tpu.memref_slice %arg7[%mul3A_315] : memref<1048576xf32, #tpu.memory_space<hbm>> -> memref<64xf32, #tpu.memory_space<hbm>>
          %dma_start3A_319 = tpu.memref_slice %arg18[%mul3A_313] : memref<4096xf32, #tpu.memory_space<vmem>> -> memref<64xf32, #tpu.memory_space<vmem>>
          tpu.enqueue_dma source(%dma_start3A_319 : memref<64xf32, #tpu.memory_space<vmem>>) target(%dma_start3A_318 : memref<64xf32, #tpu.memory_space<hbm>>) target_semaphore(%arg23 : memref<!tpu.dma_semaphore, #tpu.memory_space<semaphore_mem>>)
          %not3A = arith.constant dense<true> : vector<16xi1>
          %not3A_320 = arith.xori %eq3A_216, %not3A : vector<16xi1>
          %and3A_321 = arith.andi %while3A_213, %not3A_320 : vector<16xi1>
          %add3A_322 = arith.constant 1 : i32
          %add3A_323 = arith.addi %while3A_214, %add3A_322 : i32
          scf.yield %and3A_321, %add3A_323 : vector<16xi1>, i32
        }
        scf.yield %while3A_212#1 : i32
      }
      %convert_element_type3A_140 = arith.extui %lt3A_88 : i1 to i32
      %cond3A_141 = arith.constant 0 : i32
      %cond3A_142 = arith.cmpi ne, %convert_element_type3A_140, %cond3A_141 : i32
      scf.if %cond3A_142 {
        %mul3A_197 = arith.constant 128 : i32
        %mul3A_198 = arith.muli %add3A_85, %mul3A_197 : i32
        %dma_start3A_199 = arith.constant 256 : i32
        %dma_start3A_200 = tpu.memref_slice %arg6[%dma_start3A_199, %mul3A_198] : memref<512x100000xf32, #tpu.memory_space<hbm>> -> memref<256x128xf32, #tpu.memory_space<hbm>>
        %dma_start3A_201 = arith.constant 256 : i32
        %dma_start3A_202 = tpu.memref_slice %arg6[%dma_start3A_201, %mul3A_198] : memref<512x100000xf32, #tpu.memory_space<hbm>> -> memref<256x128xf32, #tpu.memory_space<hbm>>
        tpu.enqueue_dma source(%dma_start3A_202 : memref<256x128xf32, #tpu.memory_space<hbm>>) target(%arg17 : memref<256x128xf32, #tpu.memory_space<vmem>>) target_semaphore(%arg22 : memref<!tpu.dma_semaphore, #tpu.memory_space<semaphore_mem>>)
      } else {
      }
      %convert_element_type3A_143 = arith.extui %lt3A_88 : i1 to i32
      %cond3A_144 = arith.constant 0 : i32
      %cond3A_145 = arith.cmpi ne, %convert_element_type3A_143, %cond3A_144 : i32
      scf.if %cond3A_145 {
        %dma_wait3A = arith.constant 0 : i32
        %dma_wait3A_197 = arith.constant 0 : i32
        %dma_wait3A_198 = tpu.memref_slice %arg5[%dma_wait3A, %dma_wait3A_197] : memref<512x100000xf32, #tpu.memory_space<hbm>> -> memref<256x128xf32, #tpu.memory_space<hbm>>
        %dma_wait3A_199 = arith.constant 0 : i32
        %dma_wait3A_200 = arith.constant 0 : i32
        %dma_wait3A_201 = tpu.memref_slice %arg5[%dma_wait3A_199, %dma_wait3A_200] : memref<512x100000xf32, #tpu.memory_space<hbm>> -> memref<256x128xf32, #tpu.memory_space<hbm>>
        tpu.wait_dma2 semaphore(%arg21 : memref<!tpu.dma_semaphore, #tpu.memory_space<semaphore_mem>>) src(%dma_wait3A_201 : memref<256x128xf32, #tpu.memory_space<hbm>>) dst(%arg16 : memref<256x128xf32, #tpu.memory_space<vmem>>)
      } else {
      }
      %mul3A_146 = arith.constant 2 : i32
      %mul3A_147 = arith.muli %add3A_85, %mul3A_146 : i32
      %add3A_148 = arith.constant 0 : i32
      %add3A_149 = arith.addi %mul3A_147, %add3A_148 : i32
      %broadcast_in_dim3A_150 = vector.broadcast %reduce_max3A_33 : i32 to vector<16xi32>
      %broadcast_in_dim3A_151 = vector.broadcast %add3A_149 : i32 to vector<16xi32>
      %add3A_152 = arith.constant 15 : i32
      %add3A_153 = arith.addi %reduce_max3A_33, %add3A_152 : i32
      %shift_right_logical3A_154 = arith.constant 4 : i32
      %shift_right_logical3A_155 = arith.shrui %add3A_153, %shift_right_logical3A_154 : i32
      %while3A_156 = arith.constant 0 : i32
      %while3A_157 = arith.subi %shift_right_logical3A_155, %while3A_156 : i32
      %while3A_158 = arith.addi %while3A_156, %while3A_157 : i32
      %while3A_159 = arith.constant 1 : i32
      %while3A_160 = arith.divsi %while3A_157, %while3A_159 : i32
      %while3A_161 = arith.muli %while3A_160, %while3A_159 : i32
      %while3A_162 = arith.addi %while3A_156, %while3A_161 : i32
      %while3A_163 = arith.constant 1 : i32
      %while3A_164 = scf.for %while3A_197 = %while3A_156 to %while3A_162 step %while3A_163 iter_args(%while3A_198 = %scan3A_82) -> (i32)  : i32 {
        %mul3A_199 = arith.constant 16 : i32
        %mul3A_200 = arith.muli %while3A_197, %mul3A_199 : i32
        %get3A = arith.index_cast %mul3A_200 : i32 to index
        %get3A_201 = tpu.vector_load %arg14[%get3A] {strides = array<i32>} : memref<2048xi32, #tpu.memory_space<vmem>>, vector<16xi32>,
        %get3A_202 = arith.index_cast %mul3A_200 : i32 to index
        %get3A_203 = tpu.vector_load %arg15[%get3A_202] {strides = array<i32>} : memref<2048xi32, #tpu.memory_space<vmem>>, vector<16xi32>,
        %mul3A_204 = arith.constant 16 : i32
        %mul3A_205 = arith.muli %while3A_197, %mul3A_204 : i32
        %broadcast_in_dim3A_206 = vector.broadcast %mul3A_205 : i32 to vector<16xi32>
        %iota3A = tpu.iota {dimensions = array<i32: 0>} : vector<16xi32>
        %add3A_207 = arith.addi %broadcast_in_dim3A_206, %iota3A : vector<16xi32>
        %lt3A_208 = arith.cmpi slt, %add3A_207, %broadcast_in_dim3A_150 : vector<16xi32>
        %shift_right_logical3A_209 = arith.constant 2 : i32
        %shift_right_logical3A_210 = vector.broadcast %shift_right_logical3A_209 : i32 to vector<16xi32>
        %shift_right_logical3A_211 = arith.shrui %get3A_201, %shift_right_logical3A_210 : vector<16xi32>
        %eq3A = arith.cmpi eq, %shift_right_logical3A_211, %broadcast_in_dim3A_151 : vector<16xi32>
        %and3A = arith.andi %eq3A, %lt3A_208 : vector<16xi1>
        %while3A_212:2 = scf.while (%while3A_213 = %and3A, %while3A_214 = %while3A_198) : (vector<16xi1>, i32) -> (vector<16xi1>, i32) {
          %convert_element_type3A_215 = arith.extui %while3A_213 : vector<16xi1> to vector<16xi32>
          %reduce_max3A_216 = arith.constant true
          %reduce_max3A_217 = vector.broadcast %reduce_max3A_216 : i1 to vector<16xi1>
          %reduce_max3A_218 = arith.constant -2147483648 : i32
          %reduce_max3A_219 = vector.broadcast %reduce_max3A_218 : i32 to vector<16xi32>
          %reduce_max3A_220 = arith.xori %convert_element_type3A_215, %reduce_max3A_219 : vector<16xi32>
          %reduce_max3A_221 = tpu.scan <max>, %reduce_max3A_220 masked %reduce_max3A_217 : vector<16xi32>, vector<16xi1> -> vector<16xi32>
          %reduce_max3A_222 = arith.xori %reduce_max3A_221, %reduce_max3A_219 : vector<16xi32>
          %reduce_max3A_223 = vector.extract %reduce_max3A_222[15] : i32 from vector<16xi32>
          %gt3A = arith.constant 0 : i32
          %gt3A_224 = arith.cmpi sgt, %reduce_max3A_223, %gt3A : i32
          scf.condition(%gt3A_224) %while3A_213, %while3A_214 : vector<16xi1>, i32
        } do {
        ^bb0(%while3A_213: vector<16xi1>, %while3A_214: i32):
          %all_reduce_ffs3A = tpu.all_reduce %while3A_213 {dim = 0 : i64, kind = #tpu.reduction_kind<find_first_set>} : vector<16xi1> -> vector<16xi32>
          %iota3A_215 = tpu.iota {dimensions = array<i32: 0>} : vector<16xi32>
          %eq3A_216 = arith.cmpi eq, %iota3A_215, %all_reduce_ffs3A : vector<16xi32>
          %jit3A = arith.constant 0 : i32
          %broadcast_in_dim3A_217 = vector.broadcast %jit3A : i32 to vector<16xi32>
          %select_n3A = arith.select %eq3A_216, %get3A_203, %broadcast_in_dim3A_217 : vector<16xi1>, vector<16xi32>
          %reduce_max3A_218 = arith.constant true
          %reduce_max3A_219 = vector.broadcast %reduce_max3A_218 : i1 to vector<16xi1>
          %reduce_max3A_220 = arith.constant -2147483648 : i32
          %reduce_max3A_221 = vector.broadcast %reduce_max3A_220 : i32 to vector<16xi32>
          %reduce_max3A_222 = arith.xori %select_n3A, %reduce_max3A_221 : vector<16xi32>
          %reduce_max3A_223 = tpu.scan <max>, %reduce_max3A_222 masked %reduce_max3A_219 : vector<16xi32>, vector<16xi1> -> vector<16xi32>
          %reduce_max3A_224 = arith.xori %reduce_max3A_223, %reduce_max3A_221 : vector<16xi32>
          %reduce_max3A_225 = vector.extract %reduce_max3A_224[15] : i32 from vector<16xi32>
          %jit3A_226 = arith.constant 0 : i32
          %broadcast_in_dim3A_227 = vector.broadcast %jit3A_226 : i32 to vector<16xi32>
          %select_n3A_228 = arith.select %eq3A_216, %get3A_201, %broadcast_in_dim3A_227 : vector<16xi1>, vector<16xi32>
          %reduce_max3A_229 = arith.constant true
          %reduce_max3A_230 = vector.broadcast %reduce_max3A_229 : i1 to vector<16xi1>
          %reduce_max3A_231 = arith.constant -2147483648 : i32
          %reduce_max3A_232 = vector.broadcast %reduce_max3A_231 : i32 to vector<16xi32>
          %reduce_max3A_233 = arith.xori %select_n3A_228, %reduce_max3A_232 : vector<16xi32>
          %reduce_max3A_234 = tpu.scan <max>, %reduce_max3A_233 masked %reduce_max3A_230 : vector<16xi32>, vector<16xi1> -> vector<16xi32>
          %reduce_max3A_235 = arith.xori %reduce_max3A_234, %reduce_max3A_232 : vector<16xi32>
          %reduce_max3A_236 = vector.extract %reduce_max3A_235[15] : i32 from vector<16xi32>
          %shift_right_logical3A_237 = arith.constant 7 : i32
          %shift_right_logical3A_238 = arith.shrui %reduce_max3A_225, %shift_right_logical3A_237 : i32
          %and3A_239 = arith.constant 127 : i32
          %and3A_240 = arith.andi %reduce_max3A_225, %and3A_239 : i32
          %and3A_241 = arith.constant 3 : i32
          %and3A_242 = arith.andi %reduce_max3A_236, %and3A_241 : i32
          %and3A_243 = arith.constant 63 : i32
          %and3A_244 = arith.andi %while3A_214, %and3A_243 : i32
          %mul3A_245 = arith.constant 64 : i32
          %mul3A_246 = arith.muli %and3A_242, %mul3A_245 : i32
          %add3A_247 = arith.constant 0 : i32
          %add3A_248 = arith.addi %mul3A_246, %add3A_247 : i32
          %broadcast_in_dim3A_249 = vector.broadcast %add3A_248 : i32 to vector<16xi32>
          %iota3A_250 = tpu.iota {dimensions = array<i32: 0>} : vector<16xi32>
          %add3A_251 = arith.addi %broadcast_in_dim3A_249, %iota3A_250 : vector<16xi32>
          %broadcast_in_dim3A_252 = vector.broadcast %and3A_240 : i32 to vector<16xi32>
          %gather3A = tpu.vector_load_idx %arg16[%add3A_251, %broadcast_in_dim3A_252] : memref<256x128xf32, #tpu.memory_space<vmem>>[vector<16xi32>, vector<16xi32>], vector<16xf32>,
          %mul3A_253 = arith.constant 64 : i32
          %mul3A_254 = arith.muli %and3A_244, %mul3A_253 : i32
          %add3A_255 = arith.constant 0 : i32
          %add3A_256 = arith.addi %mul3A_254, %add3A_255 : i32
          %swap3A = arith.index_cast %add3A_256 : i32 to index
          %swap3A_257 = tpu.vector_load %arg19[%swap3A] {strides = array<i32>} : memref<4096xf32, #tpu.memory_space<vmem>>, vector<16xf32>,
          tpu.vector_store %arg19[%swap3A], %gather3A {strides = array<i32>} : memref<4096xf32, #tpu.memory_space<vmem>>, vector<16xf32>,
          %mul3A_258 = arith.constant 64 : i32
          %mul3A_259 = arith.muli %and3A_242, %mul3A_258 : i32
          %add3A_260 = arith.constant 16 : i32
          %add3A_261 = arith.addi %mul3A_259, %add3A_260 : i32
          %broadcast_in_dim3A_262 = vector.broadcast %add3A_261 : i32 to vector<16xi32>
          %iota3A_263 = tpu.iota {dimensions = array<i32: 0>} : vector<16xi32>
          %add3A_264 = arith.addi %broadcast_in_dim3A_262, %iota3A_263 : vector<16xi32>
          %broadcast_in_dim3A_265 = vector.broadcast %and3A_240 : i32 to vector<16xi32>
          %gather3A_266 = tpu.vector_load_idx %arg16[%add3A_264, %broadcast_in_dim3A_265] : memref<256x128xf32, #tpu.memory_space<vmem>>[vector<16xi32>, vector<16xi32>], vector<16xf32>,
          %mul3A_267 = arith.constant 64 : i32
          %mul3A_268 = arith.muli %and3A_244, %mul3A_267 : i32
          %add3A_269 = arith.constant 16 : i32
          %add3A_270 = arith.addi %mul3A_268, %add3A_269 : i32
          %swap3A_271 = arith.index_cast %add3A_270 : i32 to index
          %swap3A_272 = tpu.vector_load %arg19[%swap3A_271] {strides = array<i32>} : memref<4096xf32, #tpu.memory_space<vmem>>, vector<16xf32>,
          tpu.vector_store %arg19[%swap3A_271], %gather3A_266 {strides = array<i32>} : memref<4096xf32, #tpu.memory_space<vmem>>, vector<16xf32>,
          %mul3A_273 = arith.constant 64 : i32
          %mul3A_274 = arith.muli %and3A_242, %mul3A_273 : i32
          %add3A_275 = arith.constant 32 : i32
          %add3A_276 = arith.addi %mul3A_274, %add3A_275 : i32
          %broadcast_in_dim3A_277 = vector.broadcast %add3A_276 : i32 to vector<16xi32>
          %iota3A_278 = tpu.iota {dimensions = array<i32: 0>} : vector<16xi32>
          %add3A_279 = arith.addi %broadcast_in_dim3A_277, %iota3A_278 : vector<16xi32>
          %broadcast_in_dim3A_280 = vector.broadcast %and3A_240 : i32 to vector<16xi32>
          %gather3A_281 = tpu.vector_load_idx %arg16[%add3A_279, %broadcast_in_dim3A_280] : memref<256x128xf32, #tpu.memory_space<vmem>>[vector<16xi32>, vector<16xi32>], vector<16xf32>,
          %mul3A_282 = arith.constant 64 : i32
          %mul3A_283 = arith.muli %and3A_244, %mul3A_282 : i32
          %add3A_284 = arith.constant 32 : i32
          %add3A_285 = arith.addi %mul3A_283, %add3A_284 : i32
          %swap3A_286 = arith.index_cast %add3A_285 : i32 to index
          %swap3A_287 = tpu.vector_load %arg19[%swap3A_286] {strides = array<i32>} : memref<4096xf32, #tpu.memory_space<vmem>>, vector<16xf32>,
          tpu.vector_store %arg19[%swap3A_286], %gather3A_281 {strides = array<i32>} : memref<4096xf32, #tpu.memory_space<vmem>>, vector<16xf32>,
          %mul3A_288 = arith.constant 64 : i32
          %mul3A_289 = arith.muli %and3A_242, %mul3A_288 : i32
          %add3A_290 = arith.constant 48 : i32
          %add3A_291 = arith.addi %mul3A_289, %add3A_290 : i32
          %broadcast_in_dim3A_292 = vector.broadcast %add3A_291 : i32 to vector<16xi32>
          %iota3A_293 = tpu.iota {dimensions = array<i32: 0>} : vector<16xi32>
          %add3A_294 = arith.addi %broadcast_in_dim3A_292, %iota3A_293 : vector<16xi32>
          %broadcast_in_dim3A_295 = vector.broadcast %and3A_240 : i32 to vector<16xi32>
          %gather3A_296 = tpu.vector_load_idx %arg16[%add3A_294, %broadcast_in_dim3A_295] : memref<256x128xf32, #tpu.memory_space<vmem>>[vector<16xi32>, vector<16xi32>], vector<16xf32>,
          %mul3A_297 = arith.constant 64 : i32
          %mul3A_298 = arith.muli %and3A_244, %mul3A_297 : i32
          %add3A_299 = arith.constant 48 : i32
          %add3A_300 = arith.addi %mul3A_298, %add3A_299 : i32
          %swap3A_301 = arith.index_cast %add3A_300 : i32 to index
          %swap3A_302 = tpu.vector_load %arg19[%swap3A_301] {strides = array<i32>} : memref<4096xf32, #tpu.memory_space<vmem>>, vector<16xf32>,
          tpu.vector_store %arg19[%swap3A_301], %gather3A_296 {strides = array<i32>} : memref<4096xf32, #tpu.memory_space<vmem>>, vector<16xf32>,
          %ge3A = arith.constant 32 : i32
          %ge3A_303 = arith.cmpi sge, %while3A_214, %ge3A : i32
          %and3A_304 = arith.constant 31 : i32
          %and3A_305 = arith.andi %while3A_214, %and3A_304 : i32
          %eq3A_306 = arith.constant 0 : i32
          %eq3A_307 = arith.cmpi eq, %and3A_305, %eq3A_306 : i32
          %and3A_308 = arith.andi %ge3A_303, %eq3A_307 : i1
          %convert_element_type3A_309 = arith.extui %and3A_308 : i1 to i32
          %cond3A_310 = arith.constant 0 : i32
          %cond3A_311 = arith.cmpi ne, %convert_element_type3A_309, %cond3A_310 : i32
          scf.if %cond3A_311 {
            %scan3A_324 = arith.constant 0 : i32
            %scan3A_325 = arith.constant 0 : i32
            %scan3A_326 = arith.constant 32 : i32
            %scan3A_327 = arith.addi %scan3A_325, %scan3A_326 : i32
            %scan3A_328 = arith.constant 1 : i32
            %scan3A_329 = scf.for %scan3A_331 = %scan3A_325 to %scan3A_327 step %scan3A_328 iter_args(%scan3A_332 = %scan3A_324) -> (i32)  : i32 {
              %dma_wait3A = arith.constant 0 : i32
              %dma_wait3A_333 = tpu.memref_slice %arg19[%dma_wait3A] : memref<4096xf32, #tpu.memory_space<vmem>> -> memref<64xf32, #tpu.memory_space<vmem>>
              %dma_wait3A_334 = arith.constant 0 : i32
              %dma_wait3A_335 = tpu.memref_slice %arg8[%dma_wait3A_334] : memref<1048576xf32, #tpu.memory_space<hbm>> -> memref<64xf32, #tpu.memory_space<hbm>>
              %dma_wait3A_336 = arith.constant 0 : i32
              %dma_wait3A_337 = tpu.memref_slice %arg8[%dma_wait3A_336] : memref<1048576xf32, #tpu.memory_space<hbm>> -> memref<64xf32, #tpu.memory_space<hbm>>
              %dma_wait3A_338 = arith.constant 0 : i32
              %dma_wait3A_339 = tpu.memref_slice %arg19[%dma_wait3A_338] : memref<4096xf32, #tpu.memory_space<vmem>> -> memref<64xf32, #tpu.memory_space<vmem>>
              tpu.wait_dma2 semaphore(%arg24 : memref<!tpu.dma_semaphore, #tpu.memory_space<semaphore_mem>>) src(%dma_wait3A_339 : memref<64xf32, #tpu.memory_space<vmem>>) dst(%dma_wait3A_337 : memref<64xf32, #tpu.memory_space<hbm>>)
              %scan3A_340 = arith.constant 0 : i32
              scf.yield %scan3A_340 : i32
            }
            %scan3A_330 = arith.constant 32 : i32
          } else {
          }
          %mul3A_312 = arith.constant 64 : i32
          %mul3A_313 = arith.muli %and3A_244, %mul3A_312 : i32
          %mul3A_314 = arith.constant 64 : i32
          %mul3A_315 = arith.muli %shift_right_logical3A_238, %mul3A_314 : i32
          %dma_start3A_316 = tpu.memref_slice %arg19[%mul3A_313] : memref<4096xf32, #tpu.memory_space<vmem>> -> memref<64xf32, #tpu.memory_space<vmem>>
          %dma_start3A_317 = tpu.memref_slice %arg8[%mul3A_315] : memref<1048576xf32, #tpu.memory_space<hbm>> -> memref<64xf32, #tpu.memory_space<hbm>>
          %dma_start3A_318 = tpu.memref_slice %arg8[%mul3A_315] : memref<1048576xf32, #tpu.memory_space<hbm>> -> memref<64xf32, #tpu.memory_space<hbm>>
          %dma_start3A_319 = tpu.memref_slice %arg19[%mul3A_313] : memref<4096xf32, #tpu.memory_space<vmem>> -> memref<64xf32, #tpu.memory_space<vmem>>
          tpu.enqueue_dma source(%dma_start3A_319 : memref<64xf32, #tpu.memory_space<vmem>>) target(%dma_start3A_318 : memref<64xf32, #tpu.memory_space<hbm>>) target_semaphore(%arg24 : memref<!tpu.dma_semaphore, #tpu.memory_space<semaphore_mem>>)
          %not3A = arith.constant dense<true> : vector<16xi1>
          %not3A_320 = arith.xori %eq3A_216, %not3A : vector<16xi1>
          %and3A_321 = arith.andi %while3A_213, %not3A_320 : vector<16xi1>
          %add3A_322 = arith.constant 1 : i32
          %add3A_323 = arith.addi %while3A_214, %add3A_322 : i32
          scf.yield %and3A_321, %add3A_323 : vector<16xi1>, i32
        }
        scf.yield %while3A_212#1 : i32
      }
      %while3A_165 = arith.constant 1 : i32
      %while3A_166 = scf.for %while3A_197 = %while3A_162 to %while3A_158 step %while3A_165 iter_args(%while3A_198 = %while3A_164) -> (i32)  : i32 {
        %mul3A_199 = arith.constant 16 : i32
        %mul3A_200 = arith.muli %while3A_197, %mul3A_199 : i32
        %get3A = arith.index_cast %mul3A_200 : i32 to index
        %get3A_201 = tpu.vector_load %arg14[%get3A] {strides = array<i32>} : memref<2048xi32, #tpu.memory_space<vmem>>, vector<16xi32>,
        %get3A_202 = arith.index_cast %mul3A_200 : i32 to index
        %get3A_203 = tpu.vector_load %arg15[%get3A_202] {strides = array<i32>} : memref<2048xi32, #tpu.memory_space<vmem>>, vector<16xi32>,
        %mul3A_204 = arith.constant 16 : i32
        %mul3A_205 = arith.muli %while3A_197, %mul3A_204 : i32
        %broadcast_in_dim3A_206 = vector.broadcast %mul3A_205 : i32 to vector<16xi32>
        %iota3A = tpu.iota {dimensions = array<i32: 0>} : vector<16xi32>
        %add3A_207 = arith.addi %broadcast_in_dim3A_206, %iota3A : vector<16xi32>
        %lt3A_208 = arith.cmpi slt, %add3A_207, %broadcast_in_dim3A_150 : vector<16xi32>
        %shift_right_logical3A_209 = arith.constant 2 : i32
        %shift_right_logical3A_210 = vector.broadcast %shift_right_logical3A_209 : i32 to vector<16xi32>
        %shift_right_logical3A_211 = arith.shrui %get3A_201, %shift_right_logical3A_210 : vector<16xi32>
        %eq3A = arith.cmpi eq, %shift_right_logical3A_211, %broadcast_in_dim3A_151 : vector<16xi32>
        %and3A = arith.andi %eq3A, %lt3A_208 : vector<16xi1>
        %while3A_212:2 = scf.while (%while3A_213 = %and3A, %while3A_214 = %while3A_198) : (vector<16xi1>, i32) -> (vector<16xi1>, i32) {
          %convert_element_type3A_215 = arith.extui %while3A_213 : vector<16xi1> to vector<16xi32>
          %reduce_max3A_216 = arith.constant true
          %reduce_max3A_217 = vector.broadcast %reduce_max3A_216 : i1 to vector<16xi1>
          %reduce_max3A_218 = arith.constant -2147483648 : i32
          %reduce_max3A_219 = vector.broadcast %reduce_max3A_218 : i32 to vector<16xi32>
          %reduce_max3A_220 = arith.xori %convert_element_type3A_215, %reduce_max3A_219 : vector<16xi32>
          %reduce_max3A_221 = tpu.scan <max>, %reduce_max3A_220 masked %reduce_max3A_217 : vector<16xi32>, vector<16xi1> -> vector<16xi32>
          %reduce_max3A_222 = arith.xori %reduce_max3A_221, %reduce_max3A_219 : vector<16xi32>
          %reduce_max3A_223 = vector.extract %reduce_max3A_222[15] : i32 from vector<16xi32>
          %gt3A = arith.constant 0 : i32
          %gt3A_224 = arith.cmpi sgt, %reduce_max3A_223, %gt3A : i32
          scf.condition(%gt3A_224) %while3A_213, %while3A_214 : vector<16xi1>, i32
        } do {
        ^bb0(%while3A_213: vector<16xi1>, %while3A_214: i32):
          %all_reduce_ffs3A = tpu.all_reduce %while3A_213 {dim = 0 : i64, kind = #tpu.reduction_kind<find_first_set>} : vector<16xi1> -> vector<16xi32>
          %iota3A_215 = tpu.iota {dimensions = array<i32: 0>} : vector<16xi32>
          %eq3A_216 = arith.cmpi eq, %iota3A_215, %all_reduce_ffs3A : vector<16xi32>
          %jit3A = arith.constant 0 : i32
          %broadcast_in_dim3A_217 = vector.broadcast %jit3A : i32 to vector<16xi32>
          %select_n3A = arith.select %eq3A_216, %get3A_203, %broadcast_in_dim3A_217 : vector<16xi1>, vector<16xi32>
          %reduce_max3A_218 = arith.constant true
          %reduce_max3A_219 = vector.broadcast %reduce_max3A_218 : i1 to vector<16xi1>
          %reduce_max3A_220 = arith.constant -2147483648 : i32
          %reduce_max3A_221 = vector.broadcast %reduce_max3A_220 : i32 to vector<16xi32>
          %reduce_max3A_222 = arith.xori %select_n3A, %reduce_max3A_221 : vector<16xi32>
          %reduce_max3A_223 = tpu.scan <max>, %reduce_max3A_222 masked %reduce_max3A_219 : vector<16xi32>, vector<16xi1> -> vector<16xi32>
          %reduce_max3A_224 = arith.xori %reduce_max3A_223, %reduce_max3A_221 : vector<16xi32>
          %reduce_max3A_225 = vector.extract %reduce_max3A_224[15] : i32 from vector<16xi32>
          %jit3A_226 = arith.constant 0 : i32
          %broadcast_in_dim3A_227 = vector.broadcast %jit3A_226 : i32 to vector<16xi32>
          %select_n3A_228 = arith.select %eq3A_216, %get3A_201, %broadcast_in_dim3A_227 : vector<16xi1>, vector<16xi32>
          %reduce_max3A_229 = arith.constant true
          %reduce_max3A_230 = vector.broadcast %reduce_max3A_229 : i1 to vector<16xi1>
          %reduce_max3A_231 = arith.constant -2147483648 : i32
          %reduce_max3A_232 = vector.broadcast %reduce_max3A_231 : i32 to vector<16xi32>
          %reduce_max3A_233 = arith.xori %select_n3A_228, %reduce_max3A_232 : vector<16xi32>
          %reduce_max3A_234 = tpu.scan <max>, %reduce_max3A_233 masked %reduce_max3A_230 : vector<16xi32>, vector<16xi1> -> vector<16xi32>
          %reduce_max3A_235 = arith.xori %reduce_max3A_234, %reduce_max3A_232 : vector<16xi32>
          %reduce_max3A_236 = vector.extract %reduce_max3A_235[15] : i32 from vector<16xi32>
          %shift_right_logical3A_237 = arith.constant 7 : i32
          %shift_right_logical3A_238 = arith.shrui %reduce_max3A_225, %shift_right_logical3A_237 : i32
          %and3A_239 = arith.constant 127 : i32
          %and3A_240 = arith.andi %reduce_max3A_225, %and3A_239 : i32
          %and3A_241 = arith.constant 3 : i32
          %and3A_242 = arith.andi %reduce_max3A_236, %and3A_241 : i32
          %and3A_243 = arith.constant 63 : i32
          %and3A_244 = arith.andi %while3A_214, %and3A_243 : i32
          %mul3A_245 = arith.constant 64 : i32
          %mul3A_246 = arith.muli %and3A_242, %mul3A_245 : i32
          %add3A_247 = arith.constant 0 : i32
          %add3A_248 = arith.addi %mul3A_246, %add3A_247 : i32
          %broadcast_in_dim3A_249 = vector.broadcast %add3A_248 : i32 to vector<16xi32>
          %iota3A_250 = tpu.iota {dimensions = array<i32: 0>} : vector<16xi32>
          %add3A_251 = arith.addi %broadcast_in_dim3A_249, %iota3A_250 : vector<16xi32>
          %broadcast_in_dim3A_252 = vector.broadcast %and3A_240 : i32 to vector<16xi32>
          %gather3A = tpu.vector_load_idx %arg16[%add3A_251, %broadcast_in_dim3A_252] : memref<256x128xf32, #tpu.memory_space<vmem>>[vector<16xi32>, vector<16xi32>], vector<16xf32>,
          %mul3A_253 = arith.constant 64 : i32
          %mul3A_254 = arith.muli %and3A_244, %mul3A_253 : i32
          %add3A_255 = arith.constant 0 : i32
          %add3A_256 = arith.addi %mul3A_254, %add3A_255 : i32
          %swap3A = arith.index_cast %add3A_256 : i32 to index
          %swap3A_257 = tpu.vector_load %arg19[%swap3A] {strides = array<i32>} : memref<4096xf32, #tpu.memory_space<vmem>>, vector<16xf32>,
          tpu.vector_store %arg19[%swap3A], %gather3A {strides = array<i32>} : memref<4096xf32, #tpu.memory_space<vmem>>, vector<16xf32>,
          %mul3A_258 = arith.constant 64 : i32
          %mul3A_259 = arith.muli %and3A_242, %mul3A_258 : i32
          %add3A_260 = arith.constant 16 : i32
          %add3A_261 = arith.addi %mul3A_259, %add3A_260 : i32
          %broadcast_in_dim3A_262 = vector.broadcast %add3A_261 : i32 to vector<16xi32>
          %iota3A_263 = tpu.iota {dimensions = array<i32: 0>} : vector<16xi32>
          %add3A_264 = arith.addi %broadcast_in_dim3A_262, %iota3A_263 : vector<16xi32>
          %broadcast_in_dim3A_265 = vector.broadcast %and3A_240 : i32 to vector<16xi32>
          %gather3A_266 = tpu.vector_load_idx %arg16[%add3A_264, %broadcast_in_dim3A_265] : memref<256x128xf32, #tpu.memory_space<vmem>>[vector<16xi32>, vector<16xi32>], vector<16xf32>,
          %mul3A_267 = arith.constant 64 : i32
          %mul3A_268 = arith.muli %and3A_244, %mul3A_267 : i32
          %add3A_269 = arith.constant 16 : i32
          %add3A_270 = arith.addi %mul3A_268, %add3A_269 : i32
          %swap3A_271 = arith.index_cast %add3A_270 : i32 to index
          %swap3A_272 = tpu.vector_load %arg19[%swap3A_271] {strides = array<i32>} : memref<4096xf32, #tpu.memory_space<vmem>>, vector<16xf32>,
          tpu.vector_store %arg19[%swap3A_271], %gather3A_266 {strides = array<i32>} : memref<4096xf32, #tpu.memory_space<vmem>>, vector<16xf32>,
          %mul3A_273 = arith.constant 64 : i32
          %mul3A_274 = arith.muli %and3A_242, %mul3A_273 : i32
          %add3A_275 = arith.constant 32 : i32
          %add3A_276 = arith.addi %mul3A_274, %add3A_275 : i32
          %broadcast_in_dim3A_277 = vector.broadcast %add3A_276 : i32 to vector<16xi32>
          %iota3A_278 = tpu.iota {dimensions = array<i32: 0>} : vector<16xi32>
          %add3A_279 = arith.addi %broadcast_in_dim3A_277, %iota3A_278 : vector<16xi32>
          %broadcast_in_dim3A_280 = vector.broadcast %and3A_240 : i32 to vector<16xi32>
          %gather3A_281 = tpu.vector_load_idx %arg16[%add3A_279, %broadcast_in_dim3A_280] : memref<256x128xf32, #tpu.memory_space<vmem>>[vector<16xi32>, vector<16xi32>], vector<16xf32>,
          %mul3A_282 = arith.constant 64 : i32
          %mul3A_283 = arith.muli %and3A_244, %mul3A_282 : i32
          %add3A_284 = arith.constant 32 : i32
          %add3A_285 = arith.addi %mul3A_283, %add3A_284 : i32
          %swap3A_286 = arith.index_cast %add3A_285 : i32 to index
          %swap3A_287 = tpu.vector_load %arg19[%swap3A_286] {strides = array<i32>} : memref<4096xf32, #tpu.memory_space<vmem>>, vector<16xf32>,
          tpu.vector_store %arg19[%swap3A_286], %gather3A_281 {strides = array<i32>} : memref<4096xf32, #tpu.memory_space<vmem>>, vector<16xf32>,
          %mul3A_288 = arith.constant 64 : i32
          %mul3A_289 = arith.muli %and3A_242, %mul3A_288 : i32
          %add3A_290 = arith.constant 48 : i32
          %add3A_291 = arith.addi %mul3A_289, %add3A_290 : i32
          %broadcast_in_dim3A_292 = vector.broadcast %add3A_291 : i32 to vector<16xi32>
          %iota3A_293 = tpu.iota {dimensions = array<i32: 0>} : vector<16xi32>
          %add3A_294 = arith.addi %broadcast_in_dim3A_292, %iota3A_293 : vector<16xi32>
          %broadcast_in_dim3A_295 = vector.broadcast %and3A_240 : i32 to vector<16xi32>
          %gather3A_296 = tpu.vector_load_idx %arg16[%add3A_294, %broadcast_in_dim3A_295] : memref<256x128xf32, #tpu.memory_space<vmem>>[vector<16xi32>, vector<16xi32>], vector<16xf32>,
          %mul3A_297 = arith.constant 64 : i32
          %mul3A_298 = arith.muli %and3A_244, %mul3A_297 : i32
          %add3A_299 = arith.constant 48 : i32
          %add3A_300 = arith.addi %mul3A_298, %add3A_299 : i32
          %swap3A_301 = arith.index_cast %add3A_300 : i32 to index
          %swap3A_302 = tpu.vector_load %arg19[%swap3A_301] {strides = array<i32>} : memref<4096xf32, #tpu.memory_space<vmem>>, vector<16xf32>,
          tpu.vector_store %arg19[%swap3A_301], %gather3A_296 {strides = array<i32>} : memref<4096xf32, #tpu.memory_space<vmem>>, vector<16xf32>,
          %ge3A = arith.constant 32 : i32
          %ge3A_303 = arith.cmpi sge, %while3A_214, %ge3A : i32
          %and3A_304 = arith.constant 31 : i32
          %and3A_305 = arith.andi %while3A_214, %and3A_304 : i32
          %eq3A_306 = arith.constant 0 : i32
          %eq3A_307 = arith.cmpi eq, %and3A_305, %eq3A_306 : i32
          %and3A_308 = arith.andi %ge3A_303, %eq3A_307 : i1
          %convert_element_type3A_309 = arith.extui %and3A_308 : i1 to i32
          %cond3A_310 = arith.constant 0 : i32
          %cond3A_311 = arith.cmpi ne, %convert_element_type3A_309, %cond3A_310 : i32
          scf.if %cond3A_311 {
            %scan3A_324 = arith.constant 0 : i32
            %scan3A_325 = arith.constant 0 : i32
            %scan3A_326 = arith.constant 32 : i32
            %scan3A_327 = arith.addi %scan3A_325, %scan3A_326 : i32
            %scan3A_328 = arith.constant 1 : i32
            %scan3A_329 = scf.for %scan3A_331 = %scan3A_325 to %scan3A_327 step %scan3A_328 iter_args(%scan3A_332 = %scan3A_324) -> (i32)  : i32 {
              %dma_wait3A = arith.constant 0 : i32
              %dma_wait3A_333 = tpu.memref_slice %arg19[%dma_wait3A] : memref<4096xf32, #tpu.memory_space<vmem>> -> memref<64xf32, #tpu.memory_space<vmem>>
              %dma_wait3A_334 = arith.constant 0 : i32
              %dma_wait3A_335 = tpu.memref_slice %arg8[%dma_wait3A_334] : memref<1048576xf32, #tpu.memory_space<hbm>> -> memref<64xf32, #tpu.memory_space<hbm>>
              %dma_wait3A_336 = arith.constant 0 : i32
              %dma_wait3A_337 = tpu.memref_slice %arg8[%dma_wait3A_336] : memref<1048576xf32, #tpu.memory_space<hbm>> -> memref<64xf32, #tpu.memory_space<hbm>>
              %dma_wait3A_338 = arith.constant 0 : i32
              %dma_wait3A_339 = tpu.memref_slice %arg19[%dma_wait3A_338] : memref<4096xf32, #tpu.memory_space<vmem>> -> memref<64xf32, #tpu.memory_space<vmem>>
              tpu.wait_dma2 semaphore(%arg24 : memref<!tpu.dma_semaphore, #tpu.memory_space<semaphore_mem>>) src(%dma_wait3A_339 : memref<64xf32, #tpu.memory_space<vmem>>) dst(%dma_wait3A_337 : memref<64xf32, #tpu.memory_space<hbm>>)
              %scan3A_340 = arith.constant 0 : i32
              scf.yield %scan3A_340 : i32
            }
            %scan3A_330 = arith.constant 32 : i32
          } else {
          }
          %mul3A_312 = arith.constant 64 : i32
          %mul3A_313 = arith.muli %and3A_244, %mul3A_312 : i32
          %mul3A_314 = arith.constant 64 : i32
          %mul3A_315 = arith.muli %shift_right_logical3A_238, %mul3A_314 : i32
          %dma_start3A_316 = tpu.memref_slice %arg19[%mul3A_313] : memref<4096xf32, #tpu.memory_space<vmem>> -> memref<64xf32, #tpu.memory_space<vmem>>
          %dma_start3A_317 = tpu.memref_slice %arg8[%mul3A_315] : memref<1048576xf32, #tpu.memory_space<hbm>> -> memref<64xf32, #tpu.memory_space<hbm>>
          %dma_start3A_318 = tpu.memref_slice %arg8[%mul3A_315] : memref<1048576xf32, #tpu.memory_space<hbm>> -> memref<64xf32, #tpu.memory_space<hbm>>
          %dma_start3A_319 = tpu.memref_slice %arg19[%mul3A_313] : memref<4096xf32, #tpu.memory_space<vmem>> -> memref<64xf32, #tpu.memory_space<vmem>>
          tpu.enqueue_dma source(%dma_start3A_319 : memref<64xf32, #tpu.memory_space<vmem>>) target(%dma_start3A_318 : memref<64xf32, #tpu.memory_space<hbm>>) target_semaphore(%arg24 : memref<!tpu.dma_semaphore, #tpu.memory_space<semaphore_mem>>)
          %not3A = arith.constant dense<true> : vector<16xi1>
          %not3A_320 = arith.xori %eq3A_216, %not3A : vector<16xi1>
          %and3A_321 = arith.andi %while3A_213, %not3A_320 : vector<16xi1>
          %add3A_322 = arith.constant 1 : i32
          %add3A_323 = arith.addi %while3A_214, %add3A_322 : i32
          scf.yield %and3A_321, %add3A_323 : vector<16xi1>, i32
        }
        scf.yield %while3A_212#1 : i32
      }
      %convert_element_type3A_167 = arith.extui %lt3A_90 : i1 to i32
      %cond3A_168 = arith.constant 0 : i32
      %cond3A_169 = arith.cmpi ne, %convert_element_type3A_167, %cond3A_168 : i32
      scf.if %cond3A_169 {
        %mul3A_197 = arith.constant 128 : i32
        %mul3A_198 = arith.muli %add3A_87, %mul3A_197 : i32
        %dma_start3A_199 = arith.constant 0 : i32
        %dma_start3A_200 = tpu.memref_slice %arg5[%dma_start3A_199, %mul3A_198] : memref<512x100000xf32, #tpu.memory_space<hbm>> -> memref<256x128xf32, #tpu.memory_space<hbm>>
        %dma_start3A_201 = arith.constant 0 : i32
        %dma_start3A_202 = tpu.memref_slice %arg5[%dma_start3A_201, %mul3A_198] : memref<512x100000xf32, #tpu.memory_space<hbm>> -> memref<256x128xf32, #tpu.memory_space<hbm>>
        tpu.enqueue_dma source(%dma_start3A_202 : memref<256x128xf32, #tpu.memory_space<hbm>>) target(%arg16 : memref<256x128xf32, #tpu.memory_space<vmem>>) target_semaphore(%arg21 : memref<!tpu.dma_semaphore, #tpu.memory_space<semaphore_mem>>)
      } else {
      }
      %convert_element_type3A_170 = arith.extui %lt3A_88 : i1 to i32
      %cond3A_171 = arith.constant 0 : i32
      %cond3A_172 = arith.cmpi ne, %convert_element_type3A_170, %cond3A_171 : i32
      scf.if %cond3A_172 {
        %dma_wait3A = arith.constant 0 : i32
        %dma_wait3A_197 = arith.constant 0 : i32
        %dma_wait3A_198 = tpu.memref_slice %arg5[%dma_wait3A, %dma_wait3A_197] : memref<512x100000xf32, #tpu.memory_space<hbm>> -> memref<256x128xf32, #tpu.memory_space<hbm>>
        %dma_wait3A_199 = arith.constant 0 : i32
        %dma_wait3A_200 = arith.constant 0 : i32
        %dma_wait3A_201 = tpu.memref_slice %arg5[%dma_wait3A_199, %dma_wait3A_200] : memref<512x100000xf32, #tpu.memory_space<hbm>> -> memref<256x128xf32, #tpu.memory_space<hbm>>
        tpu.wait_dma2 semaphore(%arg22 : memref<!tpu.dma_semaphore, #tpu.memory_space<semaphore_mem>>) src(%dma_wait3A_201 : memref<256x128xf32, #tpu.memory_space<hbm>>) dst(%arg17 : memref<256x128xf32, #tpu.memory_space<vmem>>)
      } else {
      }
      %mul3A_173 = arith.constant 2 : i32
      %mul3A_174 = arith.muli %add3A_85, %mul3A_173 : i32
      %add3A_175 = arith.constant 1 : i32
      %add3A_176 = arith.addi %mul3A_174, %add3A_175 : i32
      %broadcast_in_dim3A_177 = vector.broadcast %reduce_max3A_33 : i32 to vector<16xi32>
      %broadcast_in_dim3A_178 = vector.broadcast %add3A_176 : i32 to vector<16xi32>
      %add3A_179 = arith.constant 15 : i32
      %add3A_180 = arith.addi %reduce_max3A_33, %add3A_179 : i32
      %shift_right_logical3A_181 = arith.constant 4 : i32
      %shift_right_logical3A_182 = arith.shrui %add3A_180, %shift_right_logical3A_181 : i32
      %while3A_183 = arith.constant 0 : i32
      %while3A_184 = arith.subi %shift_right_logical3A_182, %while3A_183 : i32
      %while3A_185 = arith.addi %while3A_183, %while3A_184 : i32
      %while3A_186 = arith.constant 1 : i32
      %while3A_187 = arith.divsi %while3A_184, %while3A_186 : i32
      %while3A_188 = arith.muli %while3A_187, %while3A_186 : i32
      %while3A_189 = arith.addi %while3A_183, %while3A_188 : i32
      %while3A_190 = arith.constant 1 : i32
      %while3A_191 = scf.for %while3A_197 = %while3A_183 to %while3A_189 step %while3A_190 iter_args(%while3A_198 = %while3A_166) -> (i32)  : i32 {
        %mul3A_199 = arith.constant 16 : i32
        %mul3A_200 = arith.muli %while3A_197, %mul3A_199 : i32
        %get3A = arith.index_cast %mul3A_200 : i32 to index
        %get3A_201 = tpu.vector_load %arg14[%get3A] {strides = array<i32>} : memref<2048xi32, #tpu.memory_space<vmem>>, vector<16xi32>,
        %get3A_202 = arith.index_cast %mul3A_200 : i32 to index
        %get3A_203 = tpu.vector_load %arg15[%get3A_202] {strides = array<i32>} : memref<2048xi32, #tpu.memory_space<vmem>>, vector<16xi32>,
        %mul3A_204 = arith.constant 16 : i32
        %mul3A_205 = arith.muli %while3A_197, %mul3A_204 : i32
        %broadcast_in_dim3A_206 = vector.broadcast %mul3A_205 : i32 to vector<16xi32>
        %iota3A = tpu.iota {dimensions = array<i32: 0>} : vector<16xi32>
        %add3A_207 = arith.addi %broadcast_in_dim3A_206, %iota3A : vector<16xi32>
        %lt3A_208 = arith.cmpi slt, %add3A_207, %broadcast_in_dim3A_177 : vector<16xi32>
        %shift_right_logical3A_209 = arith.constant 2 : i32
        %shift_right_logical3A_210 = vector.broadcast %shift_right_logical3A_209 : i32 to vector<16xi32>
        %shift_right_logical3A_211 = arith.shrui %get3A_201, %shift_right_logical3A_210 : vector<16xi32>
        %eq3A = arith.cmpi eq, %shift_right_logical3A_211, %broadcast_in_dim3A_178 : vector<16xi32>
        %and3A = arith.andi %eq3A, %lt3A_208 : vector<16xi1>
        %while3A_212:2 = scf.while (%while3A_213 = %and3A, %while3A_214 = %while3A_198) : (vector<16xi1>, i32) -> (vector<16xi1>, i32) {
          %convert_element_type3A_215 = arith.extui %while3A_213 : vector<16xi1> to vector<16xi32>
          %reduce_max3A_216 = arith.constant true
          %reduce_max3A_217 = vector.broadcast %reduce_max3A_216 : i1 to vector<16xi1>
          %reduce_max3A_218 = arith.constant -2147483648 : i32
          %reduce_max3A_219 = vector.broadcast %reduce_max3A_218 : i32 to vector<16xi32>
          %reduce_max3A_220 = arith.xori %convert_element_type3A_215, %reduce_max3A_219 : vector<16xi32>
          %reduce_max3A_221 = tpu.scan <max>, %reduce_max3A_220 masked %reduce_max3A_217 : vector<16xi32>, vector<16xi1> -> vector<16xi32>
          %reduce_max3A_222 = arith.xori %reduce_max3A_221, %reduce_max3A_219 : vector<16xi32>
          %reduce_max3A_223 = vector.extract %reduce_max3A_222[15] : i32 from vector<16xi32>
          %gt3A = arith.constant 0 : i32
          %gt3A_224 = arith.cmpi sgt, %reduce_max3A_223, %gt3A : i32
          scf.condition(%gt3A_224) %while3A_213, %while3A_214 : vector<16xi1>, i32
        } do {
        ^bb0(%while3A_213: vector<16xi1>, %while3A_214: i32):
          %all_reduce_ffs3A = tpu.all_reduce %while3A_213 {dim = 0 : i64, kind = #tpu.reduction_kind<find_first_set>} : vector<16xi1> -> vector<16xi32>
          %iota3A_215 = tpu.iota {dimensions = array<i32: 0>} : vector<16xi32>
          %eq3A_216 = arith.cmpi eq, %iota3A_215, %all_reduce_ffs3A : vector<16xi32>
          %jit3A = arith.constant 0 : i32
          %broadcast_in_dim3A_217 = vector.broadcast %jit3A : i32 to vector<16xi32>
          %select_n3A = arith.select %eq3A_216, %get3A_203, %broadcast_in_dim3A_217 : vector<16xi1>, vector<16xi32>
          %reduce_max3A_218 = arith.constant true
          %reduce_max3A_219 = vector.broadcast %reduce_max3A_218 : i1 to vector<16xi1>
          %reduce_max3A_220 = arith.constant -2147483648 : i32
          %reduce_max3A_221 = vector.broadcast %reduce_max3A_220 : i32 to vector<16xi32>
          %reduce_max3A_222 = arith.xori %select_n3A, %reduce_max3A_221 : vector<16xi32>
          %reduce_max3A_223 = tpu.scan <max>, %reduce_max3A_222 masked %reduce_max3A_219 : vector<16xi32>, vector<16xi1> -> vector<16xi32>
          %reduce_max3A_224 = arith.xori %reduce_max3A_223, %reduce_max3A_221 : vector<16xi32>
          %reduce_max3A_225 = vector.extract %reduce_max3A_224[15] : i32 from vector<16xi32>
          %jit3A_226 = arith.constant 0 : i32
          %broadcast_in_dim3A_227 = vector.broadcast %jit3A_226 : i32 to vector<16xi32>
          %select_n3A_228 = arith.select %eq3A_216, %get3A_201, %broadcast_in_dim3A_227 : vector<16xi1>, vector<16xi32>
          %reduce_max3A_229 = arith.constant true
          %reduce_max3A_230 = vector.broadcast %reduce_max3A_229 : i1 to vector<16xi1>
          %reduce_max3A_231 = arith.constant -2147483648 : i32
          %reduce_max3A_232 = vector.broadcast %reduce_max3A_231 : i32 to vector<16xi32>
          %reduce_max3A_233 = arith.xori %select_n3A_228, %reduce_max3A_232 : vector<16xi32>
          %reduce_max3A_234 = tpu.scan <max>, %reduce_max3A_233 masked %reduce_max3A_230 : vector<16xi32>, vector<16xi1> -> vector<16xi32>
          %reduce_max3A_235 = arith.xori %reduce_max3A_234, %reduce_max3A_232 : vector<16xi32>
          %reduce_max3A_236 = vector.extract %reduce_max3A_235[15] : i32 from vector<16xi32>
          %shift_right_logical3A_237 = arith.constant 7 : i32
          %shift_right_logical3A_238 = arith.shrui %reduce_max3A_225, %shift_right_logical3A_237 : i32
          %and3A_239 = arith.constant 127 : i32
          %and3A_240 = arith.andi %reduce_max3A_225, %and3A_239 : i32
          %and3A_241 = arith.constant 3 : i32
          %and3A_242 = arith.andi %reduce_max3A_236, %and3A_241 : i32
          %and3A_243 = arith.constant 63 : i32
          %and3A_244 = arith.andi %while3A_214, %and3A_243 : i32
          %mul3A_245 = arith.constant 64 : i32
          %mul3A_246 = arith.muli %and3A_242, %mul3A_245 : i32
          %add3A_247 = arith.constant 0 : i32
          %add3A_248 = arith.addi %mul3A_246, %add3A_247 : i32
          %broadcast_in_dim3A_249 = vector.broadcast %add3A_248 : i32 to vector<16xi32>
          %iota3A_250 = tpu.iota {dimensions = array<i32: 0>} : vector<16xi32>
          %add3A_251 = arith.addi %broadcast_in_dim3A_249, %iota3A_250 : vector<16xi32>
          %broadcast_in_dim3A_252 = vector.broadcast %and3A_240 : i32 to vector<16xi32>
          %gather3A = tpu.vector_load_idx %arg17[%add3A_251, %broadcast_in_dim3A_252] : memref<256x128xf32, #tpu.memory_space<vmem>>[vector<16xi32>, vector<16xi32>], vector<16xf32>,
          %mul3A_253 = arith.constant 64 : i32
          %mul3A_254 = arith.muli %and3A_244, %mul3A_253 : i32
          %add3A_255 = arith.constant 0 : i32
          %add3A_256 = arith.addi %mul3A_254, %add3A_255 : i32
          %swap3A = arith.index_cast %add3A_256 : i32 to index
          %swap3A_257 = tpu.vector_load %arg19[%swap3A] {strides = array<i32>} : memref<4096xf32, #tpu.memory_space<vmem>>, vector<16xf32>,
          tpu.vector_store %arg19[%swap3A], %gather3A {strides = array<i32>} : memref<4096xf32, #tpu.memory_space<vmem>>, vector<16xf32>,
          %mul3A_258 = arith.constant 64 : i32
          %mul3A_259 = arith.muli %and3A_242, %mul3A_258 : i32
          %add3A_260 = arith.constant 16 : i32
          %add3A_261 = arith.addi %mul3A_259, %add3A_260 : i32
          %broadcast_in_dim3A_262 = vector.broadcast %add3A_261 : i32 to vector<16xi32>
          %iota3A_263 = tpu.iota {dimensions = array<i32: 0>} : vector<16xi32>
          %add3A_264 = arith.addi %broadcast_in_dim3A_262, %iota3A_263 : vector<16xi32>
          %broadcast_in_dim3A_265 = vector.broadcast %and3A_240 : i32 to vector<16xi32>
          %gather3A_266 = tpu.vector_load_idx %arg17[%add3A_264, %broadcast_in_dim3A_265] : memref<256x128xf32, #tpu.memory_space<vmem>>[vector<16xi32>, vector<16xi32>], vector<16xf32>,
          %mul3A_267 = arith.constant 64 : i32
          %mul3A_268 = arith.muli %and3A_244, %mul3A_267 : i32
          %add3A_269 = arith.constant 16 : i32
          %add3A_270 = arith.addi %mul3A_268, %add3A_269 : i32
          %swap3A_271 = arith.index_cast %add3A_270 : i32 to index
          %swap3A_272 = tpu.vector_load %arg19[%swap3A_271] {strides = array<i32>} : memref<4096xf32, #tpu.memory_space<vmem>>, vector<16xf32>,
          tpu.vector_store %arg19[%swap3A_271], %gather3A_266 {strides = array<i32>} : memref<4096xf32, #tpu.memory_space<vmem>>, vector<16xf32>,
          %mul3A_273 = arith.constant 64 : i32
          %mul3A_274 = arith.muli %and3A_242, %mul3A_273 : i32
          %add3A_275 = arith.constant 32 : i32
          %add3A_276 = arith.addi %mul3A_274, %add3A_275 : i32
          %broadcast_in_dim3A_277 = vector.broadcast %add3A_276 : i32 to vector<16xi32>
          %iota3A_278 = tpu.iota {dimensions = array<i32: 0>} : vector<16xi32>
          %add3A_279 = arith.addi %broadcast_in_dim3A_277, %iota3A_278 : vector<16xi32>
          %broadcast_in_dim3A_280 = vector.broadcast %and3A_240 : i32 to vector<16xi32>
          %gather3A_281 = tpu.vector_load_idx %arg17[%add3A_279, %broadcast_in_dim3A_280] : memref<256x128xf32, #tpu.memory_space<vmem>>[vector<16xi32>, vector<16xi32>], vector<16xf32>,
          %mul3A_282 = arith.constant 64 : i32
          %mul3A_283 = arith.muli %and3A_244, %mul3A_282 : i32
          %add3A_284 = arith.constant 32 : i32
          %add3A_285 = arith.addi %mul3A_283, %add3A_284 : i32
          %swap3A_286 = arith.index_cast %add3A_285 : i32 to index
          %swap3A_287 = tpu.vector_load %arg19[%swap3A_286] {strides = array<i32>} : memref<4096xf32, #tpu.memory_space<vmem>>, vector<16xf32>,
          tpu.vector_store %arg19[%swap3A_286], %gather3A_281 {strides = array<i32>} : memref<4096xf32, #tpu.memory_space<vmem>>, vector<16xf32>,
          %mul3A_288 = arith.constant 64 : i32
          %mul3A_289 = arith.muli %and3A_242, %mul3A_288 : i32
          %add3A_290 = arith.constant 48 : i32
          %add3A_291 = arith.addi %mul3A_289, %add3A_290 : i32
          %broadcast_in_dim3A_292 = vector.broadcast %add3A_291 : i32 to vector<16xi32>
          %iota3A_293 = tpu.iota {dimensions = array<i32: 0>} : vector<16xi32>
          %add3A_294 = arith.addi %broadcast_in_dim3A_292, %iota3A_293 : vector<16xi32>
          %broadcast_in_dim3A_295 = vector.broadcast %and3A_240 : i32 to vector<16xi32>
          %gather3A_296 = tpu.vector_load_idx %arg17[%add3A_294, %broadcast_in_dim3A_295] : memref<256x128xf32, #tpu.memory_space<vmem>>[vector<16xi32>, vector<16xi32>], vector<16xf32>,
          %mul3A_297 = arith.constant 64 : i32
          %mul3A_298 = arith.muli %and3A_244, %mul3A_297 : i32
          %add3A_299 = arith.constant 48 : i32
          %add3A_300 = arith.addi %mul3A_298, %add3A_299 : i32
          %swap3A_301 = arith.index_cast %add3A_300 : i32 to index
          %swap3A_302 = tpu.vector_load %arg19[%swap3A_301] {strides = array<i32>} : memref<4096xf32, #tpu.memory_space<vmem>>, vector<16xf32>,
          tpu.vector_store %arg19[%swap3A_301], %gather3A_296 {strides = array<i32>} : memref<4096xf32, #tpu.memory_space<vmem>>, vector<16xf32>,
          %ge3A = arith.constant 32 : i32
          %ge3A_303 = arith.cmpi sge, %while3A_214, %ge3A : i32
          %and3A_304 = arith.constant 31 : i32
          %and3A_305 = arith.andi %while3A_214, %and3A_304 : i32
          %eq3A_306 = arith.constant 0 : i32
          %eq3A_307 = arith.cmpi eq, %and3A_305, %eq3A_306 : i32
          %and3A_308 = arith.andi %ge3A_303, %eq3A_307 : i1
          %convert_element_type3A_309 = arith.extui %and3A_308 : i1 to i32
          %cond3A_310 = arith.constant 0 : i32
          %cond3A_311 = arith.cmpi ne, %convert_element_type3A_309, %cond3A_310 : i32
          scf.if %cond3A_311 {
            %scan3A_324 = arith.constant 0 : i32
            %scan3A_325 = arith.constant 0 : i32
            %scan3A_326 = arith.constant 32 : i32
            %scan3A_327 = arith.addi %scan3A_325, %scan3A_326 : i32
            %scan3A_328 = arith.constant 1 : i32
            %scan3A_329 = scf.for %scan3A_331 = %scan3A_325 to %scan3A_327 step %scan3A_328 iter_args(%scan3A_332 = %scan3A_324) -> (i32)  : i32 {
              %dma_wait3A = arith.constant 0 : i32
              %dma_wait3A_333 = tpu.memref_slice %arg19[%dma_wait3A] : memref<4096xf32, #tpu.memory_space<vmem>> -> memref<64xf32, #tpu.memory_space<vmem>>
              %dma_wait3A_334 = arith.constant 0 : i32
              %dma_wait3A_335 = tpu.memref_slice %arg8[%dma_wait3A_334] : memref<1048576xf32, #tpu.memory_space<hbm>> -> memref<64xf32, #tpu.memory_space<hbm>>
              %dma_wait3A_336 = arith.constant 0 : i32
              %dma_wait3A_337 = tpu.memref_slice %arg8[%dma_wait3A_336] : memref<1048576xf32, #tpu.memory_space<hbm>> -> memref<64xf32, #tpu.memory_space<hbm>>
              %dma_wait3A_338 = arith.constant 0 : i32
              %dma_wait3A_339 = tpu.memref_slice %arg19[%dma_wait3A_338] : memref<4096xf32, #tpu.memory_space<vmem>> -> memref<64xf32, #tpu.memory_space<vmem>>
              tpu.wait_dma2 semaphore(%arg24 : memref<!tpu.dma_semaphore, #tpu.memory_space<semaphore_mem>>) src(%dma_wait3A_339 : memref<64xf32, #tpu.memory_space<vmem>>) dst(%dma_wait3A_337 : memref<64xf32, #tpu.memory_space<hbm>>)
              %scan3A_340 = arith.constant 0 : i32
              scf.yield %scan3A_340 : i32
            }
            %scan3A_330 = arith.constant 32 : i32
          } else {
          }
          %mul3A_312 = arith.constant 64 : i32
          %mul3A_313 = arith.muli %and3A_244, %mul3A_312 : i32
          %mul3A_314 = arith.constant 64 : i32
          %mul3A_315 = arith.muli %shift_right_logical3A_238, %mul3A_314 : i32
          %dma_start3A_316 = tpu.memref_slice %arg19[%mul3A_313] : memref<4096xf32, #tpu.memory_space<vmem>> -> memref<64xf32, #tpu.memory_space<vmem>>
          %dma_start3A_317 = tpu.memref_slice %arg8[%mul3A_315] : memref<1048576xf32, #tpu.memory_space<hbm>> -> memref<64xf32, #tpu.memory_space<hbm>>
          %dma_start3A_318 = tpu.memref_slice %arg8[%mul3A_315] : memref<1048576xf32, #tpu.memory_space<hbm>> -> memref<64xf32, #tpu.memory_space<hbm>>
          %dma_start3A_319 = tpu.memref_slice %arg19[%mul3A_313] : memref<4096xf32, #tpu.memory_space<vmem>> -> memref<64xf32, #tpu.memory_space<vmem>>
          tpu.enqueue_dma source(%dma_start3A_319 : memref<64xf32, #tpu.memory_space<vmem>>) target(%dma_start3A_318 : memref<64xf32, #tpu.memory_space<hbm>>) target_semaphore(%arg24 : memref<!tpu.dma_semaphore, #tpu.memory_space<semaphore_mem>>)
          %not3A = arith.constant dense<true> : vector<16xi1>
          %not3A_320 = arith.xori %eq3A_216, %not3A : vector<16xi1>
          %and3A_321 = arith.andi %while3A_213, %not3A_320 : vector<16xi1>
          %add3A_322 = arith.constant 1 : i32
          %add3A_323 = arith.addi %while3A_214, %add3A_322 : i32
          scf.yield %and3A_321, %add3A_323 : vector<16xi1>, i32
        }
        scf.yield %while3A_212#1 : i32
      }
      %while3A_192 = arith.constant 1 : i32
      %while3A_193 = scf.for %while3A_197 = %while3A_189 to %while3A_185 step %while3A_192 iter_args(%while3A_198 = %while3A_191) -> (i32)  : i32 {
        %mul3A_199 = arith.constant 16 : i32
        %mul3A_200 = arith.muli %while3A_197, %mul3A_199 : i32
        %get3A = arith.index_cast %mul3A_200 : i32 to index
        %get3A_201 = tpu.vector_load %arg14[%get3A] {strides = array<i32>} : memref<2048xi32, #tpu.memory_space<vmem>>, vector<16xi32>,
        %get3A_202 = arith.index_cast %mul3A_200 : i32 to index
        %get3A_203 = tpu.vector_load %arg15[%get3A_202] {strides = array<i32>} : memref<2048xi32, #tpu.memory_space<vmem>>, vector<16xi32>,
        %mul3A_204 = arith.constant 16 : i32
        %mul3A_205 = arith.muli %while3A_197, %mul3A_204 : i32
        %broadcast_in_dim3A_206 = vector.broadcast %mul3A_205 : i32 to vector<16xi32>
        %iota3A = tpu.iota {dimensions = array<i32: 0>} : vector<16xi32>
        %add3A_207 = arith.addi %broadcast_in_dim3A_206, %iota3A : vector<16xi32>
        %lt3A_208 = arith.cmpi slt, %add3A_207, %broadcast_in_dim3A_177 : vector<16xi32>
        %shift_right_logical3A_209 = arith.constant 2 : i32
        %shift_right_logical3A_210 = vector.broadcast %shift_right_logical3A_209 : i32 to vector<16xi32>
        %shift_right_logical3A_211 = arith.shrui %get3A_201, %shift_right_logical3A_210 : vector<16xi32>
        %eq3A = arith.cmpi eq, %shift_right_logical3A_211, %broadcast_in_dim3A_178 : vector<16xi32>
        %and3A = arith.andi %eq3A, %lt3A_208 : vector<16xi1>
        %while3A_212:2 = scf.while (%while3A_213 = %and3A, %while3A_214 = %while3A_198) : (vector<16xi1>, i32) -> (vector<16xi1>, i32) {
          %convert_element_type3A_215 = arith.extui %while3A_213 : vector<16xi1> to vector<16xi32>
          %reduce_max3A_216 = arith.constant true
          %reduce_max3A_217 = vector.broadcast %reduce_max3A_216 : i1 to vector<16xi1>
          %reduce_max3A_218 = arith.constant -2147483648 : i32
          %reduce_max3A_219 = vector.broadcast %reduce_max3A_218 : i32 to vector<16xi32>
          %reduce_max3A_220 = arith.xori %convert_element_type3A_215, %reduce_max3A_219 : vector<16xi32>
          %reduce_max3A_221 = tpu.scan <max>, %reduce_max3A_220 masked %reduce_max3A_217 : vector<16xi32>, vector<16xi1> -> vector<16xi32>
          %reduce_max3A_222 = arith.xori %reduce_max3A_221, %reduce_max3A_219 : vector<16xi32>
          %reduce_max3A_223 = vector.extract %reduce_max3A_222[15] : i32 from vector<16xi32>
          %gt3A = arith.constant 0 : i32
          %gt3A_224 = arith.cmpi sgt, %reduce_max3A_223, %gt3A : i32
          scf.condition(%gt3A_224) %while3A_213, %while3A_214 : vector<16xi1>, i32
        } do {
        ^bb0(%while3A_213: vector<16xi1>, %while3A_214: i32):
          %all_reduce_ffs3A = tpu.all_reduce %while3A_213 {dim = 0 : i64, kind = #tpu.reduction_kind<find_first_set>} : vector<16xi1> -> vector<16xi32>
          %iota3A_215 = tpu.iota {dimensions = array<i32: 0>} : vector<16xi32>
          %eq3A_216 = arith.cmpi eq, %iota3A_215, %all_reduce_ffs3A : vector<16xi32>
          %jit3A = arith.constant 0 : i32
          %broadcast_in_dim3A_217 = vector.broadcast %jit3A : i32 to vector<16xi32>
          %select_n3A = arith.select %eq3A_216, %get3A_203, %broadcast_in_dim3A_217 : vector<16xi1>, vector<16xi32>
          %reduce_max3A_218 = arith.constant true
          %reduce_max3A_219 = vector.broadcast %reduce_max3A_218 : i1 to vector<16xi1>
          %reduce_max3A_220 = arith.constant -2147483648 : i32
          %reduce_max3A_221 = vector.broadcast %reduce_max3A_220 : i32 to vector<16xi32>
          %reduce_max3A_222 = arith.xori %select_n3A, %reduce_max3A_221 : vector<16xi32>
          %reduce_max3A_223 = tpu.scan <max>, %reduce_max3A_222 masked %reduce_max3A_219 : vector<16xi32>, vector<16xi1> -> vector<16xi32>
          %reduce_max3A_224 = arith.xori %reduce_max3A_223, %reduce_max3A_221 : vector<16xi32>
          %reduce_max3A_225 = vector.extract %reduce_max3A_224[15] : i32 from vector<16xi32>
          %jit3A_226 = arith.constant 0 : i32
          %broadcast_in_dim3A_227 = vector.broadcast %jit3A_226 : i32 to vector<16xi32>
          %select_n3A_228 = arith.select %eq3A_216, %get3A_201, %broadcast_in_dim3A_227 : vector<16xi1>, vector<16xi32>
          %reduce_max3A_229 = arith.constant true
          %reduce_max3A_230 = vector.broadcast %reduce_max3A_229 : i1 to vector<16xi1>
          %reduce_max3A_231 = arith.constant -2147483648 : i32
          %reduce_max3A_232 = vector.broadcast %reduce_max3A_231 : i32 to vector<16xi32>
          %reduce_max3A_233 = arith.xori %select_n3A_228, %reduce_max3A_232 : vector<16xi32>
          %reduce_max3A_234 = tpu.scan <max>, %reduce_max3A_233 masked %reduce_max3A_230 : vector<16xi32>, vector<16xi1> -> vector<16xi32>
          %reduce_max3A_235 = arith.xori %reduce_max3A_234, %reduce_max3A_232 : vector<16xi32>
          %reduce_max3A_236 = vector.extract %reduce_max3A_235[15] : i32 from vector<16xi32>
          %shift_right_logical3A_237 = arith.constant 7 : i32
          %shift_right_logical3A_238 = arith.shrui %reduce_max3A_225, %shift_right_logical3A_237 : i32
          %and3A_239 = arith.constant 127 : i32
          %and3A_240 = arith.andi %reduce_max3A_225, %and3A_239 : i32
          %and3A_241 = arith.constant 3 : i32
          %and3A_242 = arith.andi %reduce_max3A_236, %and3A_241 : i32
          %and3A_243 = arith.constant 63 : i32
          %and3A_244 = arith.andi %while3A_214, %and3A_243 : i32
          %mul3A_245 = arith.constant 64 : i32
          %mul3A_246 = arith.muli %and3A_242, %mul3A_245 : i32
          %add3A_247 = arith.constant 0 : i32
          %add3A_248 = arith.addi %mul3A_246, %add3A_247 : i32
          %broadcast_in_dim3A_249 = vector.broadcast %add3A_248 : i32 to vector<16xi32>
          %iota3A_250 = tpu.iota {dimensions = array<i32: 0>} : vector<16xi32>
          %add3A_251 = arith.addi %broadcast_in_dim3A_249, %iota3A_250 : vector<16xi32>
          %broadcast_in_dim3A_252 = vector.broadcast %and3A_240 : i32 to vector<16xi32>
          %gather3A = tpu.vector_load_idx %arg17[%add3A_251, %broadcast_in_dim3A_252] : memref<256x128xf32, #tpu.memory_space<vmem>>[vector<16xi32>, vector<16xi32>], vector<16xf32>,
          %mul3A_253 = arith.constant 64 : i32
          %mul3A_254 = arith.muli %and3A_244, %mul3A_253 : i32
          %add3A_255 = arith.constant 0 : i32
          %add3A_256 = arith.addi %mul3A_254, %add3A_255 : i32
          %swap3A = arith.index_cast %add3A_256 : i32 to index
          %swap3A_257 = tpu.vector_load %arg19[%swap3A] {strides = array<i32>} : memref<4096xf32, #tpu.memory_space<vmem>>, vector<16xf32>,
          tpu.vector_store %arg19[%swap3A], %gather3A {strides = array<i32>} : memref<4096xf32, #tpu.memory_space<vmem>>, vector<16xf32>,
          %mul3A_258 = arith.constant 64 : i32
          %mul3A_259 = arith.muli %and3A_242, %mul3A_258 : i32
          %add3A_260 = arith.constant 16 : i32
          %add3A_261 = arith.addi %mul3A_259, %add3A_260 : i32
          %broadcast_in_dim3A_262 = vector.broadcast %add3A_261 : i32 to vector<16xi32>
          %iota3A_263 = tpu.iota {dimensions = array<i32: 0>} : vector<16xi32>
          %add3A_264 = arith.addi %broadcast_in_dim3A_262, %iota3A_263 : vector<16xi32>
          %broadcast_in_dim3A_265 = vector.broadcast %and3A_240 : i32 to vector<16xi32>
          %gather3A_266 = tpu.vector_load_idx %arg17[%add3A_264, %broadcast_in_dim3A_265] : memref<256x128xf32, #tpu.memory_space<vmem>>[vector<16xi32>, vector<16xi32>], vector<16xf32>,
          %mul3A_267 = arith.constant 64 : i32
          %mul3A_268 = arith.muli %and3A_244, %mul3A_267 : i32
          %add3A_269 = arith.constant 16 : i32
          %add3A_270 = arith.addi %mul3A_268, %add3A_269 : i32
          %swap3A_271 = arith.index_cast %add3A_270 : i32 to index
          %swap3A_272 = tpu.vector_load %arg19[%swap3A_271] {strides = array<i32>} : memref<4096xf32, #tpu.memory_space<vmem>>, vector<16xf32>,
          tpu.vector_store %arg19[%swap3A_271], %gather3A_266 {strides = array<i32>} : memref<4096xf32, #tpu.memory_space<vmem>>, vector<16xf32>,
          %mul3A_273 = arith.constant 64 : i32
          %mul3A_274 = arith.muli %and3A_242, %mul3A_273 : i32
          %add3A_275 = arith.constant 32 : i32
          %add3A_276 = arith.addi %mul3A_274, %add3A_275 : i32
          %broadcast_in_dim3A_277 = vector.broadcast %add3A_276 : i32 to vector<16xi32>
          %iota3A_278 = tpu.iota {dimensions = array<i32: 0>} : vector<16xi32>
          %add3A_279 = arith.addi %broadcast_in_dim3A_277, %iota3A_278 : vector<16xi32>
          %broadcast_in_dim3A_280 = vector.broadcast %and3A_240 : i32 to vector<16xi32>
          %gather3A_281 = tpu.vector_load_idx %arg17[%add3A_279, %broadcast_in_dim3A_280] : memref<256x128xf32, #tpu.memory_space<vmem>>[vector<16xi32>, vector<16xi32>], vector<16xf32>,
          %mul3A_282 = arith.constant 64 : i32
          %mul3A_283 = arith.muli %and3A_244, %mul3A_282 : i32
          %add3A_284 = arith.constant 32 : i32
          %add3A_285 = arith.addi %mul3A_283, %add3A_284 : i32
          %swap3A_286 = arith.index_cast %add3A_285 : i32 to index
          %swap3A_287 = tpu.vector_load %arg19[%swap3A_286] {strides = array<i32>} : memref<4096xf32, #tpu.memory_space<vmem>>, vector<16xf32>,
          tpu.vector_store %arg19[%swap3A_286], %gather3A_281 {strides = array<i32>} : memref<4096xf32, #tpu.memory_space<vmem>>, vector<16xf32>,
          %mul3A_288 = arith.constant 64 : i32
          %mul3A_289 = arith.muli %and3A_242, %mul3A_288 : i32
          %add3A_290 = arith.constant 48 : i32
          %add3A_291 = arith.addi %mul3A_289, %add3A_290 : i32
          %broadcast_in_dim3A_292 = vector.broadcast %add3A_291 : i32 to vector<16xi32>
          %iota3A_293 = tpu.iota {dimensions = array<i32: 0>} : vector<16xi32>
          %add3A_294 = arith.addi %broadcast_in_dim3A_292, %iota3A_293 : vector<16xi32>
          %broadcast_in_dim3A_295 = vector.broadcast %and3A_240 : i32 to vector<16xi32>
          %gather3A_296 = tpu.vector_load_idx %arg17[%add3A_294, %broadcast_in_dim3A_295] : memref<256x128xf32, #tpu.memory_space<vmem>>[vector<16xi32>, vector<16xi32>], vector<16xf32>,
          %mul3A_297 = arith.constant 64 : i32
          %mul3A_298 = arith.muli %and3A_244, %mul3A_297 : i32
          %add3A_299 = arith.constant 48 : i32
          %add3A_300 = arith.addi %mul3A_298, %add3A_299 : i32
          %swap3A_301 = arith.index_cast %add3A_300 : i32 to index
          %swap3A_302 = tpu.vector_load %arg19[%swap3A_301] {strides = array<i32>} : memref<4096xf32, #tpu.memory_space<vmem>>, vector<16xf32>,
          tpu.vector_store %arg19[%swap3A_301], %gather3A_296 {strides = array<i32>} : memref<4096xf32, #tpu.memory_space<vmem>>, vector<16xf32>,
          %ge3A = arith.constant 32 : i32
          %ge3A_303 = arith.cmpi sge, %while3A_214, %ge3A : i32
          %and3A_304 = arith.constant 31 : i32
          %and3A_305 = arith.andi %while3A_214, %and3A_304 : i32
          %eq3A_306 = arith.constant 0 : i32
          %eq3A_307 = arith.cmpi eq, %and3A_305, %eq3A_306 : i32
          %and3A_308 = arith.andi %ge3A_303, %eq3A_307 : i1
          %convert_element_type3A_309 = arith.extui %and3A_308 : i1 to i32
          %cond3A_310 = arith.constant 0 : i32
          %cond3A_311 = arith.cmpi ne, %convert_element_type3A_309, %cond3A_310 : i32
          scf.if %cond3A_311 {
            %scan3A_324 = arith.constant 0 : i32
            %scan3A_325 = arith.constant 0 : i32
            %scan3A_326 = arith.constant 32 : i32
            %scan3A_327 = arith.addi %scan3A_325, %scan3A_326 : i32
            %scan3A_328 = arith.constant 1 : i32
            %scan3A_329 = scf.for %scan3A_331 = %scan3A_325 to %scan3A_327 step %scan3A_328 iter_args(%scan3A_332 = %scan3A_324) -> (i32)  : i32 {
              %dma_wait3A = arith.constant 0 : i32
              %dma_wait3A_333 = tpu.memref_slice %arg19[%dma_wait3A] : memref<4096xf32, #tpu.memory_space<vmem>> -> memref<64xf32, #tpu.memory_space<vmem>>
              %dma_wait3A_334 = arith.constant 0 : i32
              %dma_wait3A_335 = tpu.memref_slice %arg8[%dma_wait3A_334] : memref<1048576xf32, #tpu.memory_space<hbm>> -> memref<64xf32, #tpu.memory_space<hbm>>
              %dma_wait3A_336 = arith.constant 0 : i32
              %dma_wait3A_337 = tpu.memref_slice %arg8[%dma_wait3A_336] : memref<1048576xf32, #tpu.memory_space<hbm>> -> memref<64xf32, #tpu.memory_space<hbm>>
              %dma_wait3A_338 = arith.constant 0 : i32
              %dma_wait3A_339 = tpu.memref_slice %arg19[%dma_wait3A_338] : memref<4096xf32, #tpu.memory_space<vmem>> -> memref<64xf32, #tpu.memory_space<vmem>>
              tpu.wait_dma2 semaphore(%arg24 : memref<!tpu.dma_semaphore, #tpu.memory_space<semaphore_mem>>) src(%dma_wait3A_339 : memref<64xf32, #tpu.memory_space<vmem>>) dst(%dma_wait3A_337 : memref<64xf32, #tpu.memory_space<hbm>>)
              %scan3A_340 = arith.constant 0 : i32
              scf.yield %scan3A_340 : i32
            }
            %scan3A_330 = arith.constant 32 : i32
          } else {
          }
          %mul3A_312 = arith.constant 64 : i32
          %mul3A_313 = arith.muli %and3A_244, %mul3A_312 : i32
          %mul3A_314 = arith.constant 64 : i32
          %mul3A_315 = arith.muli %shift_right_logical3A_238, %mul3A_314 : i32
          %dma_start3A_316 = tpu.memref_slice %arg19[%mul3A_313] : memref<4096xf32, #tpu.memory_space<vmem>> -> memref<64xf32, #tpu.memory_space<vmem>>
          %dma_start3A_317 = tpu.memref_slice %arg8[%mul3A_315] : memref<1048576xf32, #tpu.memory_space<hbm>> -> memref<64xf32, #tpu.memory_space<hbm>>
          %dma_start3A_318 = tpu.memref_slice %arg8[%mul3A_315] : memref<1048576xf32, #tpu.memory_space<hbm>> -> memref<64xf32, #tpu.memory_space<hbm>>
          %dma_start3A_319 = tpu.memref_slice %arg19[%mul3A_313] : memref<4096xf32, #tpu.memory_space<vmem>> -> memref<64xf32, #tpu.memory_space<vmem>>
          tpu.enqueue_dma source(%dma_start3A_319 : memref<64xf32, #tpu.memory_space<vmem>>) target(%dma_start3A_318 : memref<64xf32, #tpu.memory_space<hbm>>) target_semaphore(%arg24 : memref<!tpu.dma_semaphore, #tpu.memory_space<semaphore_mem>>)
          %not3A = arith.constant dense<true> : vector<16xi1>
          %not3A_320 = arith.xori %eq3A_216, %not3A : vector<16xi1>
          %and3A_321 = arith.andi %while3A_213, %not3A_320 : vector<16xi1>
          %add3A_322 = arith.constant 1 : i32
          %add3A_323 = arith.addi %while3A_214, %add3A_322 : i32
          scf.yield %and3A_321, %add3A_323 : vector<16xi1>, i32
        }
        scf.yield %while3A_212#1 : i32
      }
      %convert_element_type3A_194 = arith.extui %lt3A_90 : i1 to i32
      %cond3A_195 = arith.constant 0 : i32
      %cond3A_196 = arith.cmpi ne, %convert_element_type3A_194, %cond3A_195 : i32
      scf.if %cond3A_196 {
        %mul3A_197 = arith.constant 128 : i32
        %mul3A_198 = arith.muli %add3A_87, %mul3A_197 : i32
        %dma_start3A_199 = arith.constant 256 : i32
        %dma_start3A_200 = tpu.memref_slice %arg5[%dma_start3A_199, %mul3A_198] : memref<512x100000xf32, #tpu.memory_space<hbm>> -> memref<256x128xf32, #tpu.memory_space<hbm>>
        %dma_start3A_201 = arith.constant 256 : i32
        %dma_start3A_202 = tpu.memref_slice %arg5[%dma_start3A_201, %mul3A_198] : memref<512x100000xf32, #tpu.memory_space<hbm>> -> memref<256x128xf32, #tpu.memory_space<hbm>>
        tpu.enqueue_dma source(%dma_start3A_202 : memref<256x128xf32, #tpu.memory_space<hbm>>) target(%arg17 : memref<256x128xf32, #tpu.memory_space<vmem>>) target_semaphore(%arg22 : memref<!tpu.dma_semaphore, #tpu.memory_space<semaphore_mem>>)
      } else {
      }
      scf.yield %while3A_139, %while3A_193 : i32, i32
    }
    %scan3A_41 = arith.constant 25 : i32
    %max3A = arith.constant 1 : i32
    %max3A_42 = arith.maxsi %scan3A_40#0, %max3A : i32
    %sub3A = arith.constant 1 : i32
    %sub3A_43 = arith.subi %max3A_42, %sub3A : i32
    %shift_right_logical3A = arith.constant 5 : i32
    %shift_right_logical3A_44 = arith.shrui %sub3A_43, %shift_right_logical3A : i32
    %mul3A_45 = arith.constant 32 : i32
    %mul3A_46 = arith.muli %mul3A_45, %shift_right_logical3A_44 : i32
    %sub3A_47 = arith.subi %scan3A_40#0, %mul3A_46 : i32
    %max3A_48 = arith.constant 1 : i32
    %max3A_49 = arith.maxsi %scan3A_40#1, %max3A_48 : i32
    %sub3A_50 = arith.constant 1 : i32
    %sub3A_51 = arith.subi %max3A_49, %sub3A_50 : i32
    %shift_right_logical3A_52 = arith.constant 5 : i32
    %shift_right_logical3A_53 = arith.shrui %sub3A_51, %shift_right_logical3A_52 : i32
    %mul3A_54 = arith.constant 32 : i32
    %mul3A_55 = arith.muli %mul3A_54, %shift_right_logical3A_53 : i32
    %sub3A_56 = arith.subi %scan3A_40#1, %mul3A_55 : i32
    %while3A = arith.constant 0 : i32
    %while3A_57 = arith.constant 0 : i32
    %while3A_58 = arith.subi %sub3A_47, %while3A : i32
    %while3A_59 = arith.addi %while3A, %while3A_58 : i32
    %while3A_60 = arith.constant 1 : i32
    %while3A_61 = arith.divsi %while3A_58, %while3A_60 : i32
    %while3A_62 = arith.muli %while3A_61, %while3A_60 : i32
    %while3A_63 = arith.addi %while3A, %while3A_62 : i32
    %while3A_64 = arith.constant 1 : i32
    %while3A_65 = scf.for %while3A_80 = %while3A to %while3A_63 step %while3A_64 iter_args(%while3A_81 = %while3A_57) -> (i32)  : i32 {
      %dma_wait3A = arith.constant 0 : i32
      %dma_wait3A_82 = tpu.memref_slice %arg18[%dma_wait3A] : memref<4096xf32, #tpu.memory_space<vmem>> -> memref<64xf32, #tpu.memory_space<vmem>>
      %dma_wait3A_83 = arith.constant 0 : i32
      %dma_wait3A_84 = tpu.memref_slice %arg7[%dma_wait3A_83] : memref<1048576xf32, #tpu.memory_space<hbm>> -> memref<64xf32, #tpu.memory_space<hbm>>
      %dma_wait3A_85 = arith.constant 0 : i32
      %dma_wait3A_86 = tpu.memref_slice %arg7[%dma_wait3A_85] : memref<1048576xf32, #tpu.memory_space<hbm>> -> memref<64xf32, #tpu.memory_space<hbm>>
      %dma_wait3A_87 = arith.constant 0 : i32
      %dma_wait3A_88 = tpu.memref_slice %arg18[%dma_wait3A_87] : memref<4096xf32, #tpu.memory_space<vmem>> -> memref<64xf32, #tpu.memory_space<vmem>>
      tpu.wait_dma2 semaphore(%arg23 : memref<!tpu.dma_semaphore, #tpu.memory_space<semaphore_mem>>) src(%dma_wait3A_88 : memref<64xf32, #tpu.memory_space<vmem>>) dst(%dma_wait3A_86 : memref<64xf32, #tpu.memory_space<hbm>>)
      %while3A_89 = arith.constant 0 : i32
      scf.yield %while3A_89 : i32
    }
    %while3A_66 = arith.constant 1 : i32
    %while3A_67 = scf.for %while3A_80 = %while3A_63 to %while3A_59 step %while3A_66 iter_args(%while3A_81 = %while3A_65) -> (i32)  : i32 {
      %dma_wait3A = arith.constant 0 : i32
      %dma_wait3A_82 = tpu.memref_slice %arg18[%dma_wait3A] : memref<4096xf32, #tpu.memory_space<vmem>> -> memref<64xf32, #tpu.memory_space<vmem>>
      %dma_wait3A_83 = arith.constant 0 : i32
      %dma_wait3A_84 = tpu.memref_slice %arg7[%dma_wait3A_83] : memref<1048576xf32, #tpu.memory_space<hbm>> -> memref<64xf32, #tpu.memory_space<hbm>>
      %dma_wait3A_85 = arith.constant 0 : i32
      %dma_wait3A_86 = tpu.memref_slice %arg7[%dma_wait3A_85] : memref<1048576xf32, #tpu.memory_space<hbm>> -> memref<64xf32, #tpu.memory_space<hbm>>
      %dma_wait3A_87 = arith.constant 0 : i32
      %dma_wait3A_88 = tpu.memref_slice %arg18[%dma_wait3A_87] : memref<4096xf32, #tpu.memory_space<vmem>> -> memref<64xf32, #tpu.memory_space<vmem>>
      tpu.wait_dma2 semaphore(%arg23 : memref<!tpu.dma_semaphore, #tpu.memory_space<semaphore_mem>>) src(%dma_wait3A_88 : memref<64xf32, #tpu.memory_space<vmem>>) dst(%dma_wait3A_86 : memref<64xf32, #tpu.memory_space<hbm>>)
      %while3A_89 = arith.constant 0 : i32
      scf.yield %while3A_89 : i32
    }
    %while3A_68 = arith.constant 0 : i32
    %while3A_69 = arith.constant 0 : i32
    %while3A_70 = arith.subi %sub3A_56, %while3A_68 : i32
    %while3A_71 = arith.addi %while3A_68, %while3A_70 : i32
    %while3A_72 = arith.constant 1 : i32
    %while3A_73 = arith.divsi %while3A_70, %while3A_72 : i32
    %while3A_74 = arith.muli %while3A_73, %while3A_72 : i32
    %while3A_75 = arith.addi %while3A_68, %while3A_74 : i32
    %while3A_76 = arith.constant 1 : i32
    %while3A_77 = scf.for %while3A_80 = %while3A_68 to %while3A_75 step %while3A_76 iter_args(%while3A_81 = %while3A_69) -> (i32)  : i32 {
      %dma_wait3A = arith.constant 0 : i32
      %dma_wait3A_82 = tpu.memref_slice %arg19[%dma_wait3A] : memref<4096xf32, #tpu.memory_space<vmem>> -> memref<64xf32, #tpu.memory_space<vmem>>
      %dma_wait3A_83 = arith.constant 0 : i32
      %dma_wait3A_84 = tpu.memref_slice %arg8[%dma_wait3A_83] : memref<1048576xf32, #tpu.memory_space<hbm>> -> memref<64xf32, #tpu.memory_space<hbm>>
      %dma_wait3A_85 = arith.constant 0 : i32
      %dma_wait3A_86 = tpu.memref_slice %arg8[%dma_wait3A_85] : memref<1048576xf32, #tpu.memory_space<hbm>> -> memref<64xf32, #tpu.memory_space<hbm>>
      %dma_wait3A_87 = arith.constant 0 : i32
      %dma_wait3A_88 = tpu.memref_slice %arg19[%dma_wait3A_87] : memref<4096xf32, #tpu.memory_space<vmem>> -> memref<64xf32, #tpu.memory_space<vmem>>
      tpu.wait_dma2 semaphore(%arg24 : memref<!tpu.dma_semaphore, #tpu.memory_space<semaphore_mem>>) src(%dma_wait3A_88 : memref<64xf32, #tpu.memory_space<vmem>>) dst(%dma_wait3A_86 : memref<64xf32, #tpu.memory_space<hbm>>)
      %while3A_89 = arith.constant 0 : i32
      scf.yield %while3A_89 : i32
    }
    %while3A_78 = arith.constant 1 : i32
    %while3A_79 = scf.for %while3A_80 = %while3A_75 to %while3A_71 step %while3A_78 iter_args(%while3A_81 = %while3A_77) -> (i32)  : i32 {
      %dma_wait3A = arith.constant 0 : i32
      %dma_wait3A_82 = tpu.memref_slice %arg19[%dma_wait3A] : memref<4096xf32, #tpu.memory_space<vmem>> -> memref<64xf32, #tpu.memory_space<vmem>>
      %dma_wait3A_83 = arith.constant 0 : i32
      %dma_wait3A_84 = tpu.memref_slice %arg8[%dma_wait3A_83] : memref<1048576xf32, #tpu.memory_space<hbm>> -> memref<64xf32, #tpu.memory_space<hbm>>
      %dma_wait3A_85 = arith.constant 0 : i32
      %dma_wait3A_86 = tpu.memref_slice %arg8[%dma_wait3A_85] : memref<1048576xf32, #tpu.memory_space<hbm>> -> memref<64xf32, #tpu.memory_space<hbm>>
      %dma_wait3A_87 = arith.constant 0 : i32
      %dma_wait3A_88 = tpu.memref_slice %arg19[%dma_wait3A_87] : memref<4096xf32, #tpu.memory_space<vmem>> -> memref<64xf32, #tpu.memory_space<vmem>>
      tpu.wait_dma2 semaphore(%arg24 : memref<!tpu.dma_semaphore, #tpu.memory_space<semaphore_mem>>) src(%dma_wait3A_88 : memref<64xf32, #tpu.memory_space<vmem>>) dst(%dma_wait3A_86 : memref<64xf32, #tpu.memory_space<hbm>>)
      %while3A_89 = arith.constant 0 : i32
      scf.yield %while3A_89 : i32
    }
    return
  }
}

</mosaic_0001>

<sc_bundles>
// kernel: _sc_gather.3.cloned.1.call-start
scs
__scs_entry_jumppad:
0x0: {  	(pc) =	sbr.rel $0x88, $3  }
0x1: {  	(tag) =	ssettag $0x0;
	lr =	simm.s32 $0x1  }
0x2: {  	[smem:$0x3F9C] =	sst lr;
	_ =	strace $0xD0000000  }
0x3: {  	_ = 	snop  }
0x4: {  	_ = 	snop  }
0x5: {  	_ = 	snop  }
0x6: {  	_ = 	snop  }
0x7: {  	_ = 	snop  }
__scs_overlays_trampoline_lowered:
0x8: {  	[smem:$0x3FAB] =	sst s0  }
0x9: {  	[smem:$0x3FAC] =	sst s1  }
0xa: {  	[smem:$0x3FAD] =	sst s2  }
0xb: {  	[smem:$0x3FAE] =	sst s3  }
0xc: {  	[smem:$0x3FAF] =	sst s4  }
0xd: {  	[smem:$0x3FB0] =	sst s5  }
0xe: {  	[smem:$0x3FB1] =	sst s6  }
0xf: {  	[smem:$0x3FB2] =	sst s7  }
0x10: {  	[smem:$0x3FB3] =	sst s8  }
0x11: {  	[smem:$0x3FB4] =	sst s9;
	s0 =	simm.s32 @!p0 $0x0  }
0x12: {  	s1 =	sld [smem:$0x3F9A];
	s0 =	simm.s32 @p0 $0x1  }
0x13: {  	[smem:$0x3FB5] =	sst s0;
	s0 =	simm.s32 @!p1 $0x0  }
0x14: {  	s2 =	sld [smem:$0x3F99];
	s0 =	simm.s32 @p1 $0x1  }
0x15: {  	[smem:$0x3FB6] =	sst s0;
	s0 =	simm.s32 @!p2 $0x0  }
0x16: {  	s3 =	sld [smem:$0x3FDB];
	s0 =	simm.s32 @p2 $0x1  }
0x17: {  	s4 =	simm.s32 $0x1BF5;
	[smem:$0x3FB8] =	sst s0  }
0x18: {  	s0 =	sld [smem:$0x3F9B];
	_ =	swait.ge [sflag:s4], $0x0  }
0x19: {  	s7 =	sld [smem:$0x3F9C]  }
0x1a: {  	s8 =	sadd.s32 $0xFFFFE003, lr  }
0x1b: {  	s9 =	sadd.s32 $0xFFFFFEF7, lr;
	s5 =	simm.s32 $0xFFFFFFFF;
	p2 =	slt.u32 s8, $0xFFFFF086  }
0x1c: {  	p1 =	slt.u32 s9, $0xF7A;
	s5 =	simm.s32 @!p2 $0x0  }
0x1d: {  	s5 =	simm.s32 @p1 $0x1;
	p0 =	seq.s32 s7, s2  }
0x1e: {  	s7 =	smul.u32 @!p0 $0xF7A, s2;
	p2 =	seq.s32 @!p0 s5, $0x0  }
0x1f: {  	s9 =	smul.u32 $0xF7A, s1;
	s8 =	simm.s32 @!p0 $0x1BF5;
	p2 =	por !p2, p0  }
0x20: {  	[sflag:s8] =	ssyncset.s32 @!p0 $0xFFFFF086;
	s6 =	sadd.s32 @!p0 s3, s7;
	s7 =	simm.s32 @!p0 $0x108  }
0x21: {  	s3 =	sadd.s32 s3, s9;
	s6 =	sadd.s32 @!p0 $0x88, s6;
	s7 =	simm.s32 @p2 $0x1082  }
0x22: {  	[simem:s7], [sflag:s8] =	dma.local @!p0 [hbm:s6], $0xF7A  }
0x23: {  	s9 =	sor.u32 $0xD0000000, s2;
	s6 =	simm.s32 $0x108;
	_ =	swait.ge @!p0 [sflag:s8], $0x0  }
0x24: {  	s3 =	sadd.s32 $0x88, s3;
	s6 =	simm.s32 @!p1 $0x1082;
	[sflag:s4] =	ssyncset.s32 $0xFFFFF086  }
0x25: {  	[simem:s6], [sflag:s4] =	dma.local [hbm:s3], $0xF7A  }
0x26: {  	[smem:$0x3F9C] =	sst s1;
	(tag) =	ssettag s2;
	_ =	strace s9  }
0x27: {  	s1 =	sld [smem:$0x3FAC]  }
0x28: {  	s2 =	sld [smem:$0x3FAD]  }
0x29: {  	s4 =	sld [smem:$0x3FAF]  }
0x2a: {  	p0 =	seq.s32 s5, $0x0;
	s5 =	sld [smem:$0x3FB0]  }
0x2b: {  	s6 =	sld [smem:$0x3FB1]  }
0x2c: {  	s7 =	sld [smem:$0x3FB2]  }
0x2d: {  	s3 =	simm.s32 $0x108;
	s8 =	sld [smem:$0x3FB3]  }
0x2e: {  	s3 =	simm.s32 @!p0 $0x1082;
	s9 =	sld [smem:$0x3FB4]  }
0x2f: {  	lr =	sadd.s32 s0, s3;
	s0 =	sld [smem:$0x3FAB]  }
0x30: {  	s3 =	sld [smem:$0x3FAE]  }
0x31: {  	[smem:$0x3FB7] =	sst s10  }
0x32: {  	s10 =	sld [smem:$0x3FB5];
	_ =	sdelay $0x3  }
0x33: {  	p0 =	seq.s32 s10, $0x1;
	s10 =	sld [smem:$0x3FB7];
	_ =	sdelay $0x3  }
0x34: {  	[smem:$0x3FB7] =	sst s10  }
0x35: {  	s10 =	sld [smem:$0x3FB6];
	_ =	sdelay $0x3  }
0x36: {  	p1 =	seq.s32 s10, $0x1;
	s10 =	sld [smem:$0x3FB7];
	_ =	sdelay $0x3  }
0x37: {  	[smem:$0x3FB7] =	sst s10  }
0x38: {  	s10 =	sld [smem:$0x3FB8]  }
0x39: {  	_ = 	snop;
	(pc) =	sbr.ind lr, $3  }
0x3a: {  	_ = 	snop  }
0x3b: {  	_ = 	snop  }
0x3c: {  	p2 =	seq.s32 s10, $0x1;
	s10 =	sld [smem:$0x3FB7]  }
0x3d: {  	_ =	shalt  }
0x3e: {  	_ =	shalt  }
0x3f: {  	_ =	shalt  }
0x40: {  	_ =	shalt  }
0x41: {  	_ =	shalt  }
0x42: {  	_ =	shalt  }
0x43: {  	_ =	shalt  }
0x44: {  	_ =	shalt  }
0x45: {  	_ =	shalt  }
0x46: {  	_ =	shalt  }
0x47: {  	_ =	shalt  }
0x48: {  	_ =	shalt  }
0x49: {  	_ =	shalt  }
0x4a: {  	_ =	shalt  }
0x4b: {  	_ =	shalt  }
0x4c: {  	_ =	shalt  }
0x4d: {  	_ =	shalt  }
0x4e: {  	_ =	shalt  }
0x4f: {  	_ =	shalt  }
0x50: {  	_ =	shalt  }
0x51: {  	_ =	shalt  }
0x52: {  	_ =	shalt  }
0x53: {  	_ =	shalt  }
0x54: {  	_ =	shalt  }
0x55: {  	_ =	shalt  }
0x56: {  	_ =	shalt  }
0x57: {  	_ =	shalt  }
0x58: {  	_ =	shalt  }
0x59: {  	_ =	shalt  }
0x5a: {  	_ =	shalt  }
0x5b: {  	_ =	shalt  }
0x5c: {  	_ =	shalt  }
0x5d: {  	_ =	shalt  }
0x5e: {  	_ =	shalt  }
0x5f: {  	_ =	shalt  }
0x60: {  	_ =	shalt  }
0x61: {  	_ =	shalt  }
0x62: {  	_ =	shalt  }
0x63: {  	_ =	shalt  }
0x64: {  	_ =	shalt  }
0x65: {  	_ =	shalt  }
0x66: {  	_ =	shalt  }
0x67: {  	_ =	shalt  }
0x68: {  	_ =	shalt  }
0x69: {  	_ =	shalt  }
0x6a: {  	_ =	shalt  }
0x6b: {  	_ =	shalt  }
0x6c: {  	_ =	shalt  }
0x6d: {  	_ =	shalt  }
0x6e: {  	_ =	shalt  }
0x6f: {  	_ =	shalt  }
0x70: {  	_ =	shalt  }
0x71: {  	_ =	shalt  }
0x72: {  	_ =	shalt  }
0x73: {  	_ =	shalt  }
0x74: {  	_ =	shalt  }
0x75: {  	_ =	shalt  }
0x76: {  	_ =	shalt  }
0x77: {  	_ =	shalt  }
0x78: {  	_ =	shalt  }
0x79: {  	_ =	shalt  }
0x7a: {  	_ =	shalt  }
0x7b: {  	_ =	shalt  }
0x7c: {  	_ =	shalt  }
0x7d: {  	_ =	shalt  }
0x7e: {  	_ =	shalt  }
0x7f: {  	_ =	shalt  }
0x80: {  	_ =	shalt  }
0x81: {  	_ =	shalt  }
0x82: {  	_ =	shalt  }
0x83: {  	_ =	shalt  }
0x84: {  	_ =	shalt  }
0x85: {  	_ =	shalt  }
0x86: {  	_ =	shalt  }
0x87: {  	_ =	shalt  }
.Lfunc_end0:
.L_simem_size_0:
called_computation_lowered:
.L_overlay_start_0:
0x88: {  	s2 =	sld [smem:$0x3FD9]  }
0x89: {  	s3 =	sld [smem:$0x3FFE];
	_ =	sdelay $0x1  }
0x8a: {  	s1 =	srdreg.scid  }
0x8b: {  	s0 =	sand.u32 $0x1, s1  }
0x8c: {  	s14 =	sshll.u32 s0, $0xA;
	s2 =	sadd.s32 s3, s2  }
0x8d: {  	s2 =	sadd.s32 s2, s14  }
0x8e: {  	[smem:$0x3FC3] =	sst s2  }
0x8f: {  	_ = 	snop  }
0x90: {  	s2 =	sld [smem:$0x3FD0]  }
0x91: {  	s15 =	sld [smem:$0x3FC9]  }
0x92: {  	s4 =	sld [smem:$0x3FC8]  }
0x93: {  	s6 =	simm.s32 $0xA;
	s7 =	simm.s32 $0x10;
	s5 =	sld [smem:$0x3FC7]  }
0x94: {  	[smem:s7], [sflag:s6] =	dma.local [hbm:s2], $0x1  }
0x95: {  	_ =	swait.eq [sflag:s6], $0x1  }
0x96: {  	[sflag:s6] =	ssyncset.done $0x0  }
0x97: {  	s16 =	sld [smem:$0x10];
	[sflag:s6] =	ssyncadd.s32 $0xFFFFFFFF  }
0x98: {  	s17 =	sld [smem:$0x11];
	(tm) =	ssettm $0x1  }
0x99: {  	s18 =	sld [smem:$0x3FFB];
	_ =	sdelay $0x3  }
0x9a: {  	_ =	strace s18  }
0x9b: {  	s7 =	sld [smem:$0x3FFC];
	_ =	sdelay $0x3  }
0x9c: {  	_ =	strace s7  }
0x9d: {  	s7 =	sld [smem:$0x3FFD];
	_ =	sdelay $0x3  }
0x9e: {  	_ =	strace s7  }
0x9f: {  	_ =	strace $0x8FFFFFFF  }
0xa0: {  	s19 =	sld [smem:$0x3FDB];
	_ =	sdelay $0x1  }
0xa1: {  	s8 =	simm.s32 $_scs_section_size  }
0xa2: {  	s9 =	simm.s32 $_size__tile_overlayer_lowered;
	s10 =	simm.s32 $_tile_overlayer_lowered  }
0xa3: {  	s22 =	simm.s32 $0x1BFF;
	s21 =	sshll.u32 s10, $0x1;
	s7 =	sadd.s32 s8, s19  }
0xa4: {  	s11 =	simm.s32 $0x0;
	s20 =	sshll.u32 s9, $0x1;
	s9 =	sadd.s32 s21, s7  }
0xa5: {  	[timem:s11], [sflag:s22] =	dma.local [hbm:s9], s20  }
0xa6: {  	_ =	swait.ge [sflag:s22], s20  }
0xa7: {  	s8 =	ssub.s32 $0x0, s20;
	[sflag:s22] =	ssyncset.done $0x0  }
0xa8: {  	[sflag:s22] =	ssyncadd.s32 s8;
	_ =	sdelay $0x1  }
0xa9: {  	s23 =	simm.s32 $0x1B8B  }
0xaa: {  	_ =	swait.ge [sflag:s23], $0x1  }
0xab: {  	[sflag:s23] =	ssyncset.done $0x0  }
0xac: {  	s25 =	simm.s32 $0x1B8E;
	s24 =	sld [smem:$0x3FFE];
	[sflag:s23] =	ssyncadd.s32 $0xFFFFFFFF  }
0xad: {  	s26 =	simm.s32 $execute0_lowered;
	[smem:$0x3FD2] =	sst s25  }
0xae: {  	s9 =	sshll.u32 s26, $0x1;
	_ =	strace $0x80000046;
	[dreg:$0x1] =	wrdreg $0xFFFFFFFF  }
0xaf: {  	s28 =	simm.s32 $_size_execute0_lowered;
	s7 =	sadd.s32 s7, s9;
	[dreg:$0x0] =	wrdreg $0x0  }
0xb0: {  	s9 =	sshll.u32 s28, $0x1;
	[dreg:$0x2] =	wrdreg s7  }
0xb1: {  	[dreg:$0x3] =	wrdreg s9  }
0xb2: {  	[dreg:$0x4] =	wrdreg $0xC0  }
0xb3: {  	_ =	task [dreg:s11], $0x5FFFF  }
0xb4: {  	[dreg:$0x1] =	wrdreg $0xFFFFFFFF  }
0xb5: {  	[dreg:$0x0] =	wrdreg $0x60  }
0xb6: {  	[dreg:$0x2] =	wrdreg s15  }
0xb7: {  	[dreg:$0x3] =	wrdreg s4  }
0xb8: {  	[dreg:$0x4] =	wrdreg s5  }
0xb9: {  	[dreg:$0x5] =	wrdreg s24  }
0xba: {  	[dreg:$0x6] =	wrdreg s16  }
0xbb: {  	[dreg:$0x7] =	wrdreg s17  }
0xbc: {  	[dreg:$0x8] =	wrdreg $0x9  }
0xbd: {  	_ =	task.clear_ibuf [dreg:s11], $0x9FFFF;
	_ =	strace $0x90000046  }
0xbe: {  	s29 =	simm.s32 $0x9;
	_ =	strace $0x80000048  }
0xbf: {  	_ =	swait.ge [sflag:s29], $0x1  }
0xc0: {  	[sflag:s29] =	ssyncadd.s32 $0xFFFFFFFF  }
0xc1: {  	_ =	strace $0x90000048  }
0xc2: {  	_ =	sfence  }
0xc3: {  	s30 =	sld [smem:$0x0];
	_ =	sdelay $0x2  }
0xc4: {  	s31 =	sshll.u32 s1, $0xD;
	s1 =	sshrl.u32 s1, $0x2  }
0xc5: {  	s3 =	sand.u32 $0x4000, s31;
	s1 =	sadd.s32 s1, s30  }
0xc6: {  	s0 =	sor.u32 s3, s0;
	s1 =	sshll.u32 s1, $0x11  }
0xc7: {  	s0 =	sor.u32 s1, s0  }
0xc8: {  	s0 =	sadd.s32 $0x8F2B, s0  }
0xc9: {  	[sflag:s0] =	ssyncadd.remote.s32 $0x1  }
0xca: {  	_ =	sfence.sel $0xFFFF  }
0xcb: {  	[dreg:$0x0] =	wrdreg $0xFFFFFFFF;
	(pc) =	sbr.abs _section_cstart, $3  }
0xcc: {  	[dreg:$0x1] =	wrdreg $0xFFFFFFFF  }
0xcd: {  	_ =	task.clear_ibuf [dreg:s11], $0x2FFFF;
	_ =	strace $0x9FFFFFFF  }
0xce: {  	(tm) =	ssettm $0x7FFFFFFF  }
0xcf: {  	_ =	shalt  }
tec
execute0_lowered:
.L_overlay_start_1:
0x0: {  	(tag) =	ssettag $0x1  }
0x1: {  	s0 =	rddreg [dreg:$0x3]  }
0x2: {  	s4 =	rddreg [dreg:$0x4]  }
0x3: {  	s5 =	rddreg [dreg:$0x5];
	s7 =	simm.s32 $0x0;
	s1 =	srdreg.scid  }
0x4: {  	s2 =	stileid.u32;
	s18 =	simm.s32 $0xE000;
	s19 =	simm.s32 $0x16000  }
0x5: {  	s21 =	simm.s32 $0xC000;
	s22 =	simm.s32 $0xC800;
	s23 =	simm.s32 $0xD000  }
0x6: {  	s24 =	simm.s32 $0xD800;
	s25 =	simm.s32 $0x3;
	s28 =	simm.s32 $0x5  }
0x7: {  	[smem:$0x7FF] =	sst s7;
	s6 =	sadd.s32 $0x600, s0;
	s1 =	sand.u32 $0x1, s1  }
0x8: {  	s2 =	sshll.u32 s2, $0x1;
	s3 =	sadd.s32 $0x61C600, s0;
	s11 =	sadd.s32 $0x30E600, s0  }
0x9: {  	_ =	strace $0x80000047;
	[dreg:$0x8] =	wrdreg s3;
	s10 =	sor.u32 s1, s2  }
.Ltmp0:
0xa: {  	s26 =	ssub.s32 $0x2, s1;
	s2 =	sshll.u32 s10, $0x7;
	(pc) =	sbr.rel .LBB2_1-.Ltmp0, $4  }
0xb: {  	[dreg:$0x7] =	wrdreg s6;
	s29 =	sshrl.u32 s26, $0x1;
	s30 =	sadd.s32 s6, s2  }
0xc: {  	s1 =	ssub.s32 s26, s29;
	s2 =	sadd.s32 s2, s11;
	[dreg:$0x9] =	wrdreg s30  }
0xd: {  	v0 =	vlaneseq.u32;
	s14 =	sadd.s32 $0x92A600, s0;
	[dreg:$0xa] =	wrdreg s2;
	s31 =	smax.u32 s1, $0x1  }
0xe: {  	v3 =	vimm.s32 $0x0;
	v2 =	vmul.u32 $0x80, v0;
	v1 =	vmov s10;
	s26 =	simm.s32 $0x4;
	s1 =	simm.s32 $0x0;
	[dreg:$0xb] =	wrdreg s31  }
.LBB2_41:
0xf: {  	[sflag:s28] =	ssyncadd.s32 $0xFFFFFFC0  }
.LBB2_42:
0x10: {  	s1 =	sadd.s32 $0x1, s1;
	s0 =	rddreg [dreg:$0xb]  }
0x11: {  	p0 =	sne.s32 s1, s0  }
.Ltmp1:
0x12: {  	_ = 	snop;
	(pc) =	sbr.rel @!p0 .LBB2_43-.Ltmp1, $1  }
0x13: {  	_ =	sdelay $0x3  }
.LBB2_1:
0x14: {  	[dreg:$0xc] =	wrdreg s1  }
0x15: {  	s0 =	rddreg [dreg:$0x9];
	s16 =	simm.s32 $0x400;
	s2 =	simm.s32 $0xC3800  }
0x16: {  	[tilespmem:s18], [sflag:$0x2] =	stream.strided.gather [hbm4b:s0+s16], $0x8000, s2, s16, $0x38;
	v63 =	vld [tilespmem:$0x0]  }
0x17: {  	s17 =	rddreg [dreg:$0xa]  }
0x18: {  	[tilespmem:s19], [sflag:$0x3] =	stream.strided.gather [hbm4b:s17+s16], $0x8000, s2, s16, $0x38;
	v63 =	vld [tilespmem:$0x0]  }
0x19: {  	s20 =	rddreg [dreg:$0x0]  }
0x1a: {  	[tilespmem:s7], [sflag:$0x1] =	stream.linear.gather [hbm4b:s20+s7], $0x4000, $0x38;
	v63 =	vld [tilespmem:$0x0]  }
0x1b: {  	s29 =	rddreg [dreg:$0x1];
	s0 =	simm.s32 $0x4000  }
0x1c: {  	[tilespmem:s0], [sflag:$0x1] =	stream.linear.gather [hbm4b:s29+s7], $0x4000, $0x38;
	v63 =	vld [tilespmem:$0x0]  }
0x1d: {  	s1 =	simm.s32 $0x8000;
	s30 =	rddreg [dreg:$0x2];
	s31 =	simm.s32 $0x1  }
0x1e: {  	[tilespmem:s1], [sflag:$0x1] =	stream.linear.gather [hbm4b:s30+s7], $0x4000, $0x38;
	v63 =	vld [tilespmem:$0x0]  }
0x1f: {  	_ =	swait.ge [sflag:s31], $0x4000  }
0x20: {  	[sflag:s31] =	ssyncset.done $0x0  }
0x21: {  	[sflag:s31] =	ssyncadd.s32 $0xFFFFC000  }
0x22: {  	_ =	swait.ge [sflag:s31], $0x4000  }
0x23: {  	[sflag:s31] =	ssyncset.done $0x0  }
0x24: {  	[sflag:s31] =	ssyncadd.s32 $0xFFFFC000  }
0x25: {  	_ =	swait.ge [sflag:s31], $0x4000  }
0x26: {  	[sflag:s31] =	ssyncset.done $0x0  }
0x27: {  	[sflag:s31] =	ssyncadd.s32 $0xFFFFC000  }
0x28: {  	v4 =	vld [tilespmem:s7+$0x0];
	_ =	sdelay $0x3  }
0x29: {  	v5 =	vld [tilespmem:s0+$0x0]  }
0x2a: {  	v7 =	vshrl.u32 v4, $0x7  }
0x2b: {  	v6 =	vand.u32 $0x1F, v7  }
0x2c: {  	vm1 =	veq.s32 v6, v1  }
0x2d: {  	v6 =	vsel vm1, $0x1, v3  }
0x2e: {  	v8 =	vshrl.u32 v5, $0x7;
	(xrf0) =	vadd.scan.msk.s32 $0xffff, v6  }
0x2f: {  	v9 =	vand.u32 $0x1F, v8  }
0x30: {  	vm0 =	veq.s32 v9, v1  }
0x31: {  	v6 =	vsel vm0, $0x1, v3  }
0x32: {  	(xrf0) =	vadd.scan.msk.s32 $0xffff, v6;
	_ =	sdelay $0x1  }
0x33: {  	v6, _, _ =	vpop (xrf0)  }
0x34: {  	v6 =	vadd.s32 v6, v3;
	_ =	sdelay $0x1  }
0x35: {  	v62 =	vld [tilespmem:s1+$0x0]  }
0x36: {  	v10 =	vadd.s32 $0xFFFFFFFF, v6;
	v6, _, _ =	vpop (xrf0)  }
0x37: {  	v11 =	vmov s7;
	v6 =	vadd.s32 v6, v3  }
0x38: {  	v11 =	vshll.u32 v11, $0x7;
	v6 =	vadd.s32 $0xFFFFFFFF, v6  }
0x39: {  	v11 =	vor.u32 v2, v11;
	v7 =	vshll.u32 v7, $0x3  }
0x3a: {  	v4 =	vand.u32 $0x7F, v4;
	v7 =	vadd.s32 v62, v7;
	v13 =	vmpcnt.ones.xlane vm0  }
0x3b: {  	v8 =	vshll.u32 v8, $0x3;
	v12 =	vmpcnt.ones.xlane vm1;
	[tilespmem:v10+s21+$0x0] =	vst.idx.msk vm1, v7;
	v7 =	vor.u32 v11, v4  }
0x3c: {  	v14 =	vand.u32 $0x7F, v5;
	v5 =	vadd.s32 v3, v13;
	[tilespmem:v10+s22+$0x0] =	vst.idx.msk vm1, v7;
	v7 =	vadd.s32 v62, v8  }
0x3d: {  	s3 =	simm.s32 $0x0;
	s2 =	simm.s32 $0x10;
	v4 =	vadd.s32 v3, v12;
	[tilespmem:v6+s23+$0x0] =	vst.idx.msk vm0, v7;
	v7 =	vor.u32 v11, v14  }
.LBB2_2:
0x3e: {  	[tilespmem:v6+s24+$0x0] =	vst.idx.msk vm0, v7;
	s3 =	sadd.s32 $0x10, s3;
	s0 =	sadd.s32 $0x10, s0;
	s1 =	sadd.s32 $0x10, s1;
	v6 =	vmov v4;
	v7 =	vmov v5  }
0x3f: {  	p0 =	sne.s32 s2, $0x3FF0;
	s6 =	smov.u32 s2;
	s2 =	sadd.s32 $0x10, s2;
	v8 =	vld [tilespmem:s3+$0x0]  }
0x40: {  	_ = 	snop  }
0x41: {  	v9 =	vld [tilespmem:s0+$0x0];
	_ =	sdelay $0x2  }
0x42: {  	v10 =	vshrl.u32 v8, $0x7;
	v8 =	vand.u32 $0x7F, v8  }
0x43: {  	v11 =	vand.u32 $0x1F, v10;
	v10 =	vshll.u32 v10, $0x3  }
0x44: {  	vm1 =	veq.s32 v11, v1;
	v11 =	vshrl.u32 v9, $0x7;
	v9 =	vand.u32 $0x7F, v9  }
0x45: {  	v12 =	vsel vm1, $0x1, v3;
	v13 =	vand.u32 $0x1F, v11;
	v11 =	vshll.u32 v11, $0x3  }
0x46: {  	v14 =	vmpcnt.ones.xlane vm1;
	vm0 =	veq.s32 v13, v1;
	(xrf0) =	vadd.scan.msk.s32 $0xffff, v12  }
0x47: {  	v12 =	vsel vm0, $0x1, v3;
	v13 =	vmpcnt.ones.xlane vm0  }
0x48: {  	v4 =	vadd.s32 v4, v14;
	(xrf0) =	vadd.scan.msk.s32 $0xffff, v12  }
0x49: {  	v5 =	vadd.s32 v5, v13;
	_ =	sdelay $0x2  }
0x4a: {  	v12, _, _ =	vpop (xrf0)  }
0x4b: {  	v13 =	vld [tilespmem:s1+$0x0];
	v14 =	vadd.s32 v12, v6  }
0x4c: {  	v12 =	vadd.s32 $0xFFFFFFFF, v14;
	v6, _, _ =	vpop (xrf0)  }
0x4d: {  	v6 =	vadd.s32 v6, v7  }
0x4e: {  	v7 =	vmov s6;
	v6 =	vadd.s32 $0xFFFFFFFF, v6  }
.Ltmp2:
0x4f: {  	v7 =	vshll.u32 v7, $0x7;
	(pc) =	sbr.rel @p0 .LBB2_2-.Ltmp2, $4  }
0x50: {  	v7 =	vor.u32 v2, v7;
	v10 =	vadd.s32 v13, v10  }
0x51: {  	v8 =	vor.u32 v7, v8;
	[tilespmem:v12+s21+$0x0] =	vst.idx.msk vm1, v10  }
0x52: {  	[tilespmem:v12+s22+$0x0] =	vst.idx.msk vm1, v8;
	v8 =	vadd.s32 v13, v11  }
0x53: {  	v7 =	vor.u32 v7, v9;
	[tilespmem:v6+s23+$0x0] =	vst.idx.msk vm0, v8  }
0x54: {  	v4 =	vxor.u32 $0x80000000, v4  }
0x55: {  	(xrf0) =	vmax.scan.msk.u32 $0xffff, v4;
	v4 =	vxor.u32 $0x80000000, v5  }
0x56: {  	(xrf0) =	vmax.scan.msk.u32 $0xffff, v4;
	_ =	sdelay $0x4  }
0x57: {  	v4, _, _ =	vpop (xrf0)  }
0x58: {  	(v2sf) =	vpush v4, $0xF;
	v4, _, _ =	vpop (xrf0)  }
0x59: {  	(v2sf) =	vpush v4, $0xF;
	_ =	sdelay $0xd  }
.Ltmp3:
0x5a: {  	s0 =	spop (v2sf);
	(pc) =	sbr.rel .LBB2_4-.Ltmp3, $4  }
0x5b: {  	s30 =	simm.s32 $0x0;
	s6 =	simm.s32 $0x0;
	s2 =	spop (v2sf)  }
0x5c: {  	s1 =	sxor.u32 $0x80000000, s0;
	s0 =	sadd.s32 $0x8000000F, s0;
	s29 =	sadd.s32 $0x8000000F, s2  }
0x5d: {  	s3 =	sxor.u32 $0x80000000, s2;
	s31 =	sshrl.u32 s0, $0x4;
	s0 =	sshrl.u32 s29, $0x4  }
0x5e: {  	[tilespmem:v6+s24+$0x0] =	vst.idx.msk vm0, v7;
	v4 =	vmov s1;
	s1 =	simm.s32 $0x0;
	p0 =	seq.s32 s31, $0x0;
	v5 =	vmov s3;
	p1 =	seq.s32 s0, $0x0  }
.LBB2_36:
0x5f: {  	s1 =	sadd.s32 $0x1, s1  }
0x60: {  	p2 =	sne.s32 s1, $0x19  }
.Ltmp4:
0x61: {  	_ = 	snop;
	(pc) =	sbr.rel @!p2 .LBB2_37-.Ltmp4, $4  }
0x62: {  	_ = 	snop  }
0x63: {  	s2 =	sshll.u32 @!p3 s2, $0x7;
	s3 =	simm.s32 @!p3 $0x400  }
0x64: {  	s8 =	simm.s32 @!p3 $0xC3800;
	s9 =	simm.s32 @!p3 $0x16000;
	s2 =	sadd.s32 @!p3 s2, s11  }
0x65: {  	[tilespmem:s9], [sflag:$0x3] =	stream.strided.gather @!p3 [hbm4b:s2+s3], $0x8000, s8, s3, $0x38;
	v63 =	vld [tilespmem:$0x0]  }
.LBB2_4:
0x66: {  	s2 =	sshll.u32 s1, $0x5  }
0x67: {  	s2 =	sor.u32 s10, s2  }
.Ltmp5:
0x68: {  	p2 =	sgt.u32 s2, $0x30D;
	(pc) =	sbr.rel @!p0 .LBB2_5-.Ltmp5, $4  }
0x69: {  	s12 =	simm.s32 @!p2 $0x2  }
0x6a: {  	_ =	swait.ge @!p2 [sflag:s12], $0x8000  }
0x6b: {  	s3 =	sshll.u32 s2, $0x1;
	[sflag:s12] =	ssyncset.done @!p2 $0x0  }
0x6c: {  	v7 =	vmov s3;
	[sflag:s12] =	ssyncadd.s32 @!p2 $0xFFFF8000;
	s12 =	simm.s32 $0x0  }
.LBB2_11:
0x6d: {  	s12 =	sshll.u32 @!p2 s2, $0x7;
	s8 =	rddreg [dreg:$0x8];
	s13 =	simm.s32 @!p2 $0x400  }
0x6e: {  	s15 =	simm.s32 @!p2 $0xC3800;
	s17 =	simm.s32 @!p2 $0xE000;
	s16 =	sadd.s32 @!p2 s8, s12  }
0x6f: {  	[tilespmem:s17], [sflag:$0x2] =	stream.strided.gather @!p2 [hbm4b:s16+s13], $0x8000, s15, s13, $0x38;
	v63 =	vld [tilespmem:$0x0]  }
.Ltmp6:
0x70: {  	_ = 	snop;
	(pc) =	sbr.rel @!p0 .LBB2_12-.Ltmp6, $4  }
0x71: {  	s16 =	simm.s32 @!p2 $0x3  }
0x72: {  	_ =	swait.ge @!p2 [sflag:s16], $0x8000  }
0x73: {  	s3 =	sor.u32 $0x1, s3;
	[sflag:s16] =	ssyncset.done @!p2 $0x0  }
0x74: {  	v6 =	vmov s3;
	s3 =	simm.s32 $0x0;
	[sflag:s16] =	ssyncadd.s32 @!p2 $0xFFFF8000  }
.LBB2_18:
0x75: {  	s3 =	sadd.s32 @!p2 s12, s14;
	s8 =	simm.s32 @!p2 $0x16000  }
0x76: {  	[tilespmem:s8], [sflag:$0x3] =	stream.strided.gather @!p2 [hbm4b:s3+s13], $0x8000, s15, s13, $0x38;
	v63 =	vld [tilespmem:$0x0]  }
.Ltmp7:
0x77: {  	_ = 	snop;
	(pc) =	sbr.rel @!p1 .LBB2_19-.Ltmp7, $4  }
0x78: {  	s3 =	simm.s32 @!p2 $0x2  }
0x79: {  	_ =	swait.ge @!p2 [sflag:s3], $0x8000  }
0x7a: {  	[sflag:s3] =	ssyncset.done @!p2 $0x0  }
0x7b: {  	[sflag:s3] =	ssyncadd.s32 @!p2 $0xFFFF8000;
	s3 =	simm.s32 $0x0  }
.LBB2_25:
0x7c: {  	p3 =	sgt.u32 s2, $0x2ED  }
.Ltmp8:
0x7d: {  	_ = 	snop;
	(pc) =	sbr.rel @p3 .LBB2_27-.Ltmp8, $2  }
0x7e: {  	_ =	sdelay $0x2  }
0x7f: {  	s2 =	sadd.s32 $0x20, s2  }
.Ltmp9:
0x80: {  	(pc) =	sbr.rel .LBB2_28-.Ltmp9, $4  }
0x81: {  	_ = 	snop  }
0x82: {  	s3 =	sshll.u32 s2, $0x7;
	s8 =	rddreg [dreg:$0x7]  }
0x83: {  	s29 =	simm.s32 $0x400;
	s9 =	simm.s32 $0xC3800;
	s3 =	sadd.s32 s8, s3  }
0x84: {  	[tilespmem:s18], [sflag:$0x2] =	stream.strided.gather [hbm4b:s3+s29], $0x8000, s9, s29, $0x38;
	v63 =	vld [tilespmem:$0x0]  }
.LBB2_10:
0x85: {  	s12 =	sadd.s32 $0x1, s12  }
0x86: {  	p3 =	sne.s32 s12, s31  }
.Ltmp10:
0x87: {  	_ = 	snop;
	(pc) =	sbr.rel @!p3 .LBB2_11-.Ltmp10, $1  }
0x88: {  	_ =	sdelay $0x3  }
.LBB2_5:
0x89: {  	s13 =	sshll.u32 s12, $0x4  }
0x8a: {  	v8 =	vld [tilespmem:s13+$0xC000];
	_ =	sdelay $0x4  }
0x8b: {  	v6 =	vor.u32 s13, v0;
	v9 =	vshrl.u32 v8, $0x2  }
0x8c: {  	vm0 =	vlt.s32 v6, v4;
	vm1 =	veq.s32 v9, v7  }
0x8d: {  	vm0 =	vmand vm0, vm1  }
0x8e: {  	v6 =	vsel vm0, $0x1, v3  }
0x8f: {  	v6 =	vor.u32 $0x80000000, v6  }
0x90: {  	(xrf0) =	vmax.scan.msk.u32 $0xffff, v6;
	_ =	sdelay $0x5  }
0x91: {  	v6, _, _ =	vpop (xrf0)  }
0x92: {  	(v2sf) =	vpush v6, $0xF;
	_ =	sdelay $0xe  }
0x93: {  	s15 =	spop (v2sf)  }
0x94: {  	p3 =	slt.u32 s15, $0x80000001  }
.Ltmp11:
0x95: {  	_ = 	snop;
	(pc) =	sbr.rel @p3 .LBB2_10-.Ltmp11, $1  }
0x96: {  	_ =	sdelay $0x3  }
0x97: {  	v6 =	vld [tilespmem:s13+$0xC800]  }
.Ltmp12:
0x98: {  	_ = 	snop;
	(pc) =	sbr.rel .LBB2_7-.Ltmp12, $2  }
0x99: {  	_ =	sdelay $0x2  }
0x9a: {  	v8 =	vxor.u32 $0x80000000, v8;
	s13 =	sshll.u32 s6, $0x6;
	v6 =	vxor.u32 $0x80000000, v6  }
.LBB2_9:
0x9b: {  	vm0 =	vmand vm0, vm1  }
0x9c: {  	v9 =	vsel vm0, $0x1, v3  }
0x9d: {  	v9 =	vor.u32 $0x80000000, v9  }
0x9e: {  	(xrf0) =	vmax.scan.msk.u32 $0xffff, v9;
	_ =	sdelay $0x5  }
0x9f: {  	v9, _, _ =	vpop (xrf0)  }
0xa0: {  	(v2sf) =	vpush v9, $0xF;
	_ =	sdelay $0xe  }
0xa1: {  	s29 =	spop (v2sf)  }
0xa2: {  	p3 =	sgt.u32 s29, $0x80000000  }
.Ltmp13:
0xa3: {  	s15 =	sshrl.u32 s15, $0x4;
	(pc) =	sbr.rel @!p3 .LBB2_10-.Ltmp13, $4  }
0xa4: {  	s15 =	sand.u32 $0xFFFFFF8, s15  }
0xa5: {  	s16 =	sor.u32 $0x1E000, s20;
	s15 =	sxor.u32 $0x8000000, s15  }
0xa6: {  	s6 =	sadd.s32 $0x1, s6;
	s13 =	sadd.s32 $0x40, s13;
	s15 =	sadd.s32 s4, s15  }
0xa7: {  	[hbm4b:s15+s7] =	stream.linear.scatter [tilespmem:s16], [sflag:$0x4], $0x40, $0x38;
	v63 =	vld [tilespmem:$0x0]  }
.LBB2_7:
0xa8: {  	v9 =	vmctz.xlane vm0;
	_ =	sdelay $0x1  }
0xa9: {  	vm1 =	vne.s32 v9, v0  }
0xaa: {  	v9 =	vsel vm1, $0x80000000, v6  }
0xab: {  	(xrf0) =	vmax.scan.msk.u32 $0xffff, v9;
	v9 =	vsel vm1, $0x80000000, v8  }
0xac: {  	(xrf0) =	vmax.scan.msk.u32 $0xffff, v9;
	_ =	sdelay $0x4  }
0xad: {  	v9, _, _ =	vpop (xrf0)  }
0xae: {  	(v2sf) =	vpush v9, $0xF;
	v9, _, _ =	vpop (xrf0)  }
0xaf: {  	(v2sf) =	vpush v9, $0xF;
	_ =	sdelay $0xd  }
0xb0: {  	s15 =	spop (v2sf)  }
0xb1: {  	s16 =	spop (v2sf)  }
0xb2: {  	s16 =	sshll.u32 s16, $0x6  }
0xb3: {  	s16 =	sand.u32 $0xC0, s16  }
0xb4: {  	v9 =	vmov s16  }
0xb5: {  	v9 =	vshll.u32 v9, $0x7  }
0xb6: {  	s29 =	sand.u32 $0x7F, s15;
	v9 =	vor.u32 v2, v9  }
0xb7: {  	v9 =	vor.u32 s29, v9;
	_ =	sdelay $0x1  }
0xb8: {  	s20 =	sor.u32 $0x10, s16  }
0xb9: {  	v10 =	vmov s20  }
0xba: {  	v10 =	vshll.u32 v10, $0x7  }
0xbb: {  	v10 =	vor.u32 v2, v10;
	v9 =	vld.idx.msk [tilespmem:v9+s18+$0x0], $0xffff  }
0xbc: {  	v10 =	vor.u32 s29, v10;
	_ =	sdelay $0x1  }
0xbd: {  	s17 =	sor.u32 $0x20, s16  }
0xbe: {  	s20 =	sand.u32 $0xFC0, s13;
	v11 =	vmov s17  }
0xbf: {  	[tilespmem:s20+$0x1E000] =	vst v9;
	v9 =	vshll.u32 v11, $0x7  }
0xc0: {  	v10 =	vld.idx.msk [tilespmem:v10+s18+$0x0], $0xffff;
	v9 =	vor.u32 v2, v9  }
0xc1: {  	v9 =	vor.u32 s29, v9;
	_ =	sdelay $0x1  }
0xc2: {  	s16 =	sor.u32 $0x30, s16  }
0xc3: {  	v11 =	vmov s16  }
0xc4: {  	[tilespmem:s20+$0x1E010] =	vst v10;
	v10 =	vshll.u32 v11, $0x7  }
0xc5: {  	v9 =	vld.idx.msk [tilespmem:v9+s18+$0x0], $0xffff;
	v10 =	vor.u32 v2, v10  }
0xc6: {  	v10 =	vor.u32 s29, v10;
	_ =	sdelay $0x2  }
0xc7: {  	p3 =	slt.s32 s6, $0x20;
	s16 =	sand.u32 $0x1F, s6  }
0xc8: {  	p4 =	sne.s32 @!p3 s16, $0x0;
	[tilespmem:s20+$0x1E020] =	vst v9  }
0xc9: {  	p3 =	por p3, p4;
	v9 =	vld.idx.msk [tilespmem:v10+s18+$0x0], $0xffff  }
.Ltmp14:
0xca: {  	_ = 	snop;
	(pc) =	sbr.rel @p3 .LBB2_9-.Ltmp14, $2  }
0xcb: {  	_ =	sdelay $0x2  }
0xcc: {  	[tilespmem:s20+$0x1E030] =	vst v9  }
0xcd: {  	_ =	swait.ge [sflag:s26], $0x40  }
0xce: {  	[sflag:s26] =	ssyncset.done $0x0  }
0xcf: {  	[sflag:s26] =	ssyncadd.s32 $0xFFFFFFC0  }
0xd0: {  	_ =	swait.ge [sflag:s26], $0x40  }
0xd1: {  	[sflag:s26] =	ssyncset.done $0x0  }
0xd2: {  	[sflag:s26] =	ssyncadd.s32 $0xFFFFFFC0  }
0xd3: {  	_ =	swait.ge [sflag:s26], $0x40  }
0xd4: {  	[sflag:s26] =	ssyncset.done $0x0  }
0xd5: {  	[sflag:s26] =	ssyncadd.s32 $0xFFFFFFC0  }
0xd6: {  	_ =	swait.ge [sflag:s26], $0x40  }
0xd7: {  	[sflag:s26] =	ssyncset.done $0x0  }
0xd8: {  	[sflag:s26] =	ssyncadd.s32 $0xFFFFFFC0  }
0xd9: {  	_ =	swait.ge [sflag:s26], $0x40  }
0xda: {  	[sflag:s26] =	ssyncset.done $0x0  }
0xdb: {  	[sflag:s26] =	ssyncadd.s32 $0xFFFFFFC0  }
0xdc: {  	_ =	swait.ge [sflag:s26], $0x40  }
0xdd: {  	[sflag:s26] =	ssyncset.done $0x0  }
0xde: {  	[sflag:s26] =	ssyncadd.s32 $0xFFFFFFC0  }
0xdf: {  	_ =	swait.ge [sflag:s26], $0x40  }
0xe0: {  	[sflag:s26] =	ssyncset.done $0x0  }
0xe1: {  	[sflag:s26] =	ssyncadd.s32 $0xFFFFFFC0  }
0xe2: {  	_ =	swait.ge [sflag:s26], $0x40  }
0xe3: {  	[sflag:s26] =	ssyncset.done $0x0  }
0xe4: {  	[sflag:s26] =	ssyncadd.s32 $0xFFFFFFC0  }
0xe5: {  	_ =	swait.ge [sflag:s26], $0x40  }
0xe6: {  	[sflag:s26] =	ssyncset.done $0x0  }
0xe7: {  	[sflag:s26] =	ssyncadd.s32 $0xFFFFFFC0  }
0xe8: {  	_ =	swait.ge [sflag:s26], $0x40  }
0xe9: {  	[sflag:s26] =	ssyncset.done $0x0  }
0xea: {  	[sflag:s26] =	ssyncadd.s32 $0xFFFFFFC0  }
0xeb: {  	_ =	swait.ge [sflag:s26], $0x40  }
0xec: {  	[sflag:s26] =	ssyncset.done $0x0  }
0xed: {  	[sflag:s26] =	ssyncadd.s32 $0xFFFFFFC0  }
0xee: {  	_ =	swait.ge [sflag:s26], $0x40  }
0xef: {  	[sflag:s26] =	ssyncset.done $0x0  }
0xf0: {  	[sflag:s26] =	ssyncadd.s32 $0xFFFFFFC0  }
0xf1: {  	_ =	swait.ge [sflag:s26], $0x40  }
0xf2: {  	[sflag:s26] =	ssyncset.done $0x0  }
0xf3: {  	[sflag:s26] =	ssyncadd.s32 $0xFFFFFFC0  }
0xf4: {  	_ =	swait.ge [sflag:s26], $0x40  }
0xf5: {  	[sflag:s26] =	ssyncset.done $0x0  }
0xf6: {  	[sflag:s26] =	ssyncadd.s32 $0xFFFFFFC0  }
0xf7: {  	_ =	swait.ge [sflag:s26], $0x40  }
0xf8: {  	[sflag:s26] =	ssyncset.done $0x0  }
0xf9: {  	[sflag:s26] =	ssyncadd.s32 $0xFFFFFFC0  }
0xfa: {  	_ =	swait.ge [sflag:s26], $0x40  }
0xfb: {  	[sflag:s26] =	ssyncset.done $0x0  }
0xfc: {  	[sflag:s26] =	ssyncadd.s32 $0xFFFFFFC0  }
0xfd: {  	_ =	swait.ge [sflag:s26], $0x40  }
0xfe: {  	[sflag:s26] =	ssyncset.done $0x0  }
0xff: {  	[sflag:s26] =	ssyncadd.s32 $0xFFFFFFC0  }
0x100: {  	_ =	swait.ge [sflag:s26], $0x40  }
0x101: {  	[sflag:s26] =	ssyncset.done $0x0  }
0x102: {  	[sflag:s26] =	ssyncadd.s32 $0xFFFFFFC0  }
0x103: {  	_ =	swait.ge [sflag:s26], $0x40  }
0x104: {  	[sflag:s26] =	ssyncset.done $0x0  }
0x105: {  	[sflag:s26] =	ssyncadd.s32 $0xFFFFFFC0  }
0x106: {  	_ =	swait.ge [sflag:s26], $0x40  }
0x107: {  	[sflag:s26] =	ssyncset.done $0x0  }
0x108: {  	[sflag:s26] =	ssyncadd.s32 $0xFFFFFFC0  }
0x109: {  	_ =	swait.ge [sflag:s26], $0x40  }
0x10a: {  	[sflag:s26] =	ssyncset.done $0x0  }
0x10b: {  	[sflag:s26] =	ssyncadd.s32 $0xFFFFFFC0  }
0x10c: {  	_ =	swait.ge [sflag:s26], $0x40  }
0x10d: {  	[sflag:s26] =	ssyncset.done $0x0  }
0x10e: {  	[sflag:s26] =	ssyncadd.s32 $0xFFFFFFC0  }
0x10f: {  	_ =	swait.ge [sflag:s26], $0x40  }
0x110: {  	[sflag:s26] =	ssyncset.done $0x0  }
0x111: {  	[sflag:s26] =	ssyncadd.s32 $0xFFFFFFC0  }
0x112: {  	_ =	swait.ge [sflag:s26], $0x40  }
0x113: {  	[sflag:s26] =	ssyncset.done $0x0  }
0x114: {  	[sflag:s26] =	ssyncadd.s32 $0xFFFFFFC0  }
0x115: {  	_ =	swait.ge [sflag:s26], $0x40  }
0x116: {  	[sflag:s26] =	ssyncset.done $0x0  }
0x117: {  	[sflag:s26] =	ssyncadd.s32 $0xFFFFFFC0  }
0x118: {  	_ =	swait.ge [sflag:s26], $0x40  }
0x119: {  	[sflag:s26] =	ssyncset.done $0x0  }
0x11a: {  	[sflag:s26] =	ssyncadd.s32 $0xFFFFFFC0  }
0x11b: {  	_ =	swait.ge [sflag:s26], $0x40  }
0x11c: {  	[sflag:s26] =	ssyncset.done $0x0  }
0x11d: {  	[sflag:s26] =	ssyncadd.s32 $0xFFFFFFC0  }
0x11e: {  	_ =	swait.ge [sflag:s26], $0x40  }
0x11f: {  	[sflag:s26] =	ssyncset.done $0x0  }
0x120: {  	[sflag:s26] =	ssyncadd.s32 $0xFFFFFFC0  }
0x121: {  	_ =	swait.ge [sflag:s26], $0x40  }
0x122: {  	[sflag:s26] =	ssyncset.done $0x0  }
0x123: {  	[sflag:s26] =	ssyncadd.s32 $0xFFFFFFC0  }
0x124: {  	_ =	swait.ge [sflag:s26], $0x40  }
0x125: {  	[sflag:s26] =	ssyncset.done $0x0  }
0x126: {  	[sflag:s26] =	ssyncadd.s32 $0xFFFFFFC0  }
0x127: {  	_ =	swait.ge [sflag:s26], $0x40  }
.Ltmp15:
0x128: {  	[sflag:s26] =	ssyncset.done $0x0;
	(pc) =	sbr.rel .LBB2_9-.Ltmp15, $4  }
0x129: {  	[sflag:s26] =	ssyncadd.s32 $0xFFFFFFC0  }
0x12a: {  	_ =	swait.ge [sflag:s26], $0x40  }
0x12b: {  	[sflag:s26] =	ssyncset.done $0x0  }
0x12c: {  	[sflag:s26] =	ssyncadd.s32 $0xFFFFFFC0  }
.LBB2_17:
0x12d: {  	s3 =	sadd.s32 $0x1, s3  }
0x12e: {  	p3 =	sne.s32 s3, s31  }
.Ltmp16:
0x12f: {  	_ = 	snop;
	(pc) =	sbr.rel @!p3 .LBB2_18-.Ltmp16, $1  }
0x130: {  	_ =	sdelay $0x3  }
.LBB2_12:
0x131: {  	s16 =	sshll.u32 s3, $0x4  }
0x132: {  	v9 =	vld [tilespmem:s16+$0xC000];
	_ =	sdelay $0x4  }
0x133: {  	v8 =	vor.u32 s16, v0;
	v10 =	vshrl.u32 v9, $0x2  }
0x134: {  	vm0 =	vlt.s32 v8, v4;
	vm1 =	veq.s32 v10, v6  }
0x135: {  	vm0 =	vmand vm0, vm1  }
0x136: {  	v8 =	vsel vm0, $0x1, v3  }
0x137: {  	v8 =	vor.u32 $0x80000000, v8  }
0x138: {  	(xrf0) =	vmax.scan.msk.u32 $0xffff, v8;
	_ =	sdelay $0x5  }
0x139: {  	v8, _, _ =	vpop (xrf0)  }
0x13a: {  	(v2sf) =	vpush v8, $0xF;
	_ =	sdelay $0xe  }
0x13b: {  	s17 =	spop (v2sf)  }
0x13c: {  	p3 =	slt.u32 s17, $0x80000001  }
.Ltmp17:
0x13d: {  	_ = 	snop;
	(pc) =	sbr.rel @p3 .LBB2_17-.Ltmp17, $1  }
0x13e: {  	_ =	sdelay $0x3  }
0x13f: {  	v8 =	vld [tilespmem:s16+$0xC800]  }
.Ltmp18:
0x140: {  	_ = 	snop;
	(pc) =	sbr.rel .LBB2_14-.Ltmp18, $2  }
0x141: {  	_ =	sdelay $0x2  }
0x142: {  	v9 =	vxor.u32 $0x80000000, v9;
	s20 =	sshll.u32 s6, $0x6;
	v8 =	vxor.u32 $0x80000000, v8  }
.LBB2_16:
0x143: {  	vm0 =	vmand vm0, vm1  }
0x144: {  	v10 =	vsel vm0, $0x1, v3  }
0x145: {  	v10 =	vor.u32 $0x80000000, v10  }
0x146: {  	(xrf0) =	vmax.scan.msk.u32 $0xffff, v10;
	_ =	sdelay $0x5  }
0x147: {  	v10, _, _ =	vpop (xrf0)  }
0x148: {  	(v2sf) =	vpush v10, $0xF;
	_ =	sdelay $0xe  }
0x149: {  	s8 =	sshrl.u32 s29, $0x4;
	s29 =	spop (v2sf)  }
0x14a: {  	p3 =	sgt.u32 s29, $0x80000000  }
.Ltmp19:
0x14b: {  	_ = 	snop;
	(pc) =	sbr.rel @!p3 .LBB2_17-.Ltmp19, $4  }
0x14c: {  	s8 =	sand.u32 $0xFFFFFF8, s8  }
0x14d: {  	s9 =	sor.u32 $0x1E000, s16;
	s8 =	sxor.u32 $0x8000000, s8  }
0x14e: {  	s6 =	sadd.s32 $0x1, s6;
	s20 =	sadd.s32 $0x40, s20;
	s8 =	sadd.s32 s4, s8  }
0x14f: {  	[hbm4b:s8+s7] =	stream.linear.scatter [tilespmem:s9], [sflag:$0x4], $0x40, $0x38;
	v63 =	vld [tilespmem:$0x0]  }
.LBB2_14:
0x150: {  	v10 =	vmctz.xlane vm0;
	_ =	sdelay $0x1  }
0x151: {  	vm1 =	vne.s32 v10, v0  }
0x152: {  	v10 =	vsel vm1, $0x80000000, v8  }
0x153: {  	(xrf0) =	vmax.scan.msk.u32 $0xffff, v10;
	v10 =	vsel vm1, $0x80000000, v9  }
0x154: {  	(xrf0) =	vmax.scan.msk.u32 $0xffff, v10;
	_ =	sdelay $0x4  }
0x155: {  	v10, _, _ =	vpop (xrf0)  }
0x156: {  	(v2sf) =	vpush v10, $0xF;
	v10, _, _ =	vpop (xrf0)  }
0x157: {  	(v2sf) =	vpush v10, $0xF;
	_ =	sdelay $0xd  }
0x158: {  	s29 =	spop (v2sf)  }
0x159: {  	s16 =	spop (v2sf)  }
0x15a: {  	s16 =	sshll.u32 s16, $0x6  }
0x15b: {  	s17 =	sand.u32 $0xC0, s16  }
0x15c: {  	v10 =	vmov s17  }
0x15d: {  	v10 =	vshll.u32 v10, $0x7  }
0x15e: {  	s8 =	sand.u32 $0x7F, s29;
	v10 =	vor.u32 v2, v10  }
0x15f: {  	v10 =	vor.u32 s8, v10;
	_ =	sdelay $0x1  }
0x160: {  	s16 =	sor.u32 $0x10, s17  }
0x161: {  	v11 =	vmov s16  }
0x162: {  	v11 =	vshll.u32 v11, $0x7  }
0x163: {  	v11 =	vor.u32 v2, v11;
	v10 =	vld.idx.msk [tilespmem:v10+s19+$0x0], $0xffff  }
0x164: {  	v11 =	vor.u32 s8, v11;
	_ =	sdelay $0x1  }
0x165: {  	s9 =	sor.u32 $0x20, s17  }
0x166: {  	s16 =	sand.u32 $0xFC0, s20;
	v12 =	vmov s9  }
0x167: {  	[tilespmem:s16+$0x1E000] =	vst v10;
	v10 =	vshll.u32 v12, $0x7  }
0x168: {  	v11 =	vld.idx.msk [tilespmem:v11+s19+$0x0], $0xffff;
	v10 =	vor.u32 v2, v10  }
0x169: {  	v10 =	vor.u32 s8, v10;
	_ =	sdelay $0x1  }
0x16a: {  	s17 =	sor.u32 $0x30, s17  }
0x16b: {  	v62 =	vmov s17  }
0x16c: {  	[tilespmem:s16+$0x1E010] =	vst v11;
	v11 =	vshll.u32 v62, $0x7  }
0x16d: {  	v10 =	vld.idx.msk [tilespmem:v10+s19+$0x0], $0xffff;
	v11 =	vor.u32 v2, v11  }
0x16e: {  	v11 =	vor.u32 s8, v11;
	_ =	sdelay $0x2  }
0x16f: {  	p3 =	slt.s32 s6, $0x20;
	s8 =	sand.u32 $0x1F, s6  }
0x170: {  	p4 =	sne.s32 @!p3 s8, $0x0;
	[tilespmem:s16+$0x1E020] =	vst v10  }
0x171: {  	p3 =	por p3, p4;
	v10 =	vld.idx.msk [tilespmem:v11+s19+$0x0], $0xffff  }
.Ltmp20:
0x172: {  	_ = 	snop;
	(pc) =	sbr.rel @p3 .LBB2_16-.Ltmp20, $2  }
0x173: {  	_ =	sdelay $0x2  }
0x174: {  	[tilespmem:s16+$0x1E030] =	vst v10  }
0x175: {  	_ =	swait.ge [sflag:s26], $0x40  }
0x176: {  	[sflag:s26] =	ssyncset.done $0x0  }
0x177: {  	[sflag:s26] =	ssyncadd.s32 $0xFFFFFFC0  }
0x178: {  	_ =	swait.ge [sflag:s26], $0x40  }
0x179: {  	[sflag:s26] =	ssyncset.done $0x0  }
0x17a: {  	[sflag:s26] =	ssyncadd.s32 $0xFFFFFFC0  }
0x17b: {  	_ =	swait.ge [sflag:s26], $0x40  }
0x17c: {  	[sflag:s26] =	ssyncset.done $0x0  }
0x17d: {  	[sflag:s26] =	ssyncadd.s32 $0xFFFFFFC0  }
0x17e: {  	_ =	swait.ge [sflag:s26], $0x40  }
0x17f: {  	[sflag:s26] =	ssyncset.done $0x0  }
0x180: {  	[sflag:s26] =	ssyncadd.s32 $0xFFFFFFC0  }
0x181: {  	_ =	swait.ge [sflag:s26], $0x40  }
0x182: {  	[sflag:s26] =	ssyncset.done $0x0  }
0x183: {  	[sflag:s26] =	ssyncadd.s32 $0xFFFFFFC0  }
0x184: {  	_ =	swait.ge [sflag:s26], $0x40  }
0x185: {  	[sflag:s26] =	ssyncset.done $0x0  }
0x186: {  	[sflag:s26] =	ssyncadd.s32 $0xFFFFFFC0  }
0x187: {  	_ =	swait.ge [sflag:s26], $0x40  }
0x188: {  	[sflag:s26] =	ssyncset.done $0x0  }
0x189: {  	[sflag:s26] =	ssyncadd.s32 $0xFFFFFFC0  }
0x18a: {  	_ =	swait.ge [sflag:s26], $0x40  }
0x18b: {  	[sflag:s26] =	ssyncset.done $0x0  }
0x18c: {  	[sflag:s26] =	ssyncadd.s32 $0xFFFFFFC0  }
0x18d: {  	_ =	swait.ge [sflag:s26], $0x40  }
0x18e: {  	[sflag:s26] =	ssyncset.done $0x0  }
0x18f: {  	[sflag:s26] =	ssyncadd.s32 $0xFFFFFFC0  }
0x190: {  	_ =	swait.ge [sflag:s26], $0x40  }
0x191: {  	[sflag:s26] =	ssyncset.done $0x0  }
0x192: {  	[sflag:s26] =	ssyncadd.s32 $0xFFFFFFC0  }
0x193: {  	_ =	swait.ge [sflag:s26], $0x40  }
0x194: {  	[sflag:s26] =	ssyncset.done $0x0  }
0x195: {  	[sflag:s26] =	ssyncadd.s32 $0xFFFFFFC0  }
0x196: {  	_ =	swait.ge [sflag:s26], $0x40  }
0x197: {  	[sflag:s26] =	ssyncset.done $0x0  }
0x198: {  	[sflag:s26] =	ssyncadd.s32 $0xFFFFFFC0  }
0x199: {  	_ =	swait.ge [sflag:s26], $0x40  }
0x19a: {  	[sflag:s26] =	ssyncset.done $0x0  }
0x19b: {  	[sflag:s26] =	ssyncadd.s32 $0xFFFFFFC0  }
0x19c: {  	_ =	swait.ge [sflag:s26], $0x40  }
0x19d: {  	[sflag:s26] =	ssyncset.done $0x0  }
0x19e: {  	[sflag:s26] =	ssyncadd.s32 $0xFFFFFFC0  }
0x19f: {  	_ =	swait.ge [sflag:s26], $0x40  }
0x1a0: {  	[sflag:s26] =	ssyncset.done $0x0  }
0x1a1: {  	[sflag:s26] =	ssyncadd.s32 $0xFFFFFFC0  }
0x1a2: {  	_ =	swait.ge [sflag:s26], $0x40  }
0x1a3: {  	[sflag:s26] =	ssyncset.done $0x0  }
0x1a4: {  	[sflag:s26] =	ssyncadd.s32 $0xFFFFFFC0  }
0x1a5: {  	_ =	swait.ge [sflag:s26], $0x40  }
0x1a6: {  	[sflag:s26] =	ssyncset.done $0x0  }
0x1a7: {  	[sflag:s26] =	ssyncadd.s32 $0xFFFFFFC0  }
0x1a8: {  	_ =	swait.ge [sflag:s26], $0x40  }
0x1a9: {  	[sflag:s26] =	ssyncset.done $0x0  }
0x1aa: {  	[sflag:s26] =	ssyncadd.s32 $0xFFFFFFC0  }
0x1ab: {  	_ =	swait.ge [sflag:s26], $0x40  }
0x1ac: {  	[sflag:s26] =	ssyncset.done $0x0  }
0x1ad: {  	[sflag:s26] =	ssyncadd.s32 $0xFFFFFFC0  }
0x1ae: {  	_ =	swait.ge [sflag:s26], $0x40  }
0x1af: {  	[sflag:s26] =	ssyncset.done $0x0  }
0x1b0: {  	[sflag:s26] =	ssyncadd.s32 $0xFFFFFFC0  }
0x1b1: {  	_ =	swait.ge [sflag:s26], $0x40  }
0x1b2: {  	[sflag:s26] =	ssyncset.done $0x0  }
0x1b3: {  	[sflag:s26] =	ssyncadd.s32 $0xFFFFFFC0  }
0x1b4: {  	_ =	swait.ge [sflag:s26], $0x40  }
0x1b5: {  	[sflag:s26] =	ssyncset.done $0x0  }
0x1b6: {  	[sflag:s26] =	ssyncadd.s32 $0xFFFFFFC0  }
0x1b7: {  	_ =	swait.ge [sflag:s26], $0x40  }
0x1b8: {  	[sflag:s26] =	ssyncset.done $0x0  }
0x1b9: {  	[sflag:s26] =	ssyncadd.s32 $0xFFFFFFC0  }
0x1ba: {  	_ =	swait.ge [sflag:s26], $0x40  }
0x1bb: {  	[sflag:s26] =	ssyncset.done $0x0  }
0x1bc: {  	[sflag:s26] =	ssyncadd.s32 $0xFFFFFFC0  }
0x1bd: {  	_ =	swait.ge [sflag:s26], $0x40  }
0x1be: {  	[sflag:s26] =	ssyncset.done $0x0  }
0x1bf: {  	[sflag:s26] =	ssyncadd.s32 $0xFFFFFFC0  }
0x1c0: {  	_ =	swait.ge [sflag:s26], $0x40  }
0x1c1: {  	[sflag:s26] =	ssyncset.done $0x0  }
0x1c2: {  	[sflag:s26] =	ssyncadd.s32 $0xFFFFFFC0  }
0x1c3: {  	_ =	swait.ge [sflag:s26], $0x40  }
0x1c4: {  	[sflag:s26] =	ssyncset.done $0x0  }
0x1c5: {  	[sflag:s26] =	ssyncadd.s32 $0xFFFFFFC0  }
0x1c6: {  	_ =	swait.ge [sflag:s26], $0x40  }
0x1c7: {  	[sflag:s26] =	ssyncset.done $0x0  }
0x1c8: {  	[sflag:s26] =	ssyncadd.s32 $0xFFFFFFC0  }
0x1c9: {  	_ =	swait.ge [sflag:s26], $0x40  }
0x1ca: {  	[sflag:s26] =	ssyncset.done $0x0  }
0x1cb: {  	[sflag:s26] =	ssyncadd.s32 $0xFFFFFFC0  }
0x1cc: {  	_ =	swait.ge [sflag:s26], $0x40  }
0x1cd: {  	[sflag:s26] =	ssyncset.done $0x0  }
0x1ce: {  	[sflag:s26] =	ssyncadd.s32 $0xFFFFFFC0  }
0x1cf: {  	_ =	swait.ge [sflag:s26], $0x40  }
.Ltmp21:
0x1d0: {  	[sflag:s26] =	ssyncset.done $0x0;
	(pc) =	sbr.rel .LBB2_16-.Ltmp21, $4  }
0x1d1: {  	[sflag:s26] =	ssyncadd.s32 $0xFFFFFFC0  }
0x1d2: {  	_ =	swait.ge [sflag:s26], $0x40  }
0x1d3: {  	[sflag:s26] =	ssyncset.done $0x0  }
0x1d4: {  	[sflag:s26] =	ssyncadd.s32 $0xFFFFFFC0  }
.LBB2_24:
0x1d5: {  	s3 =	sadd.s32 $0x1, s3  }
0x1d6: {  	p3 =	sne.s32 s3, s0  }
.Ltmp22:
0x1d7: {  	_ = 	snop;
	(pc) =	sbr.rel @!p3 .LBB2_25-.Ltmp22, $1  }
0x1d8: {  	_ =	sdelay $0x3  }
.LBB2_19:
0x1d9: {  	s12 =	sshll.u32 s3, $0x4  }
0x1da: {  	v9 =	vld [tilespmem:s12+$0xD000];
	_ =	sdelay $0x4  }
0x1db: {  	v8 =	vor.u32 s12, v0;
	v10 =	vshrl.u32 v9, $0x2  }
0x1dc: {  	vm0 =	vlt.s32 v8, v5;
	vm1 =	veq.s32 v10, v7  }
0x1dd: {  	vm0 =	vmand vm0, vm1  }
0x1de: {  	v8 =	vsel vm0, $0x1, v3  }
0x1df: {  	v8 =	vor.u32 $0x80000000, v8  }
0x1e0: {  	(xrf0) =	vmax.scan.msk.u32 $0xffff, v8;
	_ =	sdelay $0x5  }
0x1e1: {  	v8, _, _ =	vpop (xrf0)  }
0x1e2: {  	(v2sf) =	vpush v8, $0xF;
	_ =	sdelay $0xe  }
0x1e3: {  	s8 =	spop (v2sf)  }
0x1e4: {  	p3 =	slt.u32 s8, $0x80000001  }
.Ltmp23:
0x1e5: {  	_ = 	snop;
	(pc) =	sbr.rel @p3 .LBB2_24-.Ltmp23, $1  }
0x1e6: {  	_ =	sdelay $0x3  }
0x1e7: {  	v8 =	vld [tilespmem:s12+$0xD800]  }
.Ltmp24:
0x1e8: {  	_ = 	snop;
	(pc) =	sbr.rel .LBB2_21-.Ltmp24, $2  }
0x1e9: {  	_ =	sdelay $0x2  }
0x1ea: {  	v9 =	vxor.u32 $0x80000000, v9;
	s12 =	sshll.u32 s30, $0x6;
	v8 =	vxor.u32 $0x80000000, v8  }
.LBB2_23:
0x1eb: {  	vm0 =	vmand vm0, vm1  }
0x1ec: {  	v10 =	vsel vm0, $0x1, v3  }
0x1ed: {  	v10 =	vor.u32 $0x80000000, v10  }
0x1ee: {  	(xrf0) =	vmax.scan.msk.u32 $0xffff, v10;
	_ =	sdelay $0x5  }
0x1ef: {  	v10, _, _ =	vpop (xrf0)  }
0x1f0: {  	(v2sf) =	vpush v10, $0xF;
	_ =	sdelay $0xe  }
0x1f1: {  	s29 =	spop (v2sf)  }
0x1f2: {  	p3 =	sgt.u32 s29, $0x80000000  }
.Ltmp25:
0x1f3: {  	s8 =	sshrl.u32 s13, $0x4;
	(pc) =	sbr.rel @!p3 .LBB2_24-.Ltmp25, $4  }
0x1f4: {  	s8 =	sand.u32 $0xFFFFFF8, s8  }
0x1f5: {  	s9 =	sor.u32 $0x1F000, s15;
	s8 =	sxor.u32 $0x8000000, s8  }
0x1f6: {  	s30 =	sadd.s32 $0x1, s30;
	s12 =	sadd.s32 $0x40, s12;
	s8 =	sadd.s32 s5, s8  }
0x1f7: {  	[hbm4b:s8+s7] =	stream.linear.scatter [tilespmem:s9], [sflag:$0x5], $0x40, $0x38;
	v63 =	vld [tilespmem:$0x0]  }
.LBB2_21:
0x1f8: {  	v10 =	vmctz.xlane vm0;
	_ =	sdelay $0x1  }
0x1f9: {  	vm1 =	vne.s32 v10, v0  }
0x1fa: {  	v10 =	vsel vm1, $0x80000000, v8  }
0x1fb: {  	(xrf0) =	vmax.scan.msk.u32 $0xffff, v10;
	v10 =	vsel vm1, $0x80000000, v9  }
0x1fc: {  	(xrf0) =	vmax.scan.msk.u32 $0xffff, v10;
	_ =	sdelay $0x4  }
0x1fd: {  	v10, _, _ =	vpop (xrf0)  }
0x1fe: {  	(v2sf) =	vpush v10, $0xF;
	v10, _, _ =	vpop (xrf0)  }
0x1ff: {  	(v2sf) =	vpush v10, $0xF;
	_ =	sdelay $0xd  }
0x200: {  	s13 =	spop (v2sf)  }
0x201: {  	s8 =	spop (v2sf)  }
0x202: {  	s8 =	sshll.u32 s8, $0x6  }
0x203: {  	s8 =	sand.u32 $0xC0, s8  }
0x204: {  	v10 =	vmov s8  }
0x205: {  	v10 =	vshll.u32 v10, $0x7  }
0x206: {  	s9 =	sand.u32 $0x7F, s13;
	v10 =	vor.u32 v2, v10  }
0x207: {  	v10 =	vor.u32 s9, v10;
	_ =	sdelay $0x1  }
0x208: {  	s15 =	sor.u32 $0x10, s8  }
0x209: {  	v11 =	vmov s15  }
0x20a: {  	v11 =	vshll.u32 v11, $0x7  }
0x20b: {  	v11 =	vor.u32 v2, v11;
	v10 =	vld.idx.msk [tilespmem:v10+s18+$0x0], $0xffff  }
0x20c: {  	v11 =	vor.u32 s9, v11;
	_ =	sdelay $0x1  }
0x20d: {  	s16 =	sor.u32 $0x20, s8  }
0x20e: {  	s15 =	sand.u32 $0xFC0, s12;
	v12 =	vmov s16  }
0x20f: {  	[tilespmem:s15+$0x1F000] =	vst v10;
	v10 =	vshll.u32 v12, $0x7  }
0x210: {  	v11 =	vld.idx.msk [tilespmem:v11+s18+$0x0], $0xffff;
	v10 =	vor.u32 v2, v10  }
0x211: {  	v10 =	vor.u32 s9, v10;
	_ =	sdelay $0x1  }
0x212: {  	s8 =	sor.u32 $0x30, s8  }
0x213: {  	v62 =	vmov s8  }
0x214: {  	[tilespmem:s15+$0x1F010] =	vst v11;
	v11 =	vshll.u32 v62, $0x7  }
0x215: {  	v10 =	vld.idx.msk [tilespmem:v10+s18+$0x0], $0xffff;
	v11 =	vor.u32 v2, v11  }
0x216: {  	v11 =	vor.u32 s9, v11;
	_ =	sdelay $0x2  }
0x217: {  	p3 =	slt.s32 s30, $0x20;
	s8 =	sand.u32 $0x1F, s30  }
0x218: {  	p4 =	sne.s32 @!p3 s8, $0x0;
	[tilespmem:s15+$0x1F020] =	vst v10  }
0x219: {  	p3 =	por p3, p4;
	v10 =	vld.idx.msk [tilespmem:v11+s18+$0x0], $0xffff  }
.Ltmp26:
0x21a: {  	_ = 	snop;
	(pc) =	sbr.rel @p3 .LBB2_23-.Ltmp26, $2  }
0x21b: {  	_ =	sdelay $0x2  }
0x21c: {  	[tilespmem:s15+$0x1F030] =	vst v10  }
0x21d: {  	_ =	swait.ge [sflag:s28], $0x40  }
0x21e: {  	[sflag:s28] =	ssyncset.done $0x0  }
0x21f: {  	[sflag:s28] =	ssyncadd.s32 $0xFFFFFFC0  }
0x220: {  	_ =	swait.ge [sflag:s28], $0x40  }
0x221: {  	[sflag:s28] =	ssyncset.done $0x0  }
0x222: {  	[sflag:s28] =	ssyncadd.s32 $0xFFFFFFC0  }
0x223: {  	_ =	swait.ge [sflag:s28], $0x40  }
0x224: {  	[sflag:s28] =	ssyncset.done $0x0  }
0x225: {  	[sflag:s28] =	ssyncadd.s32 $0xFFFFFFC0  }
0x226: {  	_ =	swait.ge [sflag:s28], $0x40  }
0x227: {  	[sflag:s28] =	ssyncset.done $0x0  }
0x228: {  	[sflag:s28] =	ssyncadd.s32 $0xFFFFFFC0  }
0x229: {  	_ =	swait.ge [sflag:s28], $0x40  }
0x22a: {  	[sflag:s28] =	ssyncset.done $0x0  }
0x22b: {  	[sflag:s28] =	ssyncadd.s32 $0xFFFFFFC0  }
0x22c: {  	_ =	swait.ge [sflag:s28], $0x40  }
0x22d: {  	[sflag:s28] =	ssyncset.done $0x0  }
0x22e: {  	[sflag:s28] =	ssyncadd.s32 $0xFFFFFFC0  }
0x22f: {  	_ =	swait.ge [sflag:s28], $0x40  }
0x230: {  	[sflag:s28] =	ssyncset.done $0x0  }
0x231: {  	[sflag:s28] =	ssyncadd.s32 $0xFFFFFFC0  }
0x232: {  	_ =	swait.ge [sflag:s28], $0x40  }
0x233: {  	[sflag:s28] =	ssyncset.done $0x0  }
0x234: {  	[sflag:s28] =	ssyncadd.s32 $0xFFFFFFC0  }
0x235: {  	_ =	swait.ge [sflag:s28], $0x40  }
0x236: {  	[sflag:s28] =	ssyncset.done $0x0  }
0x237: {  	[sflag:s28] =	ssyncadd.s32 $0xFFFFFFC0  }
0x238: {  	_ =	swait.ge [sflag:s28], $0x40  }
0x239: {  	[sflag:s28] =	ssyncset.done $0x0  }
0x23a: {  	[sflag:s28] =	ssyncadd.s32 $0xFFFFFFC0  }
0x23b: {  	_ =	swait.ge [sflag:s28], $0x40  }
0x23c: {  	[sflag:s28] =	ssyncset.done $0x0  }
0x23d: {  	[sflag:s28] =	ssyncadd.s32 $0xFFFFFFC0  }
0x23e: {  	_ =	swait.ge [sflag:s28], $0x40  }
0x23f: {  	[sflag:s28] =	ssyncset.done $0x0  }
0x240: {  	[sflag:s28] =	ssyncadd.s32 $0xFFFFFFC0  }
0x241: {  	_ =	swait.ge [sflag:s28], $0x40  }
0x242: {  	[sflag:s28] =	ssyncset.done $0x0  }
0x243: {  	[sflag:s28] =	ssyncadd.s32 $0xFFFFFFC0  }
0x244: {  	_ =	swait.ge [sflag:s28], $0x40  }
0x245: {  	[sflag:s28] =	ssyncset.done $0x0  }
0x246: {  	[sflag:s28] =	ssyncadd.s32 $0xFFFFFFC0  }
0x247: {  	_ =	swait.ge [sflag:s28], $0x40  }
0x248: {  	[sflag:s28] =	ssyncset.done $0x0  }
0x249: {  	[sflag:s28] =	ssyncadd.s32 $0xFFFFFFC0  }
0x24a: {  	_ =	swait.ge [sflag:s28], $0x40  }
0x24b: {  	[sflag:s28] =	ssyncset.done $0x0  }
0x24c: {  	[sflag:s28] =	ssyncadd.s32 $0xFFFFFFC0  }
0x24d: {  	_ =	swait.ge [sflag:s28], $0x40  }
0x24e: {  	[sflag:s28] =	ssyncset.done $0x0  }
0x24f: {  	[sflag:s28] =	ssyncadd.s32 $0xFFFFFFC0  }
0x250: {  	_ =	swait.ge [sflag:s28], $0x40  }
0x251: {  	[sflag:s28] =	ssyncset.done $0x0  }
0x252: {  	[sflag:s28] =	ssyncadd.s32 $0xFFFFFFC0  }
0x253: {  	_ =	swait.ge [sflag:s28], $0x40  }
0x254: {  	[sflag:s28] =	ssyncset.done $0x0  }
0x255: {  	[sflag:s28] =	ssyncadd.s32 $0xFFFFFFC0  }
0x256: {  	_ =	swait.ge [sflag:s28], $0x40  }
0x257: {  	[sflag:s28] =	ssyncset.done $0x0  }
0x258: {  	[sflag:s28] =	ssyncadd.s32 $0xFFFFFFC0  }
0x259: {  	_ =	swait.ge [sflag:s28], $0x40  }
0x25a: {  	[sflag:s28] =	ssyncset.done $0x0  }
0x25b: {  	[sflag:s28] =	ssyncadd.s32 $0xFFFFFFC0  }
0x25c: {  	_ =	swait.ge [sflag:s28], $0x40  }
0x25d: {  	[sflag:s28] =	ssyncset.done $0x0  }
0x25e: {  	[sflag:s28] =	ssyncadd.s32 $0xFFFFFFC0  }
0x25f: {  	_ =	swait.ge [sflag:s28], $0x40  }
0x260: {  	[sflag:s28] =	ssyncset.done $0x0  }
0x261: {  	[sflag:s28] =	ssyncadd.s32 $0xFFFFFFC0  }
0x262: {  	_ =	swait.ge [sflag:s28], $0x40  }
0x263: {  	[sflag:s28] =	ssyncset.done $0x0  }
0x264: {  	[sflag:s28] =	ssyncadd.s32 $0xFFFFFFC0  }
0x265: {  	_ =	swait.ge [sflag:s28], $0x40  }
0x266: {  	[sflag:s28] =	ssyncset.done $0x0  }
0x267: {  	[sflag:s28] =	ssyncadd.s32 $0xFFFFFFC0  }
0x268: {  	_ =	swait.ge [sflag:s28], $0x40  }
0x269: {  	[sflag:s28] =	ssyncset.done $0x0  }
0x26a: {  	[sflag:s28] =	ssyncadd.s32 $0xFFFFFFC0  }
0x26b: {  	_ =	swait.ge [sflag:s28], $0x40  }
0x26c: {  	[sflag:s28] =	ssyncset.done $0x0  }
0x26d: {  	[sflag:s28] =	ssyncadd.s32 $0xFFFFFFC0  }
0x26e: {  	_ =	swait.ge [sflag:s28], $0x40  }
0x26f: {  	[sflag:s28] =	ssyncset.done $0x0  }
0x270: {  	[sflag:s28] =	ssyncadd.s32 $0xFFFFFFC0  }
0x271: {  	_ =	swait.ge [sflag:s28], $0x40  }
0x272: {  	[sflag:s28] =	ssyncset.done $0x0  }
0x273: {  	[sflag:s28] =	ssyncadd.s32 $0xFFFFFFC0  }
0x274: {  	_ =	swait.ge [sflag:s28], $0x40  }
0x275: {  	[sflag:s28] =	ssyncset.done $0x0  }
0x276: {  	[sflag:s28] =	ssyncadd.s32 $0xFFFFFFC0  }
0x277: {  	_ =	swait.ge [sflag:s28], $0x40  }
.Ltmp27:
0x278: {  	[sflag:s28] =	ssyncset.done $0x0;
	(pc) =	sbr.rel .LBB2_23-.Ltmp27, $4  }
0x279: {  	[sflag:s28] =	ssyncadd.s32 $0xFFFFFFC0  }
0x27a: {  	_ =	swait.ge [sflag:s28], $0x40  }
0x27b: {  	[sflag:s28] =	ssyncset.done $0x0  }
0x27c: {  	[sflag:s28] =	ssyncadd.s32 $0xFFFFFFC0  }
.LBB2_27:
.Ltmp28:
0x27d: {  	(pc) =	sbr.rel @p2 .LBB2_29-.Ltmp28, $1  }
0x27e: {  	_ =	sdelay $0x3  }
.LBB2_28:
0x27f: {  	_ =	swait.ge [sflag:s25], $0x8000  }
0x280: {  	[sflag:s25] =	ssyncset.done $0x0  }
0x281: {  	[sflag:s25] =	ssyncadd.s32 $0xFFFF8000  }
.LBB2_29:
.Ltmp29:
0x282: {  	(pc) =	sbr.rel @!p1 .LBB2_30-.Ltmp29, $4  }
.Ltmp30:
0x283: {  	(pc) =	sbr.rel @p1 .LBB2_36-.Ltmp30, $4  }
0x284: {  	_ = 	snop  }
0x285: {  	_ = 	snop  }
0x286: {  	s3 =	simm.s32 $0x0  }
0x287: {  	_ = 	snop  }
.LBB2_35:
0x288: {  	s3 =	sadd.s32 $0x1, s3  }
0x289: {  	p2 =	sne.s32 s3, s0  }
.Ltmp31:
0x28a: {  	_ = 	snop;
	(pc) =	sbr.rel @!p2 .LBB2_36-.Ltmp31, $1  }
0x28b: {  	_ =	sdelay $0x3  }
.LBB2_30:
0x28c: {  	s12 =	sshll.u32 s3, $0x4  }
0x28d: {  	v8 =	vld [tilespmem:s12+$0xD000];
	_ =	sdelay $0x4  }
0x28e: {  	v7 =	vor.u32 s12, v0;
	v9 =	vshrl.u32 v8, $0x2  }
0x28f: {  	vm0 =	vlt.s32 v7, v5;
	vm1 =	veq.s32 v9, v6  }
0x290: {  	vm0 =	vmand vm0, vm1  }
0x291: {  	v7 =	vsel vm0, $0x1, v3  }
0x292: {  	v7 =	vor.u32 $0x80000000, v7  }
0x293: {  	(xrf0) =	vmax.scan.msk.u32 $0xffff, v7;
	_ =	sdelay $0x5  }
0x294: {  	v7, _, _ =	vpop (xrf0)  }
0x295: {  	(v2sf) =	vpush v7, $0xF;
	_ =	sdelay $0xe  }
0x296: {  	s8 =	spop (v2sf)  }
0x297: {  	p2 =	slt.u32 s8, $0x80000001  }
.Ltmp32:
0x298: {  	_ = 	snop;
	(pc) =	sbr.rel @p2 .LBB2_35-.Ltmp32, $1  }
0x299: {  	_ =	sdelay $0x3  }
0x29a: {  	v7 =	vld [tilespmem:s12+$0xD800]  }
.Ltmp33:
0x29b: {  	_ = 	snop;
	(pc) =	sbr.rel .LBB2_32-.Ltmp33, $2  }
0x29c: {  	_ =	sdelay $0x2  }
0x29d: {  	v8 =	vxor.u32 $0x80000000, v8;
	s12 =	sshll.u32 s30, $0x6;
	v7 =	vxor.u32 $0x80000000, v7  }
.LBB2_34:
0x29e: {  	vm0 =	vmand vm0, vm1  }
0x29f: {  	v9 =	vsel vm0, $0x1, v3  }
0x2a0: {  	v9 =	vor.u32 $0x80000000, v9  }
0x2a1: {  	(xrf0) =	vmax.scan.msk.u32 $0xffff, v9;
	_ =	sdelay $0x5  }
0x2a2: {  	v9, _, _ =	vpop (xrf0)  }
0x2a3: {  	(v2sf) =	vpush v9, $0xF;
	_ =	sdelay $0xe  }
0x2a4: {  	s29 =	spop (v2sf)  }
0x2a5: {  	p2 =	sgt.u32 s29, $0x80000000  }
.Ltmp34:
0x2a6: {  	s8 =	sshrl.u32 s13, $0x4;
	(pc) =	sbr.rel @!p2 .LBB2_35-.Ltmp34, $4  }
0x2a7: {  	s8 =	sand.u32 $0xFFFFFF8, s8  }
0x2a8: {  	s9 =	sor.u32 $0x1F000, s15;
	s8 =	sxor.u32 $0x8000000, s8  }
0x2a9: {  	s30 =	sadd.s32 $0x1, s30;
	s12 =	sadd.s32 $0x40, s12;
	s8 =	sadd.s32 s5, s8  }
0x2aa: {  	[hbm4b:s8+s7] =	stream.linear.scatter [tilespmem:s9], [sflag:$0x5], $0x40, $0x38;
	v63 =	vld [tilespmem:$0x0]  }
.LBB2_32:
0x2ab: {  	v9 =	vmctz.xlane vm0;
	_ =	sdelay $0x1  }
0x2ac: {  	vm1 =	vne.s32 v9, v0  }
0x2ad: {  	v9 =	vsel vm1, $0x80000000, v7  }
0x2ae: {  	(xrf0) =	vmax.scan.msk.u32 $0xffff, v9;
	v9 =	vsel vm1, $0x80000000, v8  }
0x2af: {  	(xrf0) =	vmax.scan.msk.u32 $0xffff, v9;
	_ =	sdelay $0x4  }
0x2b0: {  	v9, _, _ =	vpop (xrf0)  }
0x2b1: {  	(v2sf) =	vpush v9, $0xF;
	v9, _, _ =	vpop (xrf0)  }
0x2b2: {  	(v2sf) =	vpush v9, $0xF;
	_ =	sdelay $0xd  }
0x2b3: {  	s13 =	spop (v2sf)  }
0x2b4: {  	s8 =	spop (v2sf)  }
0x2b5: {  	s8 =	sshll.u32 s8, $0x6  }
0x2b6: {  	s8 =	sand.u32 $0xC0, s8  }
0x2b7: {  	v9 =	vmov s8  }
0x2b8: {  	v9 =	vshll.u32 v9, $0x7  }
0x2b9: {  	s9 =	sand.u32 $0x7F, s13;
	v9 =	vor.u32 v2, v9  }
0x2ba: {  	v9 =	vor.u32 s9, v9;
	_ =	sdelay $0x1  }
0x2bb: {  	s15 =	sor.u32 $0x10, s8  }
0x2bc: {  	v10 =	vmov s15  }
0x2bd: {  	v10 =	vshll.u32 v10, $0x7  }
0x2be: {  	v10 =	vor.u32 v2, v10;
	v9 =	vld.idx.msk [tilespmem:v9+s19+$0x0], $0xffff  }
0x2bf: {  	v10 =	vor.u32 s9, v10;
	_ =	sdelay $0x1  }
0x2c0: {  	s16 =	sor.u32 $0x20, s8  }
0x2c1: {  	s15 =	sand.u32 $0xFC0, s12;
	v11 =	vmov s16  }
0x2c2: {  	[tilespmem:s15+$0x1F000] =	vst v9;
	v9 =	vshll.u32 v11, $0x7  }
0x2c3: {  	v10 =	vld.idx.msk [tilespmem:v10+s19+$0x0], $0xffff;
	v9 =	vor.u32 v2, v9  }
0x2c4: {  	v9 =	vor.u32 s9, v9;
	_ =	sdelay $0x1  }
0x2c5: {  	s8 =	sor.u32 $0x30, s8  }
0x2c6: {  	v11 =	vmov s8  }
0x2c7: {  	[tilespmem:s15+$0x1F010] =	vst v10;
	v10 =	vshll.u32 v11, $0x7  }
0x2c8: {  	v9 =	vld.idx.msk [tilespmem:v9+s19+$0x0], $0xffff;
	v10 =	vor.u32 v2, v10  }
0x2c9: {  	v10 =	vor.u32 s9, v10;
	_ =	sdelay $0x2  }
0x2ca: {  	p2 =	slt.s32 s30, $0x20;
	s8 =	sand.u32 $0x1F, s30  }
0x2cb: {  	p4 =	sne.s32 @!p2 s8, $0x0;
	[tilespmem:s15+$0x1F020] =	vst v9  }
0x2cc: {  	p2 =	por p2, p4;
	v9 =	vld.idx.msk [tilespmem:v10+s19+$0x0], $0xffff  }
.Ltmp35:
0x2cd: {  	_ = 	snop;
	(pc) =	sbr.rel @p2 .LBB2_34-.Ltmp35, $2  }
0x2ce: {  	_ =	sdelay $0x2  }
0x2cf: {  	[tilespmem:s15+$0x1F030] =	vst v9  }
0x2d0: {  	_ =	swait.ge [sflag:s28], $0x40  }
0x2d1: {  	[sflag:s28] =	ssyncset.done $0x0  }
0x2d2: {  	[sflag:s28] =	ssyncadd.s32 $0xFFFFFFC0  }
0x2d3: {  	_ =	swait.ge [sflag:s28], $0x40  }
0x2d4: {  	[sflag:s28] =	ssyncset.done $0x0  }
0x2d5: {  	[sflag:s28] =	ssyncadd.s32 $0xFFFFFFC0  }
0x2d6: {  	_ =	swait.ge [sflag:s28], $0x40  }
0x2d7: {  	[sflag:s28] =	ssyncset.done $0x0  }
0x2d8: {  	[sflag:s28] =	ssyncadd.s32 $0xFFFFFFC0  }
0x2d9: {  	_ =	swait.ge [sflag:s28], $0x40  }
0x2da: {  	[sflag:s28] =	ssyncset.done $0x0  }
0x2db: {  	[sflag:s28] =	ssyncadd.s32 $0xFFFFFFC0  }
0x2dc: {  	_ =	swait.ge [sflag:s28], $0x40  }
0x2dd: {  	[sflag:s28] =	ssyncset.done $0x0  }
0x2de: {  	[sflag:s28] =	ssyncadd.s32 $0xFFFFFFC0  }
0x2df: {  	_ =	swait.ge [sflag:s28], $0x40  }
0x2e0: {  	[sflag:s28] =	ssyncset.done $0x0  }
0x2e1: {  	[sflag:s28] =	ssyncadd.s32 $0xFFFFFFC0  }
0x2e2: {  	_ =	swait.ge [sflag:s28], $0x40  }
0x2e3: {  	[sflag:s28] =	ssyncset.done $0x0  }
0x2e4: {  	[sflag:s28] =	ssyncadd.s32 $0xFFFFFFC0  }
0x2e5: {  	_ =	swait.ge [sflag:s28], $0x40  }
0x2e6: {  	[sflag:s28] =	ssyncset.done $0x0  }
0x2e7: {  	[sflag:s28] =	ssyncadd.s32 $0xFFFFFFC0  }
0x2e8: {  	_ =	swait.ge [sflag:s28], $0x40  }
0x2e9: {  	[sflag:s28] =	ssyncset.done $0x0  }
0x2ea: {  	[sflag:s28] =	ssyncadd.s32 $0xFFFFFFC0  }
0x2eb: {  	_ =	swait.ge [sflag:s28], $0x40  }
0x2ec: {  	[sflag:s28] =	ssyncset.done $0x0  }
0x2ed: {  	[sflag:s28] =	ssyncadd.s32 $0xFFFFFFC0  }
0x2ee: {  	_ =	swait.ge [sflag:s28], $0x40  }
0x2ef: {  	[sflag:s28] =	ssyncset.done $0x0  }
0x2f0: {  	[sflag:s28] =	ssyncadd.s32 $0xFFFFFFC0  }
0x2f1: {  	_ =	swait.ge [sflag:s28], $0x40  }
0x2f2: {  	[sflag:s28] =	ssyncset.done $0x0  }
0x2f3: {  	[sflag:s28] =	ssyncadd.s32 $0xFFFFFFC0  }
0x2f4: {  	_ =	swait.ge [sflag:s28], $0x40  }
0x2f5: {  	[sflag:s28] =	ssyncset.done $0x0  }
0x2f6: {  	[sflag:s28] =	ssyncadd.s32 $0xFFFFFFC0  }
0x2f7: {  	_ =	swait.ge [sflag:s28], $0x40  }
0x2f8: {  	[sflag:s28] =	ssyncset.done $0x0  }
0x2f9: {  	[sflag:s28] =	ssyncadd.s32 $0xFFFFFFC0  }
0x2fa: {  	_ =	swait.ge [sflag:s28], $0x40  }
0x2fb: {  	[sflag:s28] =	ssyncset.done $0x0  }
0x2fc: {  	[sflag:s28] =	ssyncadd.s32 $0xFFFFFFC0  }
0x2fd: {  	_ =	swait.ge [sflag:s28], $0x40  }
0x2fe: {  	[sflag:s28] =	ssyncset.done $0x0  }
0x2ff: {  	[sflag:s28] =	ssyncadd.s32 $0xFFFFFFC0  }
0x300: {  	_ =	swait.ge [sflag:s28], $0x40  }
0x301: {  	[sflag:s28] =	ssyncset.done $0x0  }
0x302: {  	[sflag:s28] =	ssyncadd.s32 $0xFFFFFFC0  }
0x303: {  	_ =	swait.ge [sflag:s28], $0x40  }
0x304: {  	[sflag:s28] =	ssyncset.done $0x0  }
0x305: {  	[sflag:s28] =	ssyncadd.s32 $0xFFFFFFC0  }
0x306: {  	_ =	swait.ge [sflag:s28], $0x40  }
0x307: {  	[sflag:s28] =	ssyncset.done $0x0  }
0x308: {  	[sflag:s28] =	ssyncadd.s32 $0xFFFFFFC0  }
0x309: {  	_ =	swait.ge [sflag:s28], $0x40  }
0x30a: {  	[sflag:s28] =	ssyncset.done $0x0  }
0x30b: {  	[sflag:s28] =	ssyncadd.s32 $0xFFFFFFC0  }
0x30c: {  	_ =	swait.ge [sflag:s28], $0x40  }
0x30d: {  	[sflag:s28] =	ssyncset.done $0x0  }
0x30e: {  	[sflag:s28] =	ssyncadd.s32 $0xFFFFFFC0  }
0x30f: {  	_ =	swait.ge [sflag:s28], $0x40  }
0x310: {  	[sflag:s28] =	ssyncset.done $0x0  }
0x311: {  	[sflag:s28] =	ssyncadd.s32 $0xFFFFFFC0  }
0x312: {  	_ =	swait.ge [sflag:s28], $0x40  }
0x313: {  	[sflag:s28] =	ssyncset.done $0x0  }
0x314: {  	[sflag:s28] =	ssyncadd.s32 $0xFFFFFFC0  }
0x315: {  	_ =	swait.ge [sflag:s28], $0x40  }
0x316: {  	[sflag:s28] =	ssyncset.done $0x0  }
0x317: {  	[sflag:s28] =	ssyncadd.s32 $0xFFFFFFC0  }
0x318: {  	_ =	swait.ge [sflag:s28], $0x40  }
0x319: {  	[sflag:s28] =	ssyncset.done $0x0  }
0x31a: {  	[sflag:s28] =	ssyncadd.s32 $0xFFFFFFC0  }
0x31b: {  	_ =	swait.ge [sflag:s28], $0x40  }
0x31c: {  	[sflag:s28] =	ssyncset.done $0x0  }
0x31d: {  	[sflag:s28] =	ssyncadd.s32 $0xFFFFFFC0  }
0x31e: {  	_ =	swait.ge [sflag:s28], $0x40  }
0x31f: {  	[sflag:s28] =	ssyncset.done $0x0  }
0x320: {  	[sflag:s28] =	ssyncadd.s32 $0xFFFFFFC0  }
0x321: {  	_ =	swait.ge [sflag:s28], $0x40  }
0x322: {  	[sflag:s28] =	ssyncset.done $0x0  }
0x323: {  	[sflag:s28] =	ssyncadd.s32 $0xFFFFFFC0  }
0x324: {  	_ =	swait.ge [sflag:s28], $0x40  }
0x325: {  	[sflag:s28] =	ssyncset.done $0x0  }
0x326: {  	[sflag:s28] =	ssyncadd.s32 $0xFFFFFFC0  }
0x327: {  	_ =	swait.ge [sflag:s28], $0x40  }
0x328: {  	[sflag:s28] =	ssyncset.done $0x0  }
0x329: {  	[sflag:s28] =	ssyncadd.s32 $0xFFFFFFC0  }
0x32a: {  	_ =	swait.ge [sflag:s28], $0x40  }
.Ltmp36:
0x32b: {  	[sflag:s28] =	ssyncset.done $0x0;
	(pc) =	sbr.rel .LBB2_34-.Ltmp36, $4  }
0x32c: {  	[sflag:s28] =	ssyncadd.s32 $0xFFFFFFC0  }
0x32d: {  	_ =	swait.ge [sflag:s28], $0x40  }
0x32e: {  	[sflag:s28] =	ssyncset.done $0x0  }
0x32f: {  	[sflag:s28] =	ssyncadd.s32 $0xFFFFFFC0  }
.LBB2_37:
0x330: {  	p0 =	sgt.s32 s6, $0x1;
	s0 =	smov.u32 s6  }
0x331: {  	s0 =	simm.s32 @!p0 $0x1  }
0x332: {  	s0 =	sadd.s32 $0xFFFFFFFF, s0  }
0x333: {  	s0 =	sand.u32 $0xFFFFFFE0, s0  }
0x334: {  	s0 =	ssub.s32 s6, s0  }
0x335: {  	p0 =	sgt.s32 s0, $0x0  }
.Ltmp37:
0x336: {  	_ = 	snop;
	(pc) =	sbr.rel @!p0 .LBB2_38-.Ltmp37, $2  }
0x337: {  	_ =	sdelay $0x2  }
0x338: {  	s1 =	rddreg [dreg:$0xc]  }
0x339: {  	p0 =	seq.s32 s0, $0x1  }
.Ltmp38:
0x33a: {  	_ = 	snop;
	(pc) =	sbr.rel @p0 .LBB2_46-.Ltmp38, $3  }
0x33b: {  	_ =	sdelay $0x1  }
0x33c: {  	_ =	swait.ge [sflag:s26], $0x40  }
0x33d: {  	s0 =	sadd.s32 $0xFFFFFFFF, s0;
	[sflag:s26] =	ssyncset.done $0x0  }
.LBB2_45:
0x33e: {  	p0 =	seq.s32 s0, $0x1;
	s0 =	sadd.s32 $0xFFFFFFFF, s0;
	[sflag:s26] =	ssyncadd.s32 $0xFFFFFFC0  }
.Ltmp39:
0x33f: {  	(pc) =	sbr.rel @!p0 .LBB2_45-.Ltmp39, $3  }
0x340: {  	_ =	sdelay $0x1  }
0x341: {  	_ =	swait.ge [sflag:s26], $0x40  }
0x342: {  	[sflag:s26] =	ssyncset.done $0x0  }
.LBB2_46:
0x343: {  	[sflag:s26] =	ssyncadd.s32 $0xFFFFFFC0  }
.LBB2_38:
0x344: {  	p0 =	sgt.s32 s30, $0x1;
	s0 =	smov.u32 s30  }
0x345: {  	s0 =	simm.s32 @!p0 $0x1  }
0x346: {  	s0 =	sadd.s32 $0xFFFFFFFF, s0  }
0x347: {  	s0 =	sand.u32 $0xFFFFFFE0, s0  }
0x348: {  	s0 =	ssub.s32 s30, s0  }
0x349: {  	p0 =	sgt.s32 s0, $0x0  }
.Ltmp40:
0x34a: {  	_ = 	snop;
	(pc) =	sbr.rel @!p0 .LBB2_42-.Ltmp40, $1  }
0x34b: {  	_ =	sdelay $0x3  }
0x34c: {  	p0 =	sne.s32 s0, $0x1  }
.Ltmp41:
0x34d: {  	_ = 	snop;
	(pc) =	sbr.rel @!p0 .LBB2_41-.Ltmp41, $3  }
0x34e: {  	_ =	sdelay $0x1  }
0x34f: {  	_ =	swait.ge [sflag:s28], $0x40  }
0x350: {  	s0 =	sadd.s32 $0xFFFFFFFF, s0;
	[sflag:s28] =	ssyncset.done $0x0  }
.LBB2_40:
0x351: {  	p0 =	sne.s32 s0, $0x1;
	s0 =	sadd.s32 $0xFFFFFFFF, s0;
	[sflag:s28] =	ssyncadd.s32 $0xFFFFFFC0  }
.Ltmp42:
0x352: {  	(pc) =	sbr.rel @p0 .LBB2_40-.Ltmp42, $3  }
0x353: {  	_ =	sdelay $0x1  }
0x354: {  	_ =	swait.ge [sflag:s28], $0x40  }
0x355: {  	[sflag:s28] =	ssyncset.done $0x0  }
.Ltmp43:
0x356: {  	_ = 	snop;
	(pc) =	sbr.rel .LBB2_41-.Ltmp43, $1  }
0x357: {  	_ =	sdelay $0x3  }
.LBB2_43:
0x358: {  	_ =	sfence.sel $0x180000  }
0x359: {  	[bflag:$0x0] =	sbarrier.arrive $0xFFFF  }
0x35a: {  	_ =	strace $0x90000047  }
0x35b: {  	s0 =	stileid.u32;
	[bflag:$0x2] =	sbarrier.arrive $0xFFFF  }
0x35c: {  	p0 =	sne.s32 s0, $0x0;
	s0 =	rddreg [dreg:$0x6]  }
0x35d: {  	s0 =	sadd.s32 @!p0 $0x100000, s0  }
0x35e: {  	[sflag:s0] =	ssyncadd.tile.s32 @!p0 $0x1;
	_ =	shalt  }
.Lfunc_end2:
_tile_overlayer_lowered:
.L_overlay_start_2:
0x35f: {  	(tag) =	ssettag $0x2  }
0x360: {  	s0 =	rddreg [dreg:$0x0];
	s2 =	stileid.u32  }
0x361: {  	s1 =	rddreg [dreg:$0x1];
	p0 =	sne.s32 s2, $0x0  }
0x362: {  	s3 =	rddreg [dreg:$0x2];
	[bflag:$0x3] =	sbarrier.arrive $0xFFFF;
	s2 =	simm.s32 @!p0 $0x1C06  }
0x363: {  	[timem:s3], [sflag:s2] =	dma.local @!p0 [hbm:s0], s1  }
0x364: {  	s0 =	simm.s32 @!p0 $0x6  }
0x365: {  	_ =	swait.ge @!p0 [sflag:s0], s1  }
0x366: {  	s1 =	ssub.s32 @!p0 $0x0, s1;
	[sflag:s0] =	ssyncset.done @!p0 $0x0  }
0x367: {  	[sflag:s0] =	ssyncadd.s32 @!p0 s1  }
0x368: {  	[bflag:$0x3] =	sbarrier.arrive $0xFFFF  }
0x369: {  	_ =	shalt  }

</sc_bundles>
